<compile_context>
chip_gen: v7x
topology: tpu7x:2x2x1
jax: 0.10.2.dev20260603
libtpu: 0.0.44.dev20260713+nightly
codegen_flags: <defaults>
</compile_context>

<pallas_src>
import functools

import jax
import jax.numpy as jnp
from jax import lax
from jax.experimental import pallas as pl
from jax.experimental.pallas import tpu as pltpu
from jax.experimental.pallas import tpu_sc as plsc

N_NODES = 10000
D = 128
EPS = 1e-5

NC = 2
NS = 16
NW = NC * NS
CHUNK = 112
DEG_W = 128
N_PAD = 10240
ROWS_PT = N_PAD // NS

_MESH = dict(core_axis_name="c", subcore_axis_name="s", num_cores=NC,
             num_subcores=NS)


NBUF = 3
IBLK = 6
LA = NBUF - 1


@functools.lru_cache(maxsize=None)
def _deg_kernel(nch):

  @functools.partial(
      pl.kernel,
      out_type=jax.ShapeDtypeStruct((NC, N_PAD, DEG_W), jnp.float32),
      mesh=plsc.VectorSubcoreMesh(**_MESH),
      scratch_types=[
          pltpu.VMEM((nch, CHUNK), jnp.int32),
          pltpu.VMEM((CHUNK, DEG_W), jnp.float32),
          pltpu.VMEM_SHARED((N_PAD, DEG_W), jnp.float32),
          pltpu.SemaphoreType.DMA,
      ],
  )
  def deg(dst_hbm, ones_hbm, zeros_hbm, out_hbm, didx_v, ones_v, acc_sh, sem):
    cid = lax.axis_index("c")
    sid = lax.axis_index("s")
    wid = cid * NS + sid
    pltpu.sync_copy(zeros_hbm, acc_sh.at[pl.ds(sid * ROWS_PT, ROWS_PT)])
    pltpu.sync_copy(ones_hbm, ones_v)
    pltpu.sync_copy(dst_hbm.at[wid], didx_v)
    plsc.subcore_barrier()

    def fire(c, carry):
      pltpu.async_copy(ones_v, acc_sh.at[didx_v.at[c]], sem, add=True)
      return carry

    lax.fori_loop(0, nch, fire, 0)

    def drain(c, carry):
      pltpu.make_async_copy(ones_v, acc_sh.at[didx_v.at[c]], sem).wait()
      return carry

    lax.fori_loop(0, nch, drain, 0)
    plsc.subcore_barrier()
    pltpu.sync_copy(acc_sh.at[pl.ds(sid * ROWS_PT, ROWS_PT)],
                    out_hbm.at[cid, pl.ds(sid * ROWS_PT, ROWS_PT)])

  return deg


@functools.lru_cache(maxsize=None)
def _scatter_kernel(nch):
  nblk = nch // IBLK
  assert nch % NBUF == 0 and IBLK % NBUF == 0

  @functools.partial(
      pl.kernel,
      out_type=jax.ShapeDtypeStruct((NC, N_PAD, D), jnp.float32),
      mesh=plsc.VectorSubcoreMesh(**_MESH),
      scratch_types=[
          pltpu.VMEM((2, IBLK, CHUNK), jnp.int32),
          pltpu.VMEM((2, IBLK, CHUNK), jnp.int32),
          pltpu.VMEM((NBUF, CHUNK, D), jnp.float32),
          pltpu.VMEM_SHARED((N_PAD, D), jnp.float32),
          pltpu.SemaphoreType.DMA,
          pltpu.SemaphoreType.DMA((NBUF,)),
          pltpu.SemaphoreType.DMA((NBUF,)),
      ],
  )
  def scat(g_hbm, src_hbm, dst_hbm, zeros_hbm, out_hbm,
           sidx_v, didx_v, rows_v, acc_sh, isem, gsem, ssem):
    cid = lax.axis_index("c")
    sid = lax.axis_index("s")
    wid = cid * NS + sid
    pltpu.sync_copy(zeros_hbm, acc_sh.at[pl.ds(sid * ROWS_PT, ROWS_PT)])
    pltpu.sync_copy(src_hbm.at[wid, 0], sidx_v.at[0])
    pltpu.sync_copy(dst_hbm.at[wid, 0], didx_v.at[0])
    for b in range(LA):
      pltpu.async_copy(g_hbm.at[sidx_v.at[0, b]], rows_v.at[b], gsem.at[b])
    plsc.subcore_barrier()

    def blk_body(blk, carry):
      p = lax.rem(blk, 2)
      pn = 1 - p
      for k in range(IBLK):
        q = k % NBUF
        qp = (k - 1) % NBUF
        pltpu.make_async_copy(g_hbm.at[sidx_v.at[p, k]], rows_v.at[q],
                              gsem.at[q]).wait()
        pltpu.async_copy(rows_v.at[q], acc_sh.at[didx_v.at[p, k]],
                         ssem.at[q], add=True)
        if k == 0:
          @pl.when(blk > 0)
          def _():
            pltpu.make_async_copy(rows_v.at[qp], acc_sh.at[didx_v.at[p, 0]],
                                  ssem.at[qp]).wait()

          @pl.when(blk + 1 < nblk)
          def _():
            pltpu.async_copy(src_hbm.at[wid, blk + 1], sidx_v.at[pn], isem)
            pltpu.async_copy(dst_hbm.at[wid, blk + 1], didx_v.at[pn], isem)
        else:
          pltpu.make_async_copy(rows_v.at[qp], acc_sh.at[didx_v.at[p, k]],
                                ssem.at[qp]).wait()
        if k < IBLK - LA:
          pltpu.async_copy(g_hbm.at[sidx_v.at[p, k + LA]], rows_v.at[qp],
                           gsem.at[qp])
        else:
          kk = k + LA - IBLK

          if kk == 0:
            @pl.when(blk + 1 < nblk)
            def _():
              pltpu.make_async_copy(src_hbm.at[wid, blk + 1], sidx_v.at[pn],
                                    isem).wait()
              pltpu.make_async_copy(dst_hbm.at[wid, blk + 1], didx_v.at[pn],
                                    isem).wait()

          @pl.when(blk + 1 < nblk)
          def _():
            pltpu.async_copy(g_hbm.at[sidx_v.at[pn, kk]], rows_v.at[qp],
                             gsem.at[qp])

      return carry

    lax.fori_loop(0, nblk, blk_body, 0)
    q_last = (IBLK - 1) % NBUF
    p_last = (nblk - 1) % 2
    pltpu.make_async_copy(rows_v.at[q_last],
                          acc_sh.at[didx_v.at[p_last, IBLK - 1]],
                          ssem.at[q_last]).wait()
    plsc.subcore_barrier()
    pltpu.sync_copy(acc_sh.at[pl.ds(sid * ROWS_PT, ROWS_PT)],
                    out_hbm.at[cid, pl.ds(sid * ROWS_PT, ROWS_PT)])

  return scat


BR = 512
BR3 = 400


def _mm_body(x_ref, w_ref, u_ref):
  u_ref[...] = jnp.dot(x_ref[...], w_ref[...],
                       preferred_element_type=jnp.float32)


def _b1_body(u_ref, d0_ref, d1_ref, g_ref, dinv_ref):
  deg = d0_ref[0][:, 0:1] + d1_ref[0][:, 0:1] + 1.0
  dinv = lax.rsqrt(deg)
  g_ref[...] = u_ref[...] * dinv
  dinv_ref[...] = jnp.broadcast_to(dinv, dinv_ref.shape)


def _post_block(p0, p1, g_ref, dinv, b_ref, lw_ref, lb_ref, a_ref):
  h = (p0 + p1 + g_ref[...]) * dinv + b_ref[...]
  h = jnp.where(h >= 0, h, a_ref[...] * h)
  mu = jnp.mean(h, axis=-1, keepdims=True)
  var = jnp.mean((h - mu) ** 2, axis=-1, keepdims=True)
  return (h - mu) * lax.rsqrt(var + EPS) * lw_ref[...] + lb_ref[...]


def _b2_body(p0_ref, p1_ref, g1_ref, dv_ref, b_ref, lw_ref, lb_ref,
             a_ref, w_ref, out_ref):
  dinv = dv_ref[...][:, 0:1]
  h = _post_block(p0_ref[0], p1_ref[0], g1_ref, dinv, b_ref, lw_ref, lb_ref,
                  a_ref)
  out_ref[...] = jnp.dot(h, w_ref[...],
                         preferred_element_type=jnp.float32) * dinv


def _b3_body(p0_ref, p1_ref, g2_ref, dv_ref, b_ref, lw_ref, lb_ref,
             a_ref, out_ref):
  dinv = dv_ref[...][:, 0:1]
  out_ref[...] = _post_block(p0_ref[0], p1_ref[0], g2_ref, dinv, b_ref,
                             lw_ref, lb_ref, a_ref)


def _row_spec():
  return pl.BlockSpec((BR, D), lambda i: (i, 0))


def _part_spec(c):
  return pl.BlockSpec((1, BR, D), lambda i, c=c: (c, i, 0))


def _degp_spec(c):
  return pl.BlockSpec((1, BR, DEG_W), lambda i, c=c: (c, i, 0))


def _dinv_spec():
  return pl.BlockSpec((BR, 8), lambda i: (i, 0))


def _vec_spec():
  return pl.BlockSpec((1, D), lambda i: (0, 0))


def _full_spec():
  return pl.BlockSpec((D, D), lambda i: (0, 0))


_GRID = (N_PAD // BR,)
_ROWS_OUT = jax.ShapeDtypeStruct((N_PAD, D), jnp.float32)


def kernel(x, edge_index, W1, b1, W2, b2, prelu_a, ln_w, ln_b):
  e = edge_index.shape[1]
  ept = -(-e // (NW * CHUNK * IBLK)) * CHUNK * IBLK
  e_pad = ept * NW
  nch = ept // CHUNK
  pad = N_NODES + jnp.arange(e_pad - e, dtype=jnp.int32) % (N_PAD - N_NODES)
  nblk = nch // IBLK
  src3 = jnp.concatenate([edge_index[0].astype(jnp.int32), pad])
  src3 = src3.reshape(NW, nblk, IBLK, CHUNK)
  dstf = jnp.concatenate([edge_index[1].astype(jnp.int32), pad])
  dst3 = dstf.reshape(NW, nblk, IBLK, CHUNK)
  dst = dstf.reshape(NW, nch, CHUNK)
  x_pad = jnp.pad(x, ((0, N_PAD - N_NODES), (0, 0)))

  ones_c = jnp.ones((CHUNK, DEG_W), jnp.float32)
  zeros_d = jnp.zeros((ROWS_PT, DEG_W), jnp.float32)
  zeros_r = jnp.zeros((ROWS_PT, D), jnp.float32)

  b1v = b1.reshape(1, D)
  b2v = b2.reshape(1, D)
  lwv = ln_w.reshape(1, D)
  lbv = ln_b.reshape(1, D)
  av = jnp.broadcast_to(prelu_a.reshape(1, 1), (1, D))

  degp = _deg_kernel(nch)(dst, ones_c, zeros_d)

  u1 = pl.pallas_call(
      _mm_body,
      grid=_GRID,
      in_specs=[_row_spec(), _full_spec()],
      out_specs=_row_spec(),
      out_shape=_ROWS_OUT,
  )(x_pad, W1)

  g1, dinv = pl.pallas_call(
      _b1_body,
      grid=_GRID,
      in_specs=[_row_spec(), _degp_spec(0), _degp_spec(1)],
      out_specs=[_row_spec(), _dinv_spec()],
      out_shape=[_ROWS_OUT, jax.ShapeDtypeStruct((N_PAD, 8), jnp.float32)],
  )(u1, degp, degp)

  p = _scatter_kernel(nch)(g1, src3, dst3, zeros_r)

  g2 = pl.pallas_call(
      _b2_body,
      grid=_GRID,
      in_specs=[_part_spec(0), _part_spec(1), _row_spec(), _dinv_spec(),
                _vec_spec(), _vec_spec(), _vec_spec(), _vec_spec(),
                _full_spec()],
      out_specs=_row_spec(),
      out_shape=_ROWS_OUT,
  )(p, p, g1, dinv, b1v, lwv, lbv, av, W2)

  p2 = _scatter_kernel(nch)(g2, src3, dst3, zeros_r)

  out = pl.pallas_call(
      _b3_body,
      grid=(N_NODES // BR3,),
      in_specs=[
          pl.BlockSpec((1, BR3, D), lambda i: (0, i, 0)),
          pl.BlockSpec((1, BR3, D), lambda i: (1, i, 0)),
          pl.BlockSpec((BR3, D), lambda i: (i, 0)),
          pl.BlockSpec((BR3, 8), lambda i: (i, 0)),
          _vec_spec(), _vec_spec(), _vec_spec(), _vec_spec(),
      ],
      out_specs=pl.BlockSpec((BR3, D), lambda i: (i, 0)),
      out_shape=jax.ShapeDtypeStruct((N_NODES, D), jnp.float32),
  )(p2, p2, g2, dinv, b2v, lwv, lbv, av)

  return out

# --- scband reference (transcript-rebuilt; emitter-appended) ---
"""Pipeline reference for scband-gnntwo-layer-79422535238248 (READ-ONLY COPY).

The authoritative reference and input builder live on the scoring server;
editing this copy changes nothing except your own understanding.
"""

import jax, jax.numpy as jnp
import numpy as np

N_NODES = 10000
D = 128
E = 320000
EPS = 1e-5


def gcn_conv(x, edge_index, W, b):
    n = x.shape[0]
    src = edge_index[0]
    dst = edge_index[1]
    loop = jnp.arange(n, dtype=edge_index.dtype)
    src = jnp.concatenate([src, loop])
    dst = jnp.concatenate([dst, loop])
    ew = jnp.ones(src.shape[0], dtype=x.dtype)
    deg = jnp.zeros((n,), dtype=x.dtype).at[dst].add(ew)
    dinv = 1.0 / jnp.sqrt(deg)  # deg >= 1 due to self loops
    norm = dinv[src] * dinv[dst] * ew
    h = x @ W
    msg = h[src] * norm[:, None]
    out = jnp.zeros((n, W.shape[1]), dtype=x.dtype).at[dst].add(msg)
    return out + b


def prelu(h, a):
    return jnp.where(h >= 0, h, a * h)


def layer_norm(h, w, b):
    mu = jnp.mean(h, axis=-1, keepdims=True)
    var = jnp.mean((h - mu) ** 2, axis=-1, keepdims=True)
    return (h - mu) / jnp.sqrt(var + EPS) * w + b


def setup_inputs(seed: int = 0) -> dict:
    key = jax.random.key(seed)
    ks = jax.random.split(key, 6)
    x = jax.random.normal(ks[0], (N_NODES, D), dtype=jnp.float32)
    edge_index = jax.random.randint(ks[1], (2, E), 0, N_NODES, dtype=jnp.int32)
    scale = 1.0 / np.sqrt(D)
    W1 = jax.random.normal(ks[2], (D, D), dtype=jnp.float32) * scale
    b1 = jnp.zeros((D,), dtype=jnp.float32)
    W2 = jax.random.normal(ks[3], (D, D), dtype=jnp.float32) * scale
    b2 = jnp.zeros((D,), dtype=jnp.float32)
    prelu_a = jnp.asarray(0.25, dtype=jnp.float32)
    ln_w = jnp.ones((D,), dtype=jnp.float32)
    ln_b = jnp.zeros((D,), dtype=jnp.float32)
    return {"x": x, "edge_index": edge_index, "W1": W1, "b1": b1, "W2": W2, "b2": b2, "prelu_a": prelu_a, "ln_w": ln_w, "ln_b": ln_b}


def reference(x, edge_index, W1, b1, W2, b2, prelu_a, ln_w, ln_b):
    # eval mode: dropout is identity
    h1 = gcn_conv(x, edge_index, W1, b1)
    h1 = prelu(h1, prelu_a)
    h1 = layer_norm(h1, ln_w, ln_b)
    h2 = gcn_conv(h1, edge_index, W2, b2)
    h2 = prelu(h2, prelu_a)
    h2 = layer_norm(h2, ln_w, ln_b)
    return h2

if __name__ == "__main__":
    import jax
    _d = setup_inputs()
    print(jax.jit(kernel)(*tuple(_d.values())))

</pallas_src>

<mosaic_0001>
#map = affine_map<(d0, d1) -> (0, 0, 0)>
#map1 = affine_map<(d0, d1) -> (0, 0)>
module attributes {stable_mosaic.version = 14 : i64} {
  func.func @deg(%arg0: i32, %arg1: i32, %arg2: memref<32x90x112xi32, #tpu.memory_space<hbm>>, %arg3: memref<112x128xf32, #tpu.memory_space<hbm>>, %arg4: memref<640x128xf32, #tpu.memory_space<hbm>>, %arg5: memref<2x10240x128xf32, #tpu.memory_space<hbm>>, %arg6: memref<90x112xi32, #tpu.memory_space<vmem>>, %arg7: memref<112x128xf32, #tpu.memory_space<vmem>>, %arg8: memref<10240x128xf32, #tpu.memory_space<vmem_shared>>, %arg9: memref<!tpu.dma_semaphore, #tpu.memory_space<semaphore_mem>>) attributes {dimension_semantics = [#tpu.dimension_semantics<core_parallel>, #tpu.dimension_semantics<subcore_parallel>], iteration_bounds = array<i64: 2, 16>, scalar_prefetch = 0 : i64, scratch_operands = 4 : i64, tpu.core_type = #tpu.core_type<sc_vector_subcore>, window_params = [{transform_indices = #map}, {transform_indices = #map1}, {transform_indices = #map1}, {transform_indices = #map}]} {
    %mul3A = arith.constant 16 : i32
    %mul3A_0 = arith.muli %arg0, %mul3A : i32
    %add3A = arith.addi %mul3A_0, %arg1 : i32
    %mul3A_1 = arith.constant 640 : i32
    %mul3A_2 = arith.muli %arg1, %mul3A_1 : i32
    "tpu.region"() ({
      %run_scoped3A = tpu.sem_alloc : memref<!tpu.dma_semaphore, #tpu.memory_space<semaphore_mem>>
      %dma_start3A = arith.constant 0 : i32
      %dma_start3A_19 = tpu.memref_slice %arg8[%mul3A_2, %dma_start3A] : memref<10240x128xf32, #tpu.memory_space<vmem_shared>> -> memref<640x128xf32, #tpu.memory_space<vmem_shared>>
      tpu.enqueue_dma source(%arg4 : memref<640x128xf32, #tpu.memory_space<hbm>>) target(%dma_start3A_19 : memref<640x128xf32, #tpu.memory_space<vmem_shared>>) target_semaphore(%run_scoped3A : memref<!tpu.dma_semaphore, #tpu.memory_space<semaphore_mem>>)
      %dma_wait3A = arith.constant 0 : i32
      %dma_wait3A_20 = tpu.memref_slice %arg8[%mul3A_2, %dma_wait3A] : memref<10240x128xf32, #tpu.memory_space<vmem_shared>> -> memref<640x128xf32, #tpu.memory_space<vmem_shared>>
      tpu.wait_dma2 semaphore(%run_scoped3A : memref<!tpu.dma_semaphore, #tpu.memory_space<semaphore_mem>>) src(%arg4 : memref<640x128xf32, #tpu.memory_space<hbm>>) dst(%dma_wait3A_20 : memref<640x128xf32, #tpu.memory_space<vmem_shared>>)
      tpu.yield
    }) : () -> ()
    "tpu.region"() ({
      %run_scoped3A = tpu.sem_alloc : memref<!tpu.dma_semaphore, #tpu.memory_space<semaphore_mem>>
      tpu.enqueue_dma source(%arg3 : memref<112x128xf32, #tpu.memory_space<hbm>>) target(%arg7 : memref<112x128xf32, #tpu.memory_space<vmem>>) target_semaphore(%run_scoped3A : memref<!tpu.dma_semaphore, #tpu.memory_space<semaphore_mem>>)
      tpu.wait_dma2 semaphore(%run_scoped3A : memref<!tpu.dma_semaphore, #tpu.memory_space<semaphore_mem>>) src(%arg3 : memref<112x128xf32, #tpu.memory_space<hbm>>) dst(%arg7 : memref<112x128xf32, #tpu.memory_space<vmem>>)
      tpu.yield
    }) : () -> ()
    "tpu.region"() ({
      %run_scoped3A = tpu.sem_alloc : memref<!tpu.dma_semaphore, #tpu.memory_space<semaphore_mem>>
      %dma_start3A = arith.constant 0 : i32
      %dma_start3A_19 = arith.constant 0 : i32
      %dma_start3A_20 = tpu.memref_slice %arg2[%add3A, %dma_start3A, %dma_start3A_19] : memref<32x90x112xi32, #tpu.memory_space<hbm>> -> memref<1x90x112xi32, #tpu.memory_space<hbm>>
      %dma_start3A_21 = tpu.memref_squeeze %dma_start3A_20 : memref<1x90x112xi32, #tpu.memory_space<hbm>> -> memref<90x112xi32, #tpu.memory_space<hbm>>
      %dma_start3A_22 = arith.constant 0 : i32
      %dma_start3A_23 = arith.constant 0 : i32
      %dma_start3A_24 = tpu.memref_slice %arg2[%add3A, %dma_start3A_22, %dma_start3A_23] : memref<32x90x112xi32, #tpu.memory_space<hbm>> -> memref<1x90x112xi32, #tpu.memory_space<hbm>>
      %dma_start3A_25 = tpu.memref_squeeze %dma_start3A_24 : memref<1x90x112xi32, #tpu.memory_space<hbm>> -> memref<90x112xi32, #tpu.memory_space<hbm>>
      tpu.enqueue_dma source(%dma_start3A_25 : memref<90x112xi32, #tpu.memory_space<hbm>>) target(%arg6 : memref<90x112xi32, #tpu.memory_space<vmem>>) target_semaphore(%run_scoped3A : memref<!tpu.dma_semaphore, #tpu.memory_space<semaphore_mem>>)
      %dma_wait3A = arith.constant 0 : i32
      %dma_wait3A_26 = arith.constant 0 : i32
      %dma_wait3A_27 = tpu.memref_slice %arg2[%add3A, %dma_wait3A, %dma_wait3A_26] : memref<32x90x112xi32, #tpu.memory_space<hbm>> -> memref<1x90x112xi32, #tpu.memory_space<hbm>>
      %dma_wait3A_28 = tpu.memref_squeeze %dma_wait3A_27 : memref<1x90x112xi32, #tpu.memory_space<hbm>> -> memref<90x112xi32, #tpu.memory_space<hbm>>
      %dma_wait3A_29 = arith.constant 0 : i32
      %dma_wait3A_30 = arith.constant 0 : i32
      %dma_wait3A_31 = tpu.memref_slice %arg2[%add3A, %dma_wait3A_29, %dma_wait3A_30] : memref<32x90x112xi32, #tpu.memory_space<hbm>> -> memref<1x90x112xi32, #tpu.memory_space<hbm>>
      %dma_wait3A_32 = tpu.memref_squeeze %dma_wait3A_31 : memref<1x90x112xi32, #tpu.memory_space<hbm>> -> memref<90x112xi32, #tpu.memory_space<hbm>>
      tpu.wait_dma2 semaphore(%run_scoped3A : memref<!tpu.dma_semaphore, #tpu.memory_space<semaphore_mem>>) src(%dma_wait3A_32 : memref<90x112xi32, #tpu.memory_space<hbm>>) dst(%arg6 : memref<90x112xi32, #tpu.memory_space<vmem>>)
      tpu.yield
    }) : () -> ()
    %barrier3A = arith.constant 0 : index
    tpu.barrier barrier_id(%barrier3A)
    %scan3A = arith.constant 0 : i32
    %scan3A_3 = arith.constant 0 : i32
    %scan3A_4 = arith.constant 90 : i32
    %scan3A_5 = arith.addi %scan3A_3, %scan3A_4 : i32
    %scan3A_6 = arith.constant 1 : i32
    scf.for %scan3A_19 = %scan3A_3 to %scan3A_5 step %scan3A_6  : i32 {
      %dma_start3A = arith.constant 0 : i32
      %dma_start3A_20 = tpu.memref_slice %arg6[%scan3A_19, %dma_start3A] : memref<90x112xi32, #tpu.memory_space<vmem>> -> memref<1x112xi32, #tpu.memory_space<vmem>>
      %dma_start3A_21 = tpu.memref_squeeze %dma_start3A_20 : memref<1x112xi32, #tpu.memory_space<vmem>> -> memref<112xi32, #tpu.memory_space<vmem>>
      %dma_start3A_22 = arith.constant 0 : i32
      %dma_start3A_23 = arith.constant 0 : i32
      %dma_start3A_24 = tpu.memref_slice %arg8[%dma_start3A_22, %dma_start3A_23] : memref<10240x128xf32, #tpu.memory_space<vmem_shared>> -> memref<10240x128xf32, #tpu.memory_space<vmem_shared>>
      tpu.enqueue_indirect_dma source(%arg7 : memref<112x128xf32, #tpu.memory_space<vmem>>) target(%dma_start3A_24 : memref<10240x128xf32, #tpu.memory_space<vmem_shared>>) offsets(%dma_start3A_21 : memref<112xi32, #tpu.memory_space<vmem>>) semaphore(%arg9 : memref<!tpu.dma_semaphore, #tpu.memory_space<semaphore_mem>>) {add = true}
    }
    %scan3A_7 = arith.constant 90 : i32
    %scan3A_8 = arith.constant 0 : i32
    %scan3A_9 = arith.constant 0 : i32
    %scan3A_10 = arith.constant 90 : i32
    %scan3A_11 = arith.addi %scan3A_9, %scan3A_10 : i32
    %scan3A_12 = arith.constant 1 : i32
    scf.for %scan3A_19 = %scan3A_9 to %scan3A_11 step %scan3A_12  : i32 {
      %dma_wait3A = arith.constant 0 : i32
      %dma_wait3A_20 = tpu.memref_slice %arg6[%scan3A_19, %dma_wait3A] : memref<90x112xi32, #tpu.memory_space<vmem>> -> memref<1x112xi32, #tpu.memory_space<vmem>>
      %dma_wait3A_21 = tpu.memref_squeeze %dma_wait3A_20 : memref<1x112xi32, #tpu.memory_space<vmem>> -> memref<112xi32, #tpu.memory_space<vmem>>
      %dma_wait3A_22 = arith.constant 0 : i32
      %dma_wait3A_23 = arith.constant 0 : i32
      %dma_wait3A_24 = tpu.memref_slice %arg8[%dma_wait3A_22, %dma_wait3A_23] : memref<10240x128xf32, #tpu.memory_space<vmem_shared>> -> memref<10240x128xf32, #tpu.memory_space<vmem_shared>>
      tpu.wait_indirect_dma semaphore(%arg9 : memref<!tpu.dma_semaphore, #tpu.memory_space<semaphore_mem>>) src(%arg7 : memref<112x128xf32, #tpu.memory_space<vmem>>) dst(%dma_wait3A_24 : memref<10240x128xf32, #tpu.memory_space<vmem_shared>>)
    }
    %scan3A_13 = arith.constant 90 : i32
    %barrier3A_14 = arith.constant 0 : index
    tpu.barrier barrier_id(%barrier3A_14)
    %mul3A_15 = arith.constant 640 : i32
    %mul3A_16 = arith.muli %arg1, %mul3A_15 : i32
    %mul3A_17 = arith.constant 640 : i32
    %mul3A_18 = arith.muli %arg1, %mul3A_17 : i32
    "tpu.region"() ({
      %run_scoped3A = tpu.sem_alloc : memref<!tpu.dma_semaphore, #tpu.memory_space<semaphore_mem>>
      %dma_start3A = arith.constant 0 : i32
      %dma_start3A_19 = tpu.memref_slice %arg5[%arg0, %mul3A_18, %dma_start3A] : memref<2x10240x128xf32, #tpu.memory_space<hbm>> -> memref<1x640x128xf32, #tpu.memory_space<hbm>>
      %dma_start3A_20 = tpu.memref_squeeze %dma_start3A_19 : memref<1x640x128xf32, #tpu.memory_space<hbm>> -> memref<640x128xf32, #tpu.memory_space<hbm>>
      %dma_start3A_21 = arith.constant 0 : i32
      %dma_start3A_22 = tpu.memref_slice %arg8[%mul3A_16, %dma_start3A_21] : memref<10240x128xf32, #tpu.memory_space<vmem_shared>> -> memref<640x128xf32, #tpu.memory_space<vmem_shared>>
      tpu.enqueue_dma source(%dma_start3A_22 : memref<640x128xf32, #tpu.memory_space<vmem_shared>>) target(%dma_start3A_20 : memref<640x128xf32, #tpu.memory_space<hbm>>) target_semaphore(%run_scoped3A : memref<!tpu.dma_semaphore, #tpu.memory_space<semaphore_mem>>)
      %dma_wait3A = arith.constant 0 : i32
      %dma_wait3A_23 = tpu.memref_slice %arg5[%arg0, %mul3A_18, %dma_wait3A] : memref<2x10240x128xf32, #tpu.memory_space<hbm>> -> memref<1x640x128xf32, #tpu.memory_space<hbm>>
      %dma_wait3A_24 = tpu.memref_squeeze %dma_wait3A_23 : memref<1x640x128xf32, #tpu.memory_space<hbm>> -> memref<640x128xf32, #tpu.memory_space<hbm>>
      %dma_wait3A_25 = arith.constant 0 : i32
      %dma_wait3A_26 = tpu.memref_slice %arg8[%mul3A_16, %dma_wait3A_25] : memref<10240x128xf32, #tpu.memory_space<vmem_shared>> -> memref<640x128xf32, #tpu.memory_space<vmem_shared>>
      tpu.wait_dma2 semaphore(%run_scoped3A : memref<!tpu.dma_semaphore, #tpu.memory_space<semaphore_mem>>) src(%dma_wait3A_26 : memref<640x128xf32, #tpu.memory_space<vmem_shared>>) dst(%dma_wait3A_24 : memref<640x128xf32, #tpu.memory_space<hbm>>)
      tpu.yield
    }) : () -> ()
    return
  }
}

#map = affine_map<(d0, d1) -> (0, 0)>
#map1 = affine_map<(d0, d1) -> (0, 0, 0, 0)>
#map2 = affine_map<(d0, d1) -> (0, 0, 0)>
module attributes {stable_mosaic.version = 14 : i64} {
  func.func @scat(%arg0: i32, %arg1: i32, %arg2: memref<10240x128xf32, #tpu.memory_space<hbm>>, %arg3: memref<32x15x6x112xi32, #tpu.memory_space<hbm>>, %arg4: memref<32x15x6x112xi32, #tpu.memory_space<hbm>>, %arg5: memref<640x128xf32, #tpu.memory_space<hbm>>, %arg6: memref<2x10240x128xf32, #tpu.memory_space<hbm>>, %arg7: memref<2x6x112xi32, #tpu.memory_space<vmem>>, %arg8: memref<2x6x112xi32, #tpu.memory_space<vmem>>, %arg9: memref<3x112x128xf32, #tpu.memory_space<vmem>>, %arg10: memref<10240x128xf32, #tpu.memory_space<vmem_shared>>, %arg11: memref<!tpu.dma_semaphore, #tpu.memory_space<semaphore_mem>>, %arg12: memref<3x!tpu.dma_semaphore, #tpu.memory_space<semaphore_mem>>, %arg13: memref<3x!tpu.dma_semaphore, #tpu.memory_space<semaphore_mem>>) attributes {dimension_semantics = [#tpu.dimension_semantics<core_parallel>, #tpu.dimension_semantics<subcore_parallel>], iteration_bounds = array<i64: 2, 16>, scalar_prefetch = 0 : i64, scratch_operands = 7 : i64, tpu.core_type = #tpu.core_type<sc_vector_subcore>, window_params = [{transform_indices = #map}, {transform_indices = #map1}, {transform_indices = #map1}, {transform_indices = #map}, {transform_indices = #map2}]} {
    %mul3A = arith.constant 16 : i32
    %mul3A_0 = arith.muli %arg0, %mul3A : i32
    %add3A = arith.addi %mul3A_0, %arg1 : i32
    %mul3A_1 = arith.constant 640 : i32
    %mul3A_2 = arith.muli %arg1, %mul3A_1 : i32
    "tpu.region"() ({
      %run_scoped3A_62 = tpu.sem_alloc : memref<!tpu.dma_semaphore, #tpu.memory_space<semaphore_mem>>
      %dma_start3A_63 = arith.constant 0 : i32
      %dma_start3A_64 = tpu.memref_slice %arg10[%mul3A_2, %dma_start3A_63] : memref<10240x128xf32, #tpu.memory_space<vmem_shared>> -> memref<640x128xf32, #tpu.memory_space<vmem_shared>>
      tpu.enqueue_dma source(%arg5 : memref<640x128xf32, #tpu.memory_space<hbm>>) target(%dma_start3A_64 : memref<640x128xf32, #tpu.memory_space<vmem_shared>>) target_semaphore(%run_scoped3A_62 : memref<!tpu.dma_semaphore, #tpu.memory_space<semaphore_mem>>)
      %dma_wait3A_65 = arith.constant 0 : i32
      %dma_wait3A_66 = tpu.memref_slice %arg10[%mul3A_2, %dma_wait3A_65] : memref<10240x128xf32, #tpu.memory_space<vmem_shared>> -> memref<640x128xf32, #tpu.memory_space<vmem_shared>>
      tpu.wait_dma2 semaphore(%run_scoped3A_62 : memref<!tpu.dma_semaphore, #tpu.memory_space<semaphore_mem>>) src(%arg5 : memref<640x128xf32, #tpu.memory_space<hbm>>) dst(%dma_wait3A_66 : memref<640x128xf32, #tpu.memory_space<vmem_shared>>)
      tpu.yield
    }) : () -> ()
    %run_scoped3A = arith.constant 0 : i32
    %run_scoped3A_3 = arith.constant 0 : i32
    "tpu.region"() ({
      %run_scoped3A_62 = tpu.sem_alloc : memref<!tpu.dma_semaphore, #tpu.memory_space<semaphore_mem>>
      %dma_start3A_63 = arith.constant 0 : i32
      %dma_start3A_64 = arith.constant 0 : i32
      %dma_start3A_65 = tpu.memref_slice %arg7[%run_scoped3A_3, %dma_start3A_63, %dma_start3A_64] : memref<2x6x112xi32, #tpu.memory_space<vmem>> -> memref<1x6x112xi32, #tpu.memory_space<vmem>>
      %dma_start3A_66 = tpu.memref_squeeze %dma_start3A_65 : memref<1x6x112xi32, #tpu.memory_space<vmem>> -> memref<6x112xi32, #tpu.memory_space<vmem>>
      %dma_start3A_67 = arith.constant 0 : i32
      %dma_start3A_68 = arith.constant 0 : i32
      %dma_start3A_69 = tpu.memref_slice %arg3[%add3A, %run_scoped3A, %dma_start3A_67, %dma_start3A_68] : memref<32x15x6x112xi32, #tpu.memory_space<hbm>> -> memref<1x1x6x112xi32, #tpu.memory_space<hbm>>
      %dma_start3A_70 = tpu.memref_squeeze %dma_start3A_69 : memref<1x1x6x112xi32, #tpu.memory_space<hbm>> -> memref<6x112xi32, #tpu.memory_space<hbm>>
      %dma_start3A_71 = arith.constant 0 : i32
      %dma_start3A_72 = arith.constant 0 : i32
      %dma_start3A_73 = tpu.memref_slice %arg7[%run_scoped3A_3, %dma_start3A_71, %dma_start3A_72] : memref<2x6x112xi32, #tpu.memory_space<vmem>> -> memref<1x6x112xi32, #tpu.memory_space<vmem>>
      %dma_start3A_74 = tpu.memref_squeeze %dma_start3A_73 : memref<1x6x112xi32, #tpu.memory_space<vmem>> -> memref<6x112xi32, #tpu.memory_space<vmem>>
      %dma_start3A_75 = arith.constant 0 : i32
      %dma_start3A_76 = arith.constant 0 : i32
      %dma_start3A_77 = tpu.memref_slice %arg3[%add3A, %run_scoped3A, %dma_start3A_75, %dma_start3A_76] : memref<32x15x6x112xi32, #tpu.memory_space<hbm>> -> memref<1x1x6x112xi32, #tpu.memory_space<hbm>>
      %dma_start3A_78 = tpu.memref_squeeze %dma_start3A_77 : memref<1x1x6x112xi32, #tpu.memory_space<hbm>> -> memref<6x112xi32, #tpu.memory_space<hbm>>
      tpu.enqueue_dma source(%dma_start3A_78 : memref<6x112xi32, #tpu.memory_space<hbm>>) target(%dma_start3A_74 : memref<6x112xi32, #tpu.memory_space<vmem>>) target_semaphore(%run_scoped3A_62 : memref<!tpu.dma_semaphore, #tpu.memory_space<semaphore_mem>>)
      %dma_wait3A_79 = arith.constant 0 : i32
      %dma_wait3A_80 = arith.constant 0 : i32
      %dma_wait3A_81 = tpu.memref_slice %arg7[%run_scoped3A_3, %dma_wait3A_79, %dma_wait3A_80] : memref<2x6x112xi32, #tpu.memory_space<vmem>> -> memref<1x6x112xi32, #tpu.memory_space<vmem>>
      %dma_wait3A_82 = tpu.memref_squeeze %dma_wait3A_81 : memref<1x6x112xi32, #tpu.memory_space<vmem>> -> memref<6x112xi32, #tpu.memory_space<vmem>>
      %dma_wait3A_83 = arith.constant 0 : i32
      %dma_wait3A_84 = arith.constant 0 : i32
      %dma_wait3A_85 = tpu.memref_slice %arg3[%add3A, %run_scoped3A, %dma_wait3A_83, %dma_wait3A_84] : memref<32x15x6x112xi32, #tpu.memory_space<hbm>> -> memref<1x1x6x112xi32, #tpu.memory_space<hbm>>
      %dma_wait3A_86 = tpu.memref_squeeze %dma_wait3A_85 : memref<1x1x6x112xi32, #tpu.memory_space<hbm>> -> memref<6x112xi32, #tpu.memory_space<hbm>>
      %dma_wait3A_87 = arith.constant 0 : i32
      %dma_wait3A_88 = arith.constant 0 : i32
      %dma_wait3A_89 = tpu.memref_slice %arg7[%run_scoped3A_3, %dma_wait3A_87, %dma_wait3A_88] : memref<2x6x112xi32, #tpu.memory_space<vmem>> -> memref<1x6x112xi32, #tpu.memory_space<vmem>>
      %dma_wait3A_90 = tpu.memref_squeeze %dma_wait3A_89 : memref<1x6x112xi32, #tpu.memory_space<vmem>> -> memref<6x112xi32, #tpu.memory_space<vmem>>
      %dma_wait3A_91 = arith.constant 0 : i32
      %dma_wait3A_92 = arith.constant 0 : i32
      %dma_wait3A_93 = tpu.memref_slice %arg3[%add3A, %run_scoped3A, %dma_wait3A_91, %dma_wait3A_92] : memref<32x15x6x112xi32, #tpu.memory_space<hbm>> -> memref<1x1x6x112xi32, #tpu.memory_space<hbm>>
      %dma_wait3A_94 = tpu.memref_squeeze %dma_wait3A_93 : memref<1x1x6x112xi32, #tpu.memory_space<hbm>> -> memref<6x112xi32, #tpu.memory_space<hbm>>
      tpu.wait_dma2 semaphore(%run_scoped3A_62 : memref<!tpu.dma_semaphore, #tpu.memory_space<semaphore_mem>>) src(%dma_wait3A_94 : memref<6x112xi32, #tpu.memory_space<hbm>>) dst(%dma_wait3A_90 : memref<6x112xi32, #tpu.memory_space<vmem>>)
      tpu.yield
    }) : () -> ()
    %run_scoped3A_4 = arith.constant 0 : i32
    %run_scoped3A_5 = arith.constant 0 : i32
    "tpu.region"() ({
      %run_scoped3A_62 = tpu.sem_alloc : memref<!tpu.dma_semaphore, #tpu.memory_space<semaphore_mem>>
      %dma_start3A_63 = arith.constant 0 : i32
      %dma_start3A_64 = arith.constant 0 : i32
      %dma_start3A_65 = tpu.memref_slice %arg8[%run_scoped3A_5, %dma_start3A_63, %dma_start3A_64] : memref<2x6x112xi32, #tpu.memory_space<vmem>> -> memref<1x6x112xi32, #tpu.memory_space<vmem>>
      %dma_start3A_66 = tpu.memref_squeeze %dma_start3A_65 : memref<1x6x112xi32, #tpu.memory_space<vmem>> -> memref<6x112xi32, #tpu.memory_space<vmem>>
      %dma_start3A_67 = arith.constant 0 : i32
      %dma_start3A_68 = arith.constant 0 : i32
      %dma_start3A_69 = tpu.memref_slice %arg4[%add3A, %run_scoped3A_4, %dma_start3A_67, %dma_start3A_68] : memref<32x15x6x112xi32, #tpu.memory_space<hbm>> -> memref<1x1x6x112xi32, #tpu.memory_space<hbm>>
      %dma_start3A_70 = tpu.memref_squeeze %dma_start3A_69 : memref<1x1x6x112xi32, #tpu.memory_space<hbm>> -> memref<6x112xi32, #tpu.memory_space<hbm>>
      %dma_start3A_71 = arith.constant 0 : i32
      %dma_start3A_72 = arith.constant 0 : i32
      %dma_start3A_73 = tpu.memref_slice %arg8[%run_scoped3A_5, %dma_start3A_71, %dma_start3A_72] : memref<2x6x112xi32, #tpu.memory_space<vmem>> -> memref<1x6x112xi32, #tpu.memory_space<vmem>>
      %dma_start3A_74 = tpu.memref_squeeze %dma_start3A_73 : memref<1x6x112xi32, #tpu.memory_space<vmem>> -> memref<6x112xi32, #tpu.memory_space<vmem>>
      %dma_start3A_75 = arith.constant 0 : i32
      %dma_start3A_76 = arith.constant 0 : i32
      %dma_start3A_77 = tpu.memref_slice %arg4[%add3A, %run_scoped3A_4, %dma_start3A_75, %dma_start3A_76] : memref<32x15x6x112xi32, #tpu.memory_space<hbm>> -> memref<1x1x6x112xi32, #tpu.memory_space<hbm>>
      %dma_start3A_78 = tpu.memref_squeeze %dma_start3A_77 : memref<1x1x6x112xi32, #tpu.memory_space<hbm>> -> memref<6x112xi32, #tpu.memory_space<hbm>>
      tpu.enqueue_dma source(%dma_start3A_78 : memref<6x112xi32, #tpu.memory_space<hbm>>) target(%dma_start3A_74 : memref<6x112xi32, #tpu.memory_space<vmem>>) target_semaphore(%run_scoped3A_62 : memref<!tpu.dma_semaphore, #tpu.memory_space<semaphore_mem>>)
      %dma_wait3A_79 = arith.constant 0 : i32
      %dma_wait3A_80 = arith.constant 0 : i32
      %dma_wait3A_81 = tpu.memref_slice %arg8[%run_scoped3A_5, %dma_wait3A_79, %dma_wait3A_80] : memref<2x6x112xi32, #tpu.memory_space<vmem>> -> memref<1x6x112xi32, #tpu.memory_space<vmem>>
      %dma_wait3A_82 = tpu.memref_squeeze %dma_wait3A_81 : memref<1x6x112xi32, #tpu.memory_space<vmem>> -> memref<6x112xi32, #tpu.memory_space<vmem>>
      %dma_wait3A_83 = arith.constant 0 : i32
      %dma_wait3A_84 = arith.constant 0 : i32
      %dma_wait3A_85 = tpu.memref_slice %arg4[%add3A, %run_scoped3A_4, %dma_wait3A_83, %dma_wait3A_84] : memref<32x15x6x112xi32, #tpu.memory_space<hbm>> -> memref<1x1x6x112xi32, #tpu.memory_space<hbm>>
      %dma_wait3A_86 = tpu.memref_squeeze %dma_wait3A_85 : memref<1x1x6x112xi32, #tpu.memory_space<hbm>> -> memref<6x112xi32, #tpu.memory_space<hbm>>
      %dma_wait3A_87 = arith.constant 0 : i32
      %dma_wait3A_88 = arith.constant 0 : i32
      %dma_wait3A_89 = tpu.memref_slice %arg8[%run_scoped3A_5, %dma_wait3A_87, %dma_wait3A_88] : memref<2x6x112xi32, #tpu.memory_space<vmem>> -> memref<1x6x112xi32, #tpu.memory_space<vmem>>
      %dma_wait3A_90 = tpu.memref_squeeze %dma_wait3A_89 : memref<1x6x112xi32, #tpu.memory_space<vmem>> -> memref<6x112xi32, #tpu.memory_space<vmem>>
      %dma_wait3A_91 = arith.constant 0 : i32
      %dma_wait3A_92 = arith.constant 0 : i32
      %dma_wait3A_93 = tpu.memref_slice %arg4[%add3A, %run_scoped3A_4, %dma_wait3A_91, %dma_wait3A_92] : memref<32x15x6x112xi32, #tpu.memory_space<hbm>> -> memref<1x1x6x112xi32, #tpu.memory_space<hbm>>
      %dma_wait3A_94 = tpu.memref_squeeze %dma_wait3A_93 : memref<1x1x6x112xi32, #tpu.memory_space<hbm>> -> memref<6x112xi32, #tpu.memory_space<hbm>>
      tpu.wait_dma2 semaphore(%run_scoped3A_62 : memref<!tpu.dma_semaphore, #tpu.memory_space<semaphore_mem>>) src(%dma_wait3A_94 : memref<6x112xi32, #tpu.memory_space<hbm>>) dst(%dma_wait3A_90 : memref<6x112xi32, #tpu.memory_space<vmem>>)
      tpu.yield
    }) : () -> ()
    %dma_start3A = arith.constant 0 : i32
    %dma_start3A_6 = arith.constant 0 : i32
    %dma_start3A_7 = arith.constant 0 : i32
    %dma_start3A_8 = arith.constant 0 : i32
    %dma_start3A_9 = arith.constant 0 : i32
    %dma_start3A_10 = arith.constant 0 : i32
    %dma_start3A_11 = tpu.memref_slice %arg9[%dma_start3A_7, %dma_start3A_9, %dma_start3A_10] : memref<3x112x128xf32, #tpu.memory_space<vmem>> -> memref<1x112x128xf32, #tpu.memory_space<vmem>>
    %dma_start3A_12 = tpu.memref_squeeze %dma_start3A_11 : memref<1x112x128xf32, #tpu.memory_space<vmem>> -> memref<112x128xf32, #tpu.memory_space<vmem>>
    %dma_start3A_13 = arith.constant 0 : i32
    %dma_start3A_14 = tpu.memref_slice %arg7[%dma_start3A, %dma_start3A_6, %dma_start3A_13] : memref<2x6x112xi32, #tpu.memory_space<vmem>> -> memref<1x1x112xi32, #tpu.memory_space<vmem>>
    %dma_start3A_15 = tpu.memref_squeeze %dma_start3A_14 : memref<1x1x112xi32, #tpu.memory_space<vmem>> -> memref<112xi32, #tpu.memory_space<vmem>>
    %dma_start3A_16 = arith.constant 0 : i32
    %dma_start3A_17 = arith.constant 0 : i32
    %dma_start3A_18 = tpu.memref_slice %arg2[%dma_start3A_16, %dma_start3A_17] : memref<10240x128xf32, #tpu.memory_space<hbm>> -> memref<10240x128xf32, #tpu.memory_space<hbm>>
    %dma_start3A_19 = tpu.memref_slice %arg12[%dma_start3A_8] : memref<3x!tpu.dma_semaphore, #tpu.memory_space<semaphore_mem>> -> memref<1x!tpu.dma_semaphore, #tpu.memory_space<semaphore_mem>>
    %dma_start3A_20 = tpu.memref_squeeze %dma_start3A_19 : memref<1x!tpu.dma_semaphore, #tpu.memory_space<semaphore_mem>> -> memref<!tpu.dma_semaphore, #tpu.memory_space<semaphore_mem>>
    tpu.enqueue_indirect_dma source(%dma_start3A_18 : memref<10240x128xf32, #tpu.memory_space<hbm>>) target(%dma_start3A_12 : memref<112x128xf32, #tpu.memory_space<vmem>>) offsets(%dma_start3A_15 : memref<112xi32, #tpu.memory_space<vmem>>) semaphore(%dma_start3A_20 : memref<!tpu.dma_semaphore, #tpu.memory_space<semaphore_mem>>)
    %dma_start3A_21 = arith.constant 0 : i32
    %dma_start3A_22 = arith.constant 1 : i32
    %dma_start3A_23 = arith.constant 1 : i32
    %dma_start3A_24 = arith.constant 1 : i32
    %dma_start3A_25 = arith.constant 0 : i32
    %dma_start3A_26 = arith.constant 0 : i32
    %dma_start3A_27 = tpu.memref_slice %arg9[%dma_start3A_23, %dma_start3A_25, %dma_start3A_26] : memref<3x112x128xf32, #tpu.memory_space<vmem>> -> memref<1x112x128xf32, #tpu.memory_space<vmem>>
    %dma_start3A_28 = tpu.memref_squeeze %dma_start3A_27 : memref<1x112x128xf32, #tpu.memory_space<vmem>> -> memref<112x128xf32, #tpu.memory_space<vmem>>
    %dma_start3A_29 = arith.constant 0 : i32
    %dma_start3A_30 = tpu.memref_slice %arg7[%dma_start3A_21, %dma_start3A_22, %dma_start3A_29] : memref<2x6x112xi32, #tpu.memory_space<vmem>> -> memref<1x1x112xi32, #tpu.memory_space<vmem>>
    %dma_start3A_31 = tpu.memref_squeeze %dma_start3A_30 : memref<1x1x112xi32, #tpu.memory_space<vmem>> -> memref<112xi32, #tpu.memory_space<vmem>>
    %dma_start3A_32 = arith.constant 0 : i32
    %dma_start3A_33 = arith.constant 0 : i32
    %dma_start3A_34 = tpu.memref_slice %arg2[%dma_start3A_32, %dma_start3A_33] : memref<10240x128xf32, #tpu.memory_space<hbm>> -> memref<10240x128xf32, #tpu.memory_space<hbm>>
    %dma_start3A_35 = tpu.memref_slice %arg12[%dma_start3A_24] : memref<3x!tpu.dma_semaphore, #tpu.memory_space<semaphore_mem>> -> memref<1x!tpu.dma_semaphore, #tpu.memory_space<semaphore_mem>>
    %dma_start3A_36 = tpu.memref_squeeze %dma_start3A_35 : memref<1x!tpu.dma_semaphore, #tpu.memory_space<semaphore_mem>> -> memref<!tpu.dma_semaphore, #tpu.memory_space<semaphore_mem>>
    tpu.enqueue_indirect_dma source(%dma_start3A_34 : memref<10240x128xf32, #tpu.memory_space<hbm>>) target(%dma_start3A_28 : memref<112x128xf32, #tpu.memory_space<vmem>>) offsets(%dma_start3A_31 : memref<112xi32, #tpu.memory_space<vmem>>) semaphore(%dma_start3A_36 : memref<!tpu.dma_semaphore, #tpu.memory_space<semaphore_mem>>)
    %barrier3A = arith.constant 0 : index
    tpu.barrier barrier_id(%barrier3A)
    %scan3A = arith.constant 0 : i32
    %scan3A_37 = arith.constant 0 : i32
    %scan3A_38 = arith.constant 15 : i32
    %scan3A_39 = arith.addi %scan3A_37, %scan3A_38 : i32
    %scan3A_40 = arith.constant 1 : i32
    scf.for %scan3A_62 = %scan3A_37 to %scan3A_39 step %scan3A_40  : i32 {
      %rem3A = arith.constant 2 : i32
      %rem3A_63 = arith.remsi %scan3A_62, %rem3A : i32
      %sub3A = arith.constant 1 : i32
      %sub3A_64 = arith.subi %sub3A, %rem3A_63 : i32
      %dma_wait3A_65 = arith.constant 0 : i32
      %dma_wait3A_66 = arith.constant 0 : i32
      %dma_wait3A_67 = arith.constant 0 : i32
      %dma_wait3A_68 = arith.constant 0 : i32
      %dma_wait3A_69 = arith.constant 0 : i32
      %dma_wait3A_70 = tpu.memref_slice %arg9[%dma_wait3A_66, %dma_wait3A_68, %dma_wait3A_69] : memref<3x112x128xf32, #tpu.memory_space<vmem>> -> memref<1x112x128xf32, #tpu.memory_space<vmem>>
      %dma_wait3A_71 = tpu.memref_squeeze %dma_wait3A_70 : memref<1x112x128xf32, #tpu.memory_space<vmem>> -> memref<112x128xf32, #tpu.memory_space<vmem>>
      %dma_wait3A_72 = arith.constant 0 : i32
      %dma_wait3A_73 = tpu.memref_slice %arg7[%rem3A_63, %dma_wait3A_65, %dma_wait3A_72] : memref<2x6x112xi32, #tpu.memory_space<vmem>> -> memref<1x1x112xi32, #tpu.memory_space<vmem>>
      %dma_wait3A_74 = tpu.memref_squeeze %dma_wait3A_73 : memref<1x1x112xi32, #tpu.memory_space<vmem>> -> memref<112xi32, #tpu.memory_space<vmem>>
      %dma_wait3A_75 = arith.constant 0 : i32
      %dma_wait3A_76 = arith.constant 0 : i32
      %dma_wait3A_77 = tpu.memref_slice %arg2[%dma_wait3A_75, %dma_wait3A_76] : memref<10240x128xf32, #tpu.memory_space<hbm>> -> memref<10240x128xf32, #tpu.memory_space<hbm>>
      %dma_wait3A_78 = tpu.memref_slice %arg12[%dma_wait3A_67] : memref<3x!tpu.dma_semaphore, #tpu.memory_space<semaphore_mem>> -> memref<1x!tpu.dma_semaphore, #tpu.memory_space<semaphore_mem>>
      %dma_wait3A_79 = tpu.memref_squeeze %dma_wait3A_78 : memref<1x!tpu.dma_semaphore, #tpu.memory_space<semaphore_mem>> -> memref<!tpu.dma_semaphore, #tpu.memory_space<semaphore_mem>>
      tpu.wait_indirect_dma semaphore(%dma_wait3A_79 : memref<!tpu.dma_semaphore, #tpu.memory_space<semaphore_mem>>) src(%dma_wait3A_77 : memref<10240x128xf32, #tpu.memory_space<hbm>>) dst(%dma_wait3A_71 : memref<112x128xf32, #tpu.memory_space<vmem>>)
      %dma_start3A_80 = arith.constant 0 : i32
      %dma_start3A_81 = arith.constant 0 : i32
      %dma_start3A_82 = arith.constant 0 : i32
      %dma_start3A_83 = arith.constant 0 : i32
      %dma_start3A_84 = arith.constant 0 : i32
      %dma_start3A_85 = tpu.memref_slice %arg9[%dma_start3A_80, %dma_start3A_83, %dma_start3A_84] : memref<3x112x128xf32, #tpu.memory_space<vmem>> -> memref<1x112x128xf32, #tpu.memory_space<vmem>>
      %dma_start3A_86 = tpu.memref_squeeze %dma_start3A_85 : memref<1x112x128xf32, #tpu.memory_space<vmem>> -> memref<112x128xf32, #tpu.memory_space<vmem>>
      %dma_start3A_87 = arith.constant 0 : i32
      %dma_start3A_88 = tpu.memref_slice %arg8[%rem3A_63, %dma_start3A_81, %dma_start3A_87] : memref<2x6x112xi32, #tpu.memory_space<vmem>> -> memref<1x1x112xi32, #tpu.memory_space<vmem>>
      %dma_start3A_89 = tpu.memref_squeeze %dma_start3A_88 : memref<1x1x112xi32, #tpu.memory_space<vmem>> -> memref<112xi32, #tpu.memory_space<vmem>>
      %dma_start3A_90 = arith.constant 0 : i32
      %dma_start3A_91 = arith.constant 0 : i32
      %dma_start3A_92 = tpu.memref_slice %arg10[%dma_start3A_90, %dma_start3A_91] : memref<10240x128xf32, #tpu.memory_space<vmem_shared>> -> memref<10240x128xf32, #tpu.memory_space<vmem_shared>>
      %dma_start3A_93 = tpu.memref_slice %arg13[%dma_start3A_82] : memref<3x!tpu.dma_semaphore, #tpu.memory_space<semaphore_mem>> -> memref<1x!tpu.dma_semaphore, #tpu.memory_space<semaphore_mem>>
      %dma_start3A_94 = tpu.memref_squeeze %dma_start3A_93 : memref<1x!tpu.dma_semaphore, #tpu.memory_space<semaphore_mem>> -> memref<!tpu.dma_semaphore, #tpu.memory_space<semaphore_mem>>
      tpu.enqueue_indirect_dma source(%dma_start3A_86 : memref<112x128xf32, #tpu.memory_space<vmem>>) target(%dma_start3A_92 : memref<10240x128xf32, #tpu.memory_space<vmem_shared>>) offsets(%dma_start3A_89 : memref<112xi32, #tpu.memory_space<vmem>>) semaphore(%dma_start3A_94 : memref<!tpu.dma_semaphore, #tpu.memory_space<semaphore_mem>>) {add = true}
      %gt3A = arith.constant 0 : i32
      %gt3A_95 = arith.cmpi sgt, %scan3A_62, %gt3A : i32
      %convert_element_type3A = arith.extui %gt3A_95 : i1 to i32
      %cond3A = arith.constant 0 : i32
      %cond3A_96 = arith.cmpi ne, %convert_element_type3A, %cond3A : i32
      scf.if %cond3A_96 {
        %dma_wait3A_409 = arith.constant 2 : i32
        %dma_wait3A_410 = arith.constant 0 : i32
        %dma_wait3A_411 = arith.constant 2 : i32
        %dma_wait3A_412 = arith.constant 0 : i32
        %dma_wait3A_413 = arith.constant 0 : i32
        %dma_wait3A_414 = tpu.memref_slice %arg9[%dma_wait3A_409, %dma_wait3A_412, %dma_wait3A_413] : memref<3x112x128xf32, #tpu.memory_space<vmem>> -> memref<1x112x128xf32, #tpu.memory_space<vmem>>
        %dma_wait3A_415 = tpu.memref_squeeze %dma_wait3A_414 : memref<1x112x128xf32, #tpu.memory_space<vmem>> -> memref<112x128xf32, #tpu.memory_space<vmem>>
        %dma_wait3A_416 = arith.constant 0 : i32
        %dma_wait3A_417 = tpu.memref_slice %arg8[%rem3A_63, %dma_wait3A_410, %dma_wait3A_416] : memref<2x6x112xi32, #tpu.memory_space<vmem>> -> memref<1x1x112xi32, #tpu.memory_space<vmem>>
        %dma_wait3A_418 = tpu.memref_squeeze %dma_wait3A_417 : memref<1x1x112xi32, #tpu.memory_space<vmem>> -> memref<112xi32, #tpu.memory_space<vmem>>
        %dma_wait3A_419 = arith.constant 0 : i32
        %dma_wait3A_420 = arith.constant 0 : i32
        %dma_wait3A_421 = tpu.memref_slice %arg10[%dma_wait3A_419, %dma_wait3A_420] : memref<10240x128xf32, #tpu.memory_space<vmem_shared>> -> memref<10240x128xf32, #tpu.memory_space<vmem_shared>>
        %dma_wait3A_422 = tpu.memref_slice %arg13[%dma_wait3A_411] : memref<3x!tpu.dma_semaphore, #tpu.memory_space<semaphore_mem>> -> memref<1x!tpu.dma_semaphore, #tpu.memory_space<semaphore_mem>>
        %dma_wait3A_423 = tpu.memref_squeeze %dma_wait3A_422 : memref<1x!tpu.dma_semaphore, #tpu.memory_space<semaphore_mem>> -> memref<!tpu.dma_semaphore, #tpu.memory_space<semaphore_mem>>
        tpu.wait_indirect_dma semaphore(%dma_wait3A_423 : memref<!tpu.dma_semaphore, #tpu.memory_space<semaphore_mem>>) src(%dma_wait3A_415 : memref<112x128xf32, #tpu.memory_space<vmem>>) dst(%dma_wait3A_421 : memref<10240x128xf32, #tpu.memory_space<vmem_shared>>)
      } else {
      }
      %add3A_97 = arith.constant 1 : i32
      %add3A_98 = arith.addi %scan3A_62, %add3A_97 : i32
      %lt3A = arith.constant 15 : i32
      %lt3A_99 = arith.cmpi slt, %add3A_98, %lt3A : i32
      %convert_element_type3A_100 = arith.extui %lt3A_99 : i1 to i32
      %cond3A_101 = arith.constant 0 : i32
      %cond3A_102 = arith.cmpi ne, %convert_element_type3A_100, %cond3A_101 : i32
      scf.if %cond3A_102 {
        %add3A_409 = arith.constant 1 : i32
        %add3A_410 = arith.addi %scan3A_62, %add3A_409 : i32
        %dma_start3A_411 = arith.constant 0 : i32
        %dma_start3A_412 = arith.constant 0 : i32
        %dma_start3A_413 = tpu.memref_slice %arg7[%sub3A_64, %dma_start3A_411, %dma_start3A_412] : memref<2x6x112xi32, #tpu.memory_space<vmem>> -> memref<1x6x112xi32, #tpu.memory_space<vmem>>
        %dma_start3A_414 = tpu.memref_squeeze %dma_start3A_413 : memref<1x6x112xi32, #tpu.memory_space<vmem>> -> memref<6x112xi32, #tpu.memory_space<vmem>>
        %dma_start3A_415 = arith.constant 0 : i32
        %dma_start3A_416 = arith.constant 0 : i32
        %dma_start3A_417 = tpu.memref_slice %arg3[%add3A, %add3A_410, %dma_start3A_415, %dma_start3A_416] : memref<32x15x6x112xi32, #tpu.memory_space<hbm>> -> memref<1x1x6x112xi32, #tpu.memory_space<hbm>>
        %dma_start3A_418 = tpu.memref_squeeze %dma_start3A_417 : memref<1x1x6x112xi32, #tpu.memory_space<hbm>> -> memref<6x112xi32, #tpu.memory_space<hbm>>
        %dma_start3A_419 = arith.constant 0 : i32
        %dma_start3A_420 = arith.constant 0 : i32
        %dma_start3A_421 = tpu.memref_slice %arg7[%sub3A_64, %dma_start3A_419, %dma_start3A_420] : memref<2x6x112xi32, #tpu.memory_space<vmem>> -> memref<1x6x112xi32, #tpu.memory_space<vmem>>
        %dma_start3A_422 = tpu.memref_squeeze %dma_start3A_421 : memref<1x6x112xi32, #tpu.memory_space<vmem>> -> memref<6x112xi32, #tpu.memory_space<vmem>>
        %dma_start3A_423 = arith.constant 0 : i32
        %dma_start3A_424 = arith.constant 0 : i32
        %dma_start3A_425 = tpu.memref_slice %arg3[%add3A, %add3A_410, %dma_start3A_423, %dma_start3A_424] : memref<32x15x6x112xi32, #tpu.memory_space<hbm>> -> memref<1x1x6x112xi32, #tpu.memory_space<hbm>>
        %dma_start3A_426 = tpu.memref_squeeze %dma_start3A_425 : memref<1x1x6x112xi32, #tpu.memory_space<hbm>> -> memref<6x112xi32, #tpu.memory_space<hbm>>
        tpu.enqueue_dma source(%dma_start3A_426 : memref<6x112xi32, #tpu.memory_space<hbm>>) target(%dma_start3A_422 : memref<6x112xi32, #tpu.memory_space<vmem>>) target_semaphore(%arg11 : memref<!tpu.dma_semaphore, #tpu.memory_space<semaphore_mem>>)
        %add3A_427 = arith.constant 1 : i32
        %add3A_428 = arith.addi %scan3A_62, %add3A_427 : i32
        %dma_start3A_429 = arith.constant 0 : i32
        %dma_start3A_430 = arith.constant 0 : i32
        %dma_start3A_431 = tpu.memref_slice %arg8[%sub3A_64, %dma_start3A_429, %dma_start3A_430] : memref<2x6x112xi32, #tpu.memory_space<vmem>> -> memref<1x6x112xi32, #tpu.memory_space<vmem>>
        %dma_start3A_432 = tpu.memref_squeeze %dma_start3A_431 : memref<1x6x112xi32, #tpu.memory_space<vmem>> -> memref<6x112xi32, #tpu.memory_space<vmem>>
        %dma_start3A_433 = arith.constant 0 : i32
        %dma_start3A_434 = arith.constant 0 : i32
        %dma_start3A_435 = tpu.memref_slice %arg4[%add3A, %add3A_428, %dma_start3A_433, %dma_start3A_434] : memref<32x15x6x112xi32, #tpu.memory_space<hbm>> -> memref<1x1x6x112xi32, #tpu.memory_space<hbm>>
        %dma_start3A_436 = tpu.memref_squeeze %dma_start3A_435 : memref<1x1x6x112xi32, #tpu.memory_space<hbm>> -> memref<6x112xi32, #tpu.memory_space<hbm>>
        %dma_start3A_437 = arith.constant 0 : i32
        %dma_start3A_438 = arith.constant 0 : i32
        %dma_start3A_439 = tpu.memref_slice %arg8[%sub3A_64, %dma_start3A_437, %dma_start3A_438] : memref<2x6x112xi32, #tpu.memory_space<vmem>> -> memref<1x6x112xi32, #tpu.memory_space<vmem>>
        %dma_start3A_440 = tpu.memref_squeeze %dma_start3A_439 : memref<1x6x112xi32, #tpu.memory_space<vmem>> -> memref<6x112xi32, #tpu.memory_space<vmem>>
        %dma_start3A_441 = arith.constant 0 : i32
        %dma_start3A_442 = arith.constant 0 : i32
        %dma_start3A_443 = tpu.memref_slice %arg4[%add3A, %add3A_428, %dma_start3A_441, %dma_start3A_442] : memref<32x15x6x112xi32, #tpu.memory_space<hbm>> -> memref<1x1x6x112xi32, #tpu.memory_space<hbm>>
        %dma_start3A_444 = tpu.memref_squeeze %dma_start3A_443 : memref<1x1x6x112xi32, #tpu.memory_space<hbm>> -> memref<6x112xi32, #tpu.memory_space<hbm>>
        tpu.enqueue_dma source(%dma_start3A_444 : memref<6x112xi32, #tpu.memory_space<hbm>>) target(%dma_start3A_440 : memref<6x112xi32, #tpu.memory_space<vmem>>) target_semaphore(%arg11 : memref<!tpu.dma_semaphore, #tpu.memory_space<semaphore_mem>>)
      } else {
      }
      %dma_start3A_103 = arith.constant 2 : i32
      %dma_start3A_104 = arith.constant 2 : i32
      %dma_start3A_105 = arith.constant 2 : i32
      %dma_start3A_106 = arith.constant 0 : i32
      %dma_start3A_107 = arith.constant 0 : i32
      %dma_start3A_108 = tpu.memref_slice %arg9[%dma_start3A_104, %dma_start3A_106, %dma_start3A_107] : memref<3x112x128xf32, #tpu.memory_space<vmem>> -> memref<1x112x128xf32, #tpu.memory_space<vmem>>
      %dma_start3A_109 = tpu.memref_squeeze %dma_start3A_108 : memref<1x112x128xf32, #tpu.memory_space<vmem>> -> memref<112x128xf32, #tpu.memory_space<vmem>>
      %dma_start3A_110 = arith.constant 0 : i32
      %dma_start3A_111 = tpu.memref_slice %arg7[%rem3A_63, %dma_start3A_103, %dma_start3A_110] : memref<2x6x112xi32, #tpu.memory_space<vmem>> -> memref<1x1x112xi32, #tpu.memory_space<vmem>>
      %dma_start3A_112 = tpu.memref_squeeze %dma_start3A_111 : memref<1x1x112xi32, #tpu.memory_space<vmem>> -> memref<112xi32, #tpu.memory_space<vmem>>
      %dma_start3A_113 = arith.constant 0 : i32
      %dma_start3A_114 = arith.constant 0 : i32
      %dma_start3A_115 = tpu.memref_slice %arg2[%dma_start3A_113, %dma_start3A_114] : memref<10240x128xf32, #tpu.memory_space<hbm>> -> memref<10240x128xf32, #tpu.memory_space<hbm>>
      %dma_start3A_116 = tpu.memref_slice %arg12[%dma_start3A_105] : memref<3x!tpu.dma_semaphore, #tpu.memory_space<semaphore_mem>> -> memref<1x!tpu.dma_semaphore, #tpu.memory_space<semaphore_mem>>
      %dma_start3A_117 = tpu.memref_squeeze %dma_start3A_116 : memref<1x!tpu.dma_semaphore, #tpu.memory_space<semaphore_mem>> -> memref<!tpu.dma_semaphore, #tpu.memory_space<semaphore_mem>>
      tpu.enqueue_indirect_dma source(%dma_start3A_115 : memref<10240x128xf32, #tpu.memory_space<hbm>>) target(%dma_start3A_109 : memref<112x128xf32, #tpu.memory_space<vmem>>) offsets(%dma_start3A_112 : memref<112xi32, #tpu.memory_space<vmem>>) semaphore(%dma_start3A_117 : memref<!tpu.dma_semaphore, #tpu.memory_space<semaphore_mem>>)
      %dma_wait3A_118 = arith.constant 1 : i32
      %dma_wait3A_119 = arith.constant 1 : i32
      %dma_wait3A_120 = arith.constant 1 : i32
      %dma_wait3A_121 = arith.constant 0 : i32
      %dma_wait3A_122 = arith.constant 0 : i32
      %dma_wait3A_123 = tpu.memref_slice %arg9[%dma_wait3A_119, %dma_wait3A_121, %dma_wait3A_122] : memref<3x112x128xf32, #tpu.memory_space<vmem>> -> memref<1x112x128xf32, #tpu.memory_space<vmem>>
      %dma_wait3A_124 = tpu.memref_squeeze %dma_wait3A_123 : memref<1x112x128xf32, #tpu.memory_space<vmem>> -> memref<112x128xf32, #tpu.memory_space<vmem>>
      %dma_wait3A_125 = arith.constant 0 : i32
      %dma_wait3A_126 = tpu.memref_slice %arg7[%rem3A_63, %dma_wait3A_118, %dma_wait3A_125] : memref<2x6x112xi32, #tpu.memory_space<vmem>> -> memref<1x1x112xi32, #tpu.memory_space<vmem>>
      %dma_wait3A_127 = tpu.memref_squeeze %dma_wait3A_126 : memref<1x1x112xi32, #tpu.memory_space<vmem>> -> memref<112xi32, #tpu.memory_space<vmem>>
      %dma_wait3A_128 = arith.constant 0 : i32
      %dma_wait3A_129 = arith.constant 0 : i32
      %dma_wait3A_130 = tpu.memref_slice %arg2[%dma_wait3A_128, %dma_wait3A_129] : memref<10240x128xf32, #tpu.memory_space<hbm>> -> memref<10240x128xf32, #tpu.memory_space<hbm>>
      %dma_wait3A_131 = tpu.memref_slice %arg12[%dma_wait3A_120] : memref<3x!tpu.dma_semaphore, #tpu.memory_space<semaphore_mem>> -> memref<1x!tpu.dma_semaphore, #tpu.memory_space<semaphore_mem>>
      %dma_wait3A_132 = tpu.memref_squeeze %dma_wait3A_131 : memref<1x!tpu.dma_semaphore, #tpu.memory_space<semaphore_mem>> -> memref<!tpu.dma_semaphore, #tpu.memory_space<semaphore_mem>>
      tpu.wait_indirect_dma semaphore(%dma_wait3A_132 : memref<!tpu.dma_semaphore, #tpu.memory_space<semaphore_mem>>) src(%dma_wait3A_130 : memref<10240x128xf32, #tpu.memory_space<hbm>>) dst(%dma_wait3A_124 : memref<112x128xf32, #tpu.memory_space<vmem>>)
      %dma_start3A_133 = arith.constant 1 : i32
      %dma_start3A_134 = arith.constant 1 : i32
      %dma_start3A_135 = arith.constant 1 : i32
      %dma_start3A_136 = arith.constant 0 : i32
      %dma_start3A_137 = arith.constant 0 : i32
      %dma_start3A_138 = tpu.memref_slice %arg9[%dma_start3A_133, %dma_start3A_136, %dma_start3A_137] : memref<3x112x128xf32, #tpu.memory_space<vmem>> -> memref<1x112x128xf32, #tpu.memory_space<vmem>>
      %dma_start3A_139 = tpu.memref_squeeze %dma_start3A_138 : memref<1x112x128xf32, #tpu.memory_space<vmem>> -> memref<112x128xf32, #tpu.memory_space<vmem>>
      %dma_start3A_140 = arith.constant 0 : i32
      %dma_start3A_141 = tpu.memref_slice %arg8[%rem3A_63, %dma_start3A_134, %dma_start3A_140] : memref<2x6x112xi32, #tpu.memory_space<vmem>> -> memref<1x1x112xi32, #tpu.memory_space<vmem>>
      %dma_start3A_142 = tpu.memref_squeeze %dma_start3A_141 : memref<1x1x112xi32, #tpu.memory_space<vmem>> -> memref<112xi32, #tpu.memory_space<vmem>>
      %dma_start3A_143 = arith.constant 0 : i32
      %dma_start3A_144 = arith.constant 0 : i32
      %dma_start3A_145 = tpu.memref_slice %arg10[%dma_start3A_143, %dma_start3A_144] : memref<10240x128xf32, #tpu.memory_space<vmem_shared>> -> memref<10240x128xf32, #tpu.memory_space<vmem_shared>>
      %dma_start3A_146 = tpu.memref_slice %arg13[%dma_start3A_135] : memref<3x!tpu.dma_semaphore, #tpu.memory_space<semaphore_mem>> -> memref<1x!tpu.dma_semaphore, #tpu.memory_space<semaphore_mem>>
      %dma_start3A_147 = tpu.memref_squeeze %dma_start3A_146 : memref<1x!tpu.dma_semaphore, #tpu.memory_space<semaphore_mem>> -> memref<!tpu.dma_semaphore, #tpu.memory_space<semaphore_mem>>
      tpu.enqueue_indirect_dma source(%dma_start3A_139 : memref<112x128xf32, #tpu.memory_space<vmem>>) target(%dma_start3A_145 : memref<10240x128xf32, #tpu.memory_space<vmem_shared>>) offsets(%dma_start3A_142 : memref<112xi32, #tpu.memory_space<vmem>>) semaphore(%dma_start3A_147 : memref<!tpu.dma_semaphore, #tpu.memory_space<semaphore_mem>>) {add = true}
      %dma_wait3A_148 = arith.constant 0 : i32
      %dma_wait3A_149 = arith.constant 1 : i32
      %dma_wait3A_150 = arith.constant 0 : i32
      %dma_wait3A_151 = arith.constant 0 : i32
      %dma_wait3A_152 = arith.constant 0 : i32
      %dma_wait3A_153 = tpu.memref_slice %arg9[%dma_wait3A_148, %dma_wait3A_151, %dma_wait3A_152] : memref<3x112x128xf32, #tpu.memory_space<vmem>> -> memref<1x112x128xf32, #tpu.memory_space<vmem>>
      %dma_wait3A_154 = tpu.memref_squeeze %dma_wait3A_153 : memref<1x112x128xf32, #tpu.memory_space<vmem>> -> memref<112x128xf32, #tpu.memory_space<vmem>>
      %dma_wait3A_155 = arith.constant 0 : i32
      %dma_wait3A_156 = tpu.memref_slice %arg8[%rem3A_63, %dma_wait3A_149, %dma_wait3A_155] : memref<2x6x112xi32, #tpu.memory_space<vmem>> -> memref<1x1x112xi32, #tpu.memory_space<vmem>>
      %dma_wait3A_157 = tpu.memref_squeeze %dma_wait3A_156 : memref<1x1x112xi32, #tpu.memory_space<vmem>> -> memref<112xi32, #tpu.memory_space<vmem>>
      %dma_wait3A_158 = arith.constant 0 : i32
      %dma_wait3A_159 = arith.constant 0 : i32
      %dma_wait3A_160 = tpu.memref_slice %arg10[%dma_wait3A_158, %dma_wait3A_159] : memref<10240x128xf32, #tpu.memory_space<vmem_shared>> -> memref<10240x128xf32, #tpu.memory_space<vmem_shared>>
      %dma_wait3A_161 = tpu.memref_slice %arg13[%dma_wait3A_150] : memref<3x!tpu.dma_semaphore, #tpu.memory_space<semaphore_mem>> -> memref<1x!tpu.dma_semaphore, #tpu.memory_space<semaphore_mem>>
      %dma_wait3A_162 = tpu.memref_squeeze %dma_wait3A_161 : memref<1x!tpu.dma_semaphore, #tpu.memory_space<semaphore_mem>> -> memref<!tpu.dma_semaphore, #tpu.memory_space<semaphore_mem>>
      tpu.wait_indirect_dma semaphore(%dma_wait3A_162 : memref<!tpu.dma_semaphore, #tpu.memory_space<semaphore_mem>>) src(%dma_wait3A_154 : memref<112x128xf32, #tpu.memory_space<vmem>>) dst(%dma_wait3A_160 : memref<10240x128xf32, #tpu.memory_space<vmem_shared>>)
      %dma_start3A_163 = arith.constant 3 : i32
      %dma_start3A_164 = arith.constant 0 : i32
      %dma_start3A_165 = arith.constant 0 : i32
      %dma_start3A_166 = arith.constant 0 : i32
      %dma_start3A_167 = arith.constant 0 : i32
      %dma_start3A_168 = tpu.memref_slice %arg9[%dma_start3A_164, %dma_start3A_166, %dma_start3A_167] : memref<3x112x128xf32, #tpu.memory_space<vmem>> -> memref<1x112x128xf32, #tpu.memory_space<vmem>>
      %dma_start3A_169 = tpu.memref_squeeze %dma_start3A_168 : memref<1x112x128xf32, #tpu.memory_space<vmem>> -> memref<112x128xf32, #tpu.memory_space<vmem>>
      %dma_start3A_170 = arith.constant 0 : i32
      %dma_start3A_171 = tpu.memref_slice %arg7[%rem3A_63, %dma_start3A_163, %dma_start3A_170] : memref<2x6x112xi32, #tpu.memory_space<vmem>> -> memref<1x1x112xi32, #tpu.memory_space<vmem>>
      %dma_start3A_172 = tpu.memref_squeeze %dma_start3A_171 : memref<1x1x112xi32, #tpu.memory_space<vmem>> -> memref<112xi32, #tpu.memory_space<vmem>>
      %dma_start3A_173 = arith.constant 0 : i32
      %dma_start3A_174 = arith.constant 0 : i32
      %dma_start3A_175 = tpu.memref_slice %arg2[%dma_start3A_173, %dma_start3A_174] : memref<10240x128xf32, #tpu.memory_space<hbm>> -> memref<10240x128xf32, #tpu.memory_space<hbm>>
      %dma_start3A_176 = tpu.memref_slice %arg12[%dma_start3A_165] : memref<3x!tpu.dma_semaphore, #tpu.memory_space<semaphore_mem>> -> memref<1x!tpu.dma_semaphore, #tpu.memory_space<semaphore_mem>>
      %dma_start3A_177 = tpu.memref_squeeze %dma_start3A_176 : memref<1x!tpu.dma_semaphore, #tpu.memory_space<semaphore_mem>> -> memref<!tpu.dma_semaphore, #tpu.memory_space<semaphore_mem>>
      tpu.enqueue_indirect_dma source(%dma_start3A_175 : memref<10240x128xf32, #tpu.memory_space<hbm>>) target(%dma_start3A_169 : memref<112x128xf32, #tpu.memory_space<vmem>>) offsets(%dma_start3A_172 : memref<112xi32, #tpu.memory_space<vmem>>) semaphore(%dma_start3A_177 : memref<!tpu.dma_semaphore, #tpu.memory_space<semaphore_mem>>)
      %dma_wait3A_178 = arith.constant 2 : i32
      %dma_wait3A_179 = arith.constant 2 : i32
      %dma_wait3A_180 = arith.constant 2 : i32
      %dma_wait3A_181 = arith.constant 0 : i32
      %dma_wait3A_182 = arith.constant 0 : i32
      %dma_wait3A_183 = tpu.memref_slice %arg9[%dma_wait3A_179, %dma_wait3A_181, %dma_wait3A_182] : memref<3x112x128xf32, #tpu.memory_space<vmem>> -> memref<1x112x128xf32, #tpu.memory_space<vmem>>
      %dma_wait3A_184 = tpu.memref_squeeze %dma_wait3A_183 : memref<1x112x128xf32, #tpu.memory_space<vmem>> -> memref<112x128xf32, #tpu.memory_space<vmem>>
      %dma_wait3A_185 = arith.constant 0 : i32
      %dma_wait3A_186 = tpu.memref_slice %arg7[%rem3A_63, %dma_wait3A_178, %dma_wait3A_185] : memref<2x6x112xi32, #tpu.memory_space<vmem>> -> memref<1x1x112xi32, #tpu.memory_space<vmem>>
      %dma_wait3A_187 = tpu.memref_squeeze %dma_wait3A_186 : memref<1x1x112xi32, #tpu.memory_space<vmem>> -> memref<112xi32, #tpu.memory_space<vmem>>
      %dma_wait3A_188 = arith.constant 0 : i32
      %dma_wait3A_189 = arith.constant 0 : i32
      %dma_wait3A_190 = tpu.memref_slice %arg2[%dma_wait3A_188, %dma_wait3A_189] : memref<10240x128xf32, #tpu.memory_space<hbm>> -> memref<10240x128xf32, #tpu.memory_space<hbm>>
      %dma_wait3A_191 = tpu.memref_slice %arg12[%dma_wait3A_180] : memref<3x!tpu.dma_semaphore, #tpu.memory_space<semaphore_mem>> -> memref<1x!tpu.dma_semaphore, #tpu.memory_space<semaphore_mem>>
      %dma_wait3A_192 = tpu.memref_squeeze %dma_wait3A_191 : memref<1x!tpu.dma_semaphore, #tpu.memory_space<semaphore_mem>> -> memref<!tpu.dma_semaphore, #tpu.memory_space<semaphore_mem>>
      tpu.wait_indirect_dma semaphore(%dma_wait3A_192 : memref<!tpu.dma_semaphore, #tpu.memory_space<semaphore_mem>>) src(%dma_wait3A_190 : memref<10240x128xf32, #tpu.memory_space<hbm>>) dst(%dma_wait3A_184 : memref<112x128xf32, #tpu.memory_space<vmem>>)
      %dma_start3A_193 = arith.constant 2 : i32
      %dma_start3A_194 = arith.constant 2 : i32
      %dma_start3A_195 = arith.constant 2 : i32
      %dma_start3A_196 = arith.constant 0 : i32
      %dma_start3A_197 = arith.constant 0 : i32
      %dma_start3A_198 = tpu.memref_slice %arg9[%dma_start3A_193, %dma_start3A_196, %dma_start3A_197] : memref<3x112x128xf32, #tpu.memory_space<vmem>> -> memref<1x112x128xf32, #tpu.memory_space<vmem>>
      %dma_start3A_199 = tpu.memref_squeeze %dma_start3A_198 : memref<1x112x128xf32, #tpu.memory_space<vmem>> -> memref<112x128xf32, #tpu.memory_space<vmem>>
      %dma_start3A_200 = arith.constant 0 : i32
      %dma_start3A_201 = tpu.memref_slice %arg8[%rem3A_63, %dma_start3A_194, %dma_start3A_200] : memref<2x6x112xi32, #tpu.memory_space<vmem>> -> memref<1x1x112xi32, #tpu.memory_space<vmem>>
      %dma_start3A_202 = tpu.memref_squeeze %dma_start3A_201 : memref<1x1x112xi32, #tpu.memory_space<vmem>> -> memref<112xi32, #tpu.memory_space<vmem>>
      %dma_start3A_203 = arith.constant 0 : i32
      %dma_start3A_204 = arith.constant 0 : i32
      %dma_start3A_205 = tpu.memref_slice %arg10[%dma_start3A_203, %dma_start3A_204] : memref<10240x128xf32, #tpu.memory_space<vmem_shared>> -> memref<10240x128xf32, #tpu.memory_space<vmem_shared>>
      %dma_start3A_206 = tpu.memref_slice %arg13[%dma_start3A_195] : memref<3x!tpu.dma_semaphore, #tpu.memory_space<semaphore_mem>> -> memref<1x!tpu.dma_semaphore, #tpu.memory_space<semaphore_mem>>
      %dma_start3A_207 = tpu.memref_squeeze %dma_start3A_206 : memref<1x!tpu.dma_semaphore, #tpu.memory_space<semaphore_mem>> -> memref<!tpu.dma_semaphore, #tpu.memory_space<semaphore_mem>>
      tpu.enqueue_indirect_dma source(%dma_start3A_199 : memref<112x128xf32, #tpu.memory_space<vmem>>) target(%dma_start3A_205 : memref<10240x128xf32, #tpu.memory_space<vmem_shared>>) offsets(%dma_start3A_202 : memref<112xi32, #tpu.memory_space<vmem>>) semaphore(%dma_start3A_207 : memref<!tpu.dma_semaphore, #tpu.memory_space<semaphore_mem>>) {add = true}
      %dma_wait3A_208 = arith.constant 1 : i32
      %dma_wait3A_209 = arith.constant 2 : i32
      %dma_wait3A_210 = arith.constant 1 : i32
      %dma_wait3A_211 = arith.constant 0 : i32
      %dma_wait3A_212 = arith.constant 0 : i32
      %dma_wait3A_213 = tpu.memref_slice %arg9[%dma_wait3A_208, %dma_wait3A_211, %dma_wait3A_212] : memref<3x112x128xf32, #tpu.memory_space<vmem>> -> memref<1x112x128xf32, #tpu.memory_space<vmem>>
      %dma_wait3A_214 = tpu.memref_squeeze %dma_wait3A_213 : memref<1x112x128xf32, #tpu.memory_space<vmem>> -> memref<112x128xf32, #tpu.memory_space<vmem>>
      %dma_wait3A_215 = arith.constant 0 : i32
      %dma_wait3A_216 = tpu.memref_slice %arg8[%rem3A_63, %dma_wait3A_209, %dma_wait3A_215] : memref<2x6x112xi32, #tpu.memory_space<vmem>> -> memref<1x1x112xi32, #tpu.memory_space<vmem>>
      %dma_wait3A_217 = tpu.memref_squeeze %dma_wait3A_216 : memref<1x1x112xi32, #tpu.memory_space<vmem>> -> memref<112xi32, #tpu.memory_space<vmem>>
      %dma_wait3A_218 = arith.constant 0 : i32
      %dma_wait3A_219 = arith.constant 0 : i32
      %dma_wait3A_220 = tpu.memref_slice %arg10[%dma_wait3A_218, %dma_wait3A_219] : memref<10240x128xf32, #tpu.memory_space<vmem_shared>> -> memref<10240x128xf32, #tpu.memory_space<vmem_shared>>
      %dma_wait3A_221 = tpu.memref_slice %arg13[%dma_wait3A_210] : memref<3x!tpu.dma_semaphore, #tpu.memory_space<semaphore_mem>> -> memref<1x!tpu.dma_semaphore, #tpu.memory_space<semaphore_mem>>
      %dma_wait3A_222 = tpu.memref_squeeze %dma_wait3A_221 : memref<1x!tpu.dma_semaphore, #tpu.memory_space<semaphore_mem>> -> memref<!tpu.dma_semaphore, #tpu.memory_space<semaphore_mem>>
      tpu.wait_indirect_dma semaphore(%dma_wait3A_222 : memref<!tpu.dma_semaphore, #tpu.memory_space<semaphore_mem>>) src(%dma_wait3A_214 : memref<112x128xf32, #tpu.memory_space<vmem>>) dst(%dma_wait3A_220 : memref<10240x128xf32, #tpu.memory_space<vmem_shared>>)
      %dma_start3A_223 = arith.constant 4 : i32
      %dma_start3A_224 = arith.constant 1 : i32
      %dma_start3A_225 = arith.constant 1 : i32
      %dma_start3A_226 = arith.constant 0 : i32
      %dma_start3A_227 = arith.constant 0 : i32
      %dma_start3A_228 = tpu.memref_slice %arg9[%dma_start3A_224, %dma_start3A_226, %dma_start3A_227] : memref<3x112x128xf32, #tpu.memory_space<vmem>> -> memref<1x112x128xf32, #tpu.memory_space<vmem>>
      %dma_start3A_229 = tpu.memref_squeeze %dma_start3A_228 : memref<1x112x128xf32, #tpu.memory_space<vmem>> -> memref<112x128xf32, #tpu.memory_space<vmem>>
      %dma_start3A_230 = arith.constant 0 : i32
      %dma_start3A_231 = tpu.memref_slice %arg7[%rem3A_63, %dma_start3A_223, %dma_start3A_230] : memref<2x6x112xi32, #tpu.memory_space<vmem>> -> memref<1x1x112xi32, #tpu.memory_space<vmem>>
      %dma_start3A_232 = tpu.memref_squeeze %dma_start3A_231 : memref<1x1x112xi32, #tpu.memory_space<vmem>> -> memref<112xi32, #tpu.memory_space<vmem>>
      %dma_start3A_233 = arith.constant 0 : i32
      %dma_start3A_234 = arith.constant 0 : i32
      %dma_start3A_235 = tpu.memref_slice %arg2[%dma_start3A_233, %dma_start3A_234] : memref<10240x128xf32, #tpu.memory_space<hbm>> -> memref<10240x128xf32, #tpu.memory_space<hbm>>
      %dma_start3A_236 = tpu.memref_slice %arg12[%dma_start3A_225] : memref<3x!tpu.dma_semaphore, #tpu.memory_space<semaphore_mem>> -> memref<1x!tpu.dma_semaphore, #tpu.memory_space<semaphore_mem>>
      %dma_start3A_237 = tpu.memref_squeeze %dma_start3A_236 : memref<1x!tpu.dma_semaphore, #tpu.memory_space<semaphore_mem>> -> memref<!tpu.dma_semaphore, #tpu.memory_space<semaphore_mem>>
      tpu.enqueue_indirect_dma source(%dma_start3A_235 : memref<10240x128xf32, #tpu.memory_space<hbm>>) target(%dma_start3A_229 : memref<112x128xf32, #tpu.memory_space<vmem>>) offsets(%dma_start3A_232 : memref<112xi32, #tpu.memory_space<vmem>>) semaphore(%dma_start3A_237 : memref<!tpu.dma_semaphore, #tpu.memory_space<semaphore_mem>>)
      %dma_wait3A_238 = arith.constant 3 : i32
      %dma_wait3A_239 = arith.constant 0 : i32
      %dma_wait3A_240 = arith.constant 0 : i32
      %dma_wait3A_241 = arith.constant 0 : i32
      %dma_wait3A_242 = arith.constant 0 : i32
      %dma_wait3A_243 = tpu.memref_slice %arg9[%dma_wait3A_239, %dma_wait3A_241, %dma_wait3A_242] : memref<3x112x128xf32, #tpu.memory_space<vmem>> -> memref<1x112x128xf32, #tpu.memory_space<vmem>>
      %dma_wait3A_244 = tpu.memref_squeeze %dma_wait3A_243 : memref<1x112x128xf32, #tpu.memory_space<vmem>> -> memref<112x128xf32, #tpu.memory_space<vmem>>
      %dma_wait3A_245 = arith.constant 0 : i32
      %dma_wait3A_246 = tpu.memref_slice %arg7[%rem3A_63, %dma_wait3A_238, %dma_wait3A_245] : memref<2x6x112xi32, #tpu.memory_space<vmem>> -> memref<1x1x112xi32, #tpu.memory_space<vmem>>
      %dma_wait3A_247 = tpu.memref_squeeze %dma_wait3A_246 : memref<1x1x112xi32, #tpu.memory_space<vmem>> -> memref<112xi32, #tpu.memory_space<vmem>>
      %dma_wait3A_248 = arith.constant 0 : i32
      %dma_wait3A_249 = arith.constant 0 : i32
      %dma_wait3A_250 = tpu.memref_slice %arg2[%dma_wait3A_248, %dma_wait3A_249] : memref<10240x128xf32, #tpu.memory_space<hbm>> -> memref<10240x128xf32, #tpu.memory_space<hbm>>
      %dma_wait3A_251 = tpu.memref_slice %arg12[%dma_wait3A_240] : memref<3x!tpu.dma_semaphore, #tpu.memory_space<semaphore_mem>> -> memref<1x!tpu.dma_semaphore, #tpu.memory_space<semaphore_mem>>
      %dma_wait3A_252 = tpu.memref_squeeze %dma_wait3A_251 : memref<1x!tpu.dma_semaphore, #tpu.memory_space<semaphore_mem>> -> memref<!tpu.dma_semaphore, #tpu.memory_space<semaphore_mem>>
      tpu.wait_indirect_dma semaphore(%dma_wait3A_252 : memref<!tpu.dma_semaphore, #tpu.memory_space<semaphore_mem>>) src(%dma_wait3A_250 : memref<10240x128xf32, #tpu.memory_space<hbm>>) dst(%dma_wait3A_244 : memref<112x128xf32, #tpu.memory_space<vmem>>)
      %dma_start3A_253 = arith.constant 0 : i32
      %dma_start3A_254 = arith.constant 3 : i32
      %dma_start3A_255 = arith.constant 0 : i32
      %dma_start3A_256 = arith.constant 0 : i32
      %dma_start3A_257 = arith.constant 0 : i32
      %dma_start3A_258 = tpu.memref_slice %arg9[%dma_start3A_253, %dma_start3A_256, %dma_start3A_257] : memref<3x112x128xf32, #tpu.memory_space<vmem>> -> memref<1x112x128xf32, #tpu.memory_space<vmem>>
      %dma_start3A_259 = tpu.memref_squeeze %dma_start3A_258 : memref<1x112x128xf32, #tpu.memory_space<vmem>> -> memref<112x128xf32, #tpu.memory_space<vmem>>
      %dma_start3A_260 = arith.constant 0 : i32
      %dma_start3A_261 = tpu.memref_slice %arg8[%rem3A_63, %dma_start3A_254, %dma_start3A_260] : memref<2x6x112xi32, #tpu.memory_space<vmem>> -> memref<1x1x112xi32, #tpu.memory_space<vmem>>
      %dma_start3A_262 = tpu.memref_squeeze %dma_start3A_261 : memref<1x1x112xi32, #tpu.memory_space<vmem>> -> memref<112xi32, #tpu.memory_space<vmem>>
      %dma_start3A_263 = arith.constant 0 : i32
      %dma_start3A_264 = arith.constant 0 : i32
      %dma_start3A_265 = tpu.memref_slice %arg10[%dma_start3A_263, %dma_start3A_264] : memref<10240x128xf32, #tpu.memory_space<vmem_shared>> -> memref<10240x128xf32, #tpu.memory_space<vmem_shared>>
      %dma_start3A_266 = tpu.memref_slice %arg13[%dma_start3A_255] : memref<3x!tpu.dma_semaphore, #tpu.memory_space<semaphore_mem>> -> memref<1x!tpu.dma_semaphore, #tpu.memory_space<semaphore_mem>>
      %dma_start3A_267 = tpu.memref_squeeze %dma_start3A_266 : memref<1x!tpu.dma_semaphore, #tpu.memory_space<semaphore_mem>> -> memref<!tpu.dma_semaphore, #tpu.memory_space<semaphore_mem>>
      tpu.enqueue_indirect_dma source(%dma_start3A_259 : memref<112x128xf32, #tpu.memory_space<vmem>>) target(%dma_start3A_265 : memref<10240x128xf32, #tpu.memory_space<vmem_shared>>) offsets(%dma_start3A_262 : memref<112xi32, #tpu.memory_space<vmem>>) semaphore(%dma_start3A_267 : memref<!tpu.dma_semaphore, #tpu.memory_space<semaphore_mem>>) {add = true}
      %dma_wait3A_268 = arith.constant 2 : i32
      %dma_wait3A_269 = arith.constant 3 : i32
      %dma_wait3A_270 = arith.constant 2 : i32
      %dma_wait3A_271 = arith.constant 0 : i32
      %dma_wait3A_272 = arith.constant 0 : i32
      %dma_wait3A_273 = tpu.memref_slice %arg9[%dma_wait3A_268, %dma_wait3A_271, %dma_wait3A_272] : memref<3x112x128xf32, #tpu.memory_space<vmem>> -> memref<1x112x128xf32, #tpu.memory_space<vmem>>
      %dma_wait3A_274 = tpu.memref_squeeze %dma_wait3A_273 : memref<1x112x128xf32, #tpu.memory_space<vmem>> -> memref<112x128xf32, #tpu.memory_space<vmem>>
      %dma_wait3A_275 = arith.constant 0 : i32
      %dma_wait3A_276 = tpu.memref_slice %arg8[%rem3A_63, %dma_wait3A_269, %dma_wait3A_275] : memref<2x6x112xi32, #tpu.memory_space<vmem>> -> memref<1x1x112xi32, #tpu.memory_space<vmem>>
      %dma_wait3A_277 = tpu.memref_squeeze %dma_wait3A_276 : memref<1x1x112xi32, #tpu.memory_space<vmem>> -> memref<112xi32, #tpu.memory_space<vmem>>
      %dma_wait3A_278 = arith.constant 0 : i32
      %dma_wait3A_279 = arith.constant 0 : i32
      %dma_wait3A_280 = tpu.memref_slice %arg10[%dma_wait3A_278, %dma_wait3A_279] : memref<10240x128xf32, #tpu.memory_space<vmem_shared>> -> memref<10240x128xf32, #tpu.memory_space<vmem_shared>>
      %dma_wait3A_281 = tpu.memref_slice %arg13[%dma_wait3A_270] : memref<3x!tpu.dma_semaphore, #tpu.memory_space<semaphore_mem>> -> memref<1x!tpu.dma_semaphore, #tpu.memory_space<semaphore_mem>>
      %dma_wait3A_282 = tpu.memref_squeeze %dma_wait3A_281 : memref<1x!tpu.dma_semaphore, #tpu.memory_space<semaphore_mem>> -> memref<!tpu.dma_semaphore, #tpu.memory_space<semaphore_mem>>
      tpu.wait_indirect_dma semaphore(%dma_wait3A_282 : memref<!tpu.dma_semaphore, #tpu.memory_space<semaphore_mem>>) src(%dma_wait3A_274 : memref<112x128xf32, #tpu.memory_space<vmem>>) dst(%dma_wait3A_280 : memref<10240x128xf32, #tpu.memory_space<vmem_shared>>)
      %dma_start3A_283 = arith.constant 5 : i32
      %dma_start3A_284 = arith.constant 2 : i32
      %dma_start3A_285 = arith.constant 2 : i32
      %dma_start3A_286 = arith.constant 0 : i32
      %dma_start3A_287 = arith.constant 0 : i32
      %dma_start3A_288 = tpu.memref_slice %arg9[%dma_start3A_284, %dma_start3A_286, %dma_start3A_287] : memref<3x112x128xf32, #tpu.memory_space<vmem>> -> memref<1x112x128xf32, #tpu.memory_space<vmem>>
      %dma_start3A_289 = tpu.memref_squeeze %dma_start3A_288 : memref<1x112x128xf32, #tpu.memory_space<vmem>> -> memref<112x128xf32, #tpu.memory_space<vmem>>
      %dma_start3A_290 = arith.constant 0 : i32
      %dma_start3A_291 = tpu.memref_slice %arg7[%rem3A_63, %dma_start3A_283, %dma_start3A_290] : memref<2x6x112xi32, #tpu.memory_space<vmem>> -> memref<1x1x112xi32, #tpu.memory_space<vmem>>
      %dma_start3A_292 = tpu.memref_squeeze %dma_start3A_291 : memref<1x1x112xi32, #tpu.memory_space<vmem>> -> memref<112xi32, #tpu.memory_space<vmem>>
      %dma_start3A_293 = arith.constant 0 : i32
      %dma_start3A_294 = arith.constant 0 : i32
      %dma_start3A_295 = tpu.memref_slice %arg2[%dma_start3A_293, %dma_start3A_294] : memref<10240x128xf32, #tpu.memory_space<hbm>> -> memref<10240x128xf32, #tpu.memory_space<hbm>>
      %dma_start3A_296 = tpu.memref_slice %arg12[%dma_start3A_285] : memref<3x!tpu.dma_semaphore, #tpu.memory_space<semaphore_mem>> -> memref<1x!tpu.dma_semaphore, #tpu.memory_space<semaphore_mem>>
      %dma_start3A_297 = tpu.memref_squeeze %dma_start3A_296 : memref<1x!tpu.dma_semaphore, #tpu.memory_space<semaphore_mem>> -> memref<!tpu.dma_semaphore, #tpu.memory_space<semaphore_mem>>
      tpu.enqueue_indirect_dma source(%dma_start3A_295 : memref<10240x128xf32, #tpu.memory_space<hbm>>) target(%dma_start3A_289 : memref<112x128xf32, #tpu.memory_space<vmem>>) offsets(%dma_start3A_292 : memref<112xi32, #tpu.memory_space<vmem>>) semaphore(%dma_start3A_297 : memref<!tpu.dma_semaphore, #tpu.memory_space<semaphore_mem>>)
      %dma_wait3A_298 = arith.constant 4 : i32
      %dma_wait3A_299 = arith.constant 1 : i32
      %dma_wait3A_300 = arith.constant 1 : i32
      %dma_wait3A_301 = arith.constant 0 : i32
      %dma_wait3A_302 = arith.constant 0 : i32
      %dma_wait3A_303 = tpu.memref_slice %arg9[%dma_wait3A_299, %dma_wait3A_301, %dma_wait3A_302] : memref<3x112x128xf32, #tpu.memory_space<vmem>> -> memref<1x112x128xf32, #tpu.memory_space<vmem>>
      %dma_wait3A_304 = tpu.memref_squeeze %dma_wait3A_303 : memref<1x112x128xf32, #tpu.memory_space<vmem>> -> memref<112x128xf32, #tpu.memory_space<vmem>>
      %dma_wait3A_305 = arith.constant 0 : i32
      %dma_wait3A_306 = tpu.memref_slice %arg7[%rem3A_63, %dma_wait3A_298, %dma_wait3A_305] : memref<2x6x112xi32, #tpu.memory_space<vmem>> -> memref<1x1x112xi32, #tpu.memory_space<vmem>>
      %dma_wait3A_307 = tpu.memref_squeeze %dma_wait3A_306 : memref<1x1x112xi32, #tpu.memory_space<vmem>> -> memref<112xi32, #tpu.memory_space<vmem>>
      %dma_wait3A_308 = arith.constant 0 : i32
      %dma_wait3A_309 = arith.constant 0 : i32
      %dma_wait3A_310 = tpu.memref_slice %arg2[%dma_wait3A_308, %dma_wait3A_309] : memref<10240x128xf32, #tpu.memory_space<hbm>> -> memref<10240x128xf32, #tpu.memory_space<hbm>>
      %dma_wait3A_311 = tpu.memref_slice %arg12[%dma_wait3A_300] : memref<3x!tpu.dma_semaphore, #tpu.memory_space<semaphore_mem>> -> memref<1x!tpu.dma_semaphore, #tpu.memory_space<semaphore_mem>>
      %dma_wait3A_312 = tpu.memref_squeeze %dma_wait3A_311 : memref<1x!tpu.dma_semaphore, #tpu.memory_space<semaphore_mem>> -> memref<!tpu.dma_semaphore, #tpu.memory_space<semaphore_mem>>
      tpu.wait_indirect_dma semaphore(%dma_wait3A_312 : memref<!tpu.dma_semaphore, #tpu.memory_space<semaphore_mem>>) src(%dma_wait3A_310 : memref<10240x128xf32, #tpu.memory_space<hbm>>) dst(%dma_wait3A_304 : memref<112x128xf32, #tpu.memory_space<vmem>>)
      %dma_start3A_313 = arith.constant 1 : i32
      %dma_start3A_314 = arith.constant 4 : i32
      %dma_start3A_315 = arith.constant 1 : i32
      %dma_start3A_316 = arith.constant 0 : i32
      %dma_start3A_317 = arith.constant 0 : i32
      %dma_start3A_318 = tpu.memref_slice %arg9[%dma_start3A_313, %dma_start3A_316, %dma_start3A_317] : memref<3x112x128xf32, #tpu.memory_space<vmem>> -> memref<1x112x128xf32, #tpu.memory_space<vmem>>
      %dma_start3A_319 = tpu.memref_squeeze %dma_start3A_318 : memref<1x112x128xf32, #tpu.memory_space<vmem>> -> memref<112x128xf32, #tpu.memory_space<vmem>>
      %dma_start3A_320 = arith.constant 0 : i32
      %dma_start3A_321 = tpu.memref_slice %arg8[%rem3A_63, %dma_start3A_314, %dma_start3A_320] : memref<2x6x112xi32, #tpu.memory_space<vmem>> -> memref<1x1x112xi32, #tpu.memory_space<vmem>>
      %dma_start3A_322 = tpu.memref_squeeze %dma_start3A_321 : memref<1x1x112xi32, #tpu.memory_space<vmem>> -> memref<112xi32, #tpu.memory_space<vmem>>
      %dma_start3A_323 = arith.constant 0 : i32
      %dma_start3A_324 = arith.constant 0 : i32
      %dma_start3A_325 = tpu.memref_slice %arg10[%dma_start3A_323, %dma_start3A_324] : memref<10240x128xf32, #tpu.memory_space<vmem_shared>> -> memref<10240x128xf32, #tpu.memory_space<vmem_shared>>
      %dma_start3A_326 = tpu.memref_slice %arg13[%dma_start3A_315] : memref<3x!tpu.dma_semaphore, #tpu.memory_space<semaphore_mem>> -> memref<1x!tpu.dma_semaphore, #tpu.memory_space<semaphore_mem>>
      %dma_start3A_327 = tpu.memref_squeeze %dma_start3A_326 : memref<1x!tpu.dma_semaphore, #tpu.memory_space<semaphore_mem>> -> memref<!tpu.dma_semaphore, #tpu.memory_space<semaphore_mem>>
      tpu.enqueue_indirect_dma source(%dma_start3A_319 : memref<112x128xf32, #tpu.memory_space<vmem>>) target(%dma_start3A_325 : memref<10240x128xf32, #tpu.memory_space<vmem_shared>>) offsets(%dma_start3A_322 : memref<112xi32, #tpu.memory_space<vmem>>) semaphore(%dma_start3A_327 : memref<!tpu.dma_semaphore, #tpu.memory_space<semaphore_mem>>) {add = true}
      %dma_wait3A_328 = arith.constant 0 : i32
      %dma_wait3A_329 = arith.constant 4 : i32
      %dma_wait3A_330 = arith.constant 0 : i32
      %dma_wait3A_331 = arith.constant 0 : i32
      %dma_wait3A_332 = arith.constant 0 : i32
      %dma_wait3A_333 = tpu.memref_slice %arg9[%dma_wait3A_328, %dma_wait3A_331, %dma_wait3A_332] : memref<3x112x128xf32, #tpu.memory_space<vmem>> -> memref<1x112x128xf32, #tpu.memory_space<vmem>>
      %dma_wait3A_334 = tpu.memref_squeeze %dma_wait3A_333 : memref<1x112x128xf32, #tpu.memory_space<vmem>> -> memref<112x128xf32, #tpu.memory_space<vmem>>
      %dma_wait3A_335 = arith.constant 0 : i32
      %dma_wait3A_336 = tpu.memref_slice %arg8[%rem3A_63, %dma_wait3A_329, %dma_wait3A_335] : memref<2x6x112xi32, #tpu.memory_space<vmem>> -> memref<1x1x112xi32, #tpu.memory_space<vmem>>
      %dma_wait3A_337 = tpu.memref_squeeze %dma_wait3A_336 : memref<1x1x112xi32, #tpu.memory_space<vmem>> -> memref<112xi32, #tpu.memory_space<vmem>>
      %dma_wait3A_338 = arith.constant 0 : i32
      %dma_wait3A_339 = arith.constant 0 : i32
      %dma_wait3A_340 = tpu.memref_slice %arg10[%dma_wait3A_338, %dma_wait3A_339] : memref<10240x128xf32, #tpu.memory_space<vmem_shared>> -> memref<10240x128xf32, #tpu.memory_space<vmem_shared>>
      %dma_wait3A_341 = tpu.memref_slice %arg13[%dma_wait3A_330] : memref<3x!tpu.dma_semaphore, #tpu.memory_space<semaphore_mem>> -> memref<1x!tpu.dma_semaphore, #tpu.memory_space<semaphore_mem>>
      %dma_wait3A_342 = tpu.memref_squeeze %dma_wait3A_341 : memref<1x!tpu.dma_semaphore, #tpu.memory_space<semaphore_mem>> -> memref<!tpu.dma_semaphore, #tpu.memory_space<semaphore_mem>>
      tpu.wait_indirect_dma semaphore(%dma_wait3A_342 : memref<!tpu.dma_semaphore, #tpu.memory_space<semaphore_mem>>) src(%dma_wait3A_334 : memref<112x128xf32, #tpu.memory_space<vmem>>) dst(%dma_wait3A_340 : memref<10240x128xf32, #tpu.memory_space<vmem_shared>>)
      %add3A_343 = arith.constant 1 : i32
      %add3A_344 = arith.addi %scan3A_62, %add3A_343 : i32
      %lt3A_345 = arith.constant 15 : i32
      %lt3A_346 = arith.cmpi slt, %add3A_344, %lt3A_345 : i32
      %convert_element_type3A_347 = arith.extui %lt3A_346 : i1 to i32
      %cond3A_348 = arith.constant 0 : i32
      %cond3A_349 = arith.cmpi ne, %convert_element_type3A_347, %cond3A_348 : i32
      scf.if %cond3A_349 {
        %add3A_409 = arith.constant 1 : i32
        %add3A_410 = arith.addi %scan3A_62, %add3A_409 : i32
        %dma_wait3A_411 = arith.constant 0 : i32
        %dma_wait3A_412 = arith.constant 0 : i32
        %dma_wait3A_413 = tpu.memref_slice %arg7[%sub3A_64, %dma_wait3A_411, %dma_wait3A_412] : memref<2x6x112xi32, #tpu.memory_space<vmem>> -> memref<1x6x112xi32, #tpu.memory_space<vmem>>
        %dma_wait3A_414 = tpu.memref_squeeze %dma_wait3A_413 : memref<1x6x112xi32, #tpu.memory_space<vmem>> -> memref<6x112xi32, #tpu.memory_space<vmem>>
        %dma_wait3A_415 = arith.constant 0 : i32
        %dma_wait3A_416 = arith.constant 0 : i32
        %dma_wait3A_417 = tpu.memref_slice %arg3[%add3A, %add3A_410, %dma_wait3A_415, %dma_wait3A_416] : memref<32x15x6x112xi32, #tpu.memory_space<hbm>> -> memref<1x1x6x112xi32, #tpu.memory_space<hbm>>
        %dma_wait3A_418 = tpu.memref_squeeze %dma_wait3A_417 : memref<1x1x6x112xi32, #tpu.memory_space<hbm>> -> memref<6x112xi32, #tpu.memory_space<hbm>>
        %dma_wait3A_419 = arith.constant 0 : i32
        %dma_wait3A_420 = arith.constant 0 : i32
        %dma_wait3A_421 = tpu.memref_slice %arg7[%sub3A_64, %dma_wait3A_419, %dma_wait3A_420] : memref<2x6x112xi32, #tpu.memory_space<vmem>> -> memref<1x6x112xi32, #tpu.memory_space<vmem>>
        %dma_wait3A_422 = tpu.memref_squeeze %dma_wait3A_421 : memref<1x6x112xi32, #tpu.memory_space<vmem>> -> memref<6x112xi32, #tpu.memory_space<vmem>>
        %dma_wait3A_423 = arith.constant 0 : i32
        %dma_wait3A_424 = arith.constant 0 : i32
        %dma_wait3A_425 = tpu.memref_slice %arg3[%add3A, %add3A_410, %dma_wait3A_423, %dma_wait3A_424] : memref<32x15x6x112xi32, #tpu.memory_space<hbm>> -> memref<1x1x6x112xi32, #tpu.memory_space<hbm>>
        %dma_wait3A_426 = tpu.memref_squeeze %dma_wait3A_425 : memref<1x1x6x112xi32, #tpu.memory_space<hbm>> -> memref<6x112xi32, #tpu.memory_space<hbm>>
        tpu.wait_dma2 semaphore(%arg11 : memref<!tpu.dma_semaphore, #tpu.memory_space<semaphore_mem>>) src(%dma_wait3A_426 : memref<6x112xi32, #tpu.memory_space<hbm>>) dst(%dma_wait3A_422 : memref<6x112xi32, #tpu.memory_space<vmem>>)
        %add3A_427 = arith.constant 1 : i32
        %add3A_428 = arith.addi %scan3A_62, %add3A_427 : i32
        %dma_wait3A_429 = arith.constant 0 : i32
        %dma_wait3A_430 = arith.constant 0 : i32
        %dma_wait3A_431 = tpu.memref_slice %arg8[%sub3A_64, %dma_wait3A_429, %dma_wait3A_430] : memref<2x6x112xi32, #tpu.memory_space<vmem>> -> memref<1x6x112xi32, #tpu.memory_space<vmem>>
        %dma_wait3A_432 = tpu.memref_squeeze %dma_wait3A_431 : memref<1x6x112xi32, #tpu.memory_space<vmem>> -> memref<6x112xi32, #tpu.memory_space<vmem>>
        %dma_wait3A_433 = arith.constant 0 : i32
        %dma_wait3A_434 = arith.constant 0 : i32
        %dma_wait3A_435 = tpu.memref_slice %arg4[%add3A, %add3A_428, %dma_wait3A_433, %dma_wait3A_434] : memref<32x15x6x112xi32, #tpu.memory_space<hbm>> -> memref<1x1x6x112xi32, #tpu.memory_space<hbm>>
        %dma_wait3A_436 = tpu.memref_squeeze %dma_wait3A_435 : memref<1x1x6x112xi32, #tpu.memory_space<hbm>> -> memref<6x112xi32, #tpu.memory_space<hbm>>
        %dma_wait3A_437 = arith.constant 0 : i32
        %dma_wait3A_438 = arith.constant 0 : i32
        %dma_wait3A_439 = tpu.memref_slice %arg8[%sub3A_64, %dma_wait3A_437, %dma_wait3A_438] : memref<2x6x112xi32, #tpu.memory_space<vmem>> -> memref<1x6x112xi32, #tpu.memory_space<vmem>>
        %dma_wait3A_440 = tpu.memref_squeeze %dma_wait3A_439 : memref<1x6x112xi32, #tpu.memory_space<vmem>> -> memref<6x112xi32, #tpu.memory_space<vmem>>
        %dma_wait3A_441 = arith.constant 0 : i32
        %dma_wait3A_442 = arith.constant 0 : i32
        %dma_wait3A_443 = tpu.memref_slice %arg4[%add3A, %add3A_428, %dma_wait3A_441, %dma_wait3A_442] : memref<32x15x6x112xi32, #tpu.memory_space<hbm>> -> memref<1x1x6x112xi32, #tpu.memory_space<hbm>>
        %dma_wait3A_444 = tpu.memref_squeeze %dma_wait3A_443 : memref<1x1x6x112xi32, #tpu.memory_space<hbm>> -> memref<6x112xi32, #tpu.memory_space<hbm>>
        tpu.wait_dma2 semaphore(%arg11 : memref<!tpu.dma_semaphore, #tpu.memory_space<semaphore_mem>>) src(%dma_wait3A_444 : memref<6x112xi32, #tpu.memory_space<hbm>>) dst(%dma_wait3A_440 : memref<6x112xi32, #tpu.memory_space<vmem>>)
      } else {
      }
      %add3A_350 = arith.constant 1 : i32
      %add3A_351 = arith.addi %scan3A_62, %add3A_350 : i32
      %lt3A_352 = arith.constant 15 : i32
      %lt3A_353 = arith.cmpi slt, %add3A_351, %lt3A_352 : i32
      %convert_element_type3A_354 = arith.extui %lt3A_353 : i1 to i32
      %cond3A_355 = arith.constant 0 : i32
      %cond3A_356 = arith.cmpi ne, %convert_element_type3A_354, %cond3A_355 : i32
      scf.if %cond3A_356 {
        %dma_start3A_409 = arith.constant 0 : i32
        %dma_start3A_410 = arith.constant 0 : i32
        %dma_start3A_411 = arith.constant 0 : i32
        %dma_start3A_412 = arith.constant 0 : i32
        %dma_start3A_413 = arith.constant 0 : i32
        %dma_start3A_414 = tpu.memref_slice %arg9[%dma_start3A_410, %dma_start3A_412, %dma_start3A_413] : memref<3x112x128xf32, #tpu.memory_space<vmem>> -> memref<1x112x128xf32, #tpu.memory_space<vmem>>
        %dma_start3A_415 = tpu.memref_squeeze %dma_start3A_414 : memref<1x112x128xf32, #tpu.memory_space<vmem>> -> memref<112x128xf32, #tpu.memory_space<vmem>>
        %dma_start3A_416 = arith.constant 0 : i32
        %dma_start3A_417 = tpu.memref_slice %arg7[%sub3A_64, %dma_start3A_409, %dma_start3A_416] : memref<2x6x112xi32, #tpu.memory_space<vmem>> -> memref<1x1x112xi32, #tpu.memory_space<vmem>>
        %dma_start3A_418 = tpu.memref_squeeze %dma_start3A_417 : memref<1x1x112xi32, #tpu.memory_space<vmem>> -> memref<112xi32, #tpu.memory_space<vmem>>
        %dma_start3A_419 = arith.constant 0 : i32
        %dma_start3A_420 = arith.constant 0 : i32
        %dma_start3A_421 = tpu.memref_slice %arg2[%dma_start3A_419, %dma_start3A_420] : memref<10240x128xf32, #tpu.memory_space<hbm>> -> memref<10240x128xf32, #tpu.memory_space<hbm>>
        %dma_start3A_422 = tpu.memref_slice %arg12[%dma_start3A_411] : memref<3x!tpu.dma_semaphore, #tpu.memory_space<semaphore_mem>> -> memref<1x!tpu.dma_semaphore, #tpu.memory_space<semaphore_mem>>
        %dma_start3A_423 = tpu.memref_squeeze %dma_start3A_422 : memref<1x!tpu.dma_semaphore, #tpu.memory_space<semaphore_mem>> -> memref<!tpu.dma_semaphore, #tpu.memory_space<semaphore_mem>>
        tpu.enqueue_indirect_dma source(%dma_start3A_421 : memref<10240x128xf32, #tpu.memory_space<hbm>>) target(%dma_start3A_415 : memref<112x128xf32, #tpu.memory_space<vmem>>) offsets(%dma_start3A_418 : memref<112xi32, #tpu.memory_space<vmem>>) semaphore(%dma_start3A_423 : memref<!tpu.dma_semaphore, #tpu.memory_space<semaphore_mem>>)
      } else {
      }
      %dma_wait3A_357 = arith.constant 5 : i32
      %dma_wait3A_358 = arith.constant 2 : i32
      %dma_wait3A_359 = arith.constant 2 : i32
      %dma_wait3A_360 = arith.constant 0 : i32
      %dma_wait3A_361 = arith.constant 0 : i32
      %dma_wait3A_362 = tpu.memref_slice %arg9[%dma_wait3A_358, %dma_wait3A_360, %dma_wait3A_361] : memref<3x112x128xf32, #tpu.memory_space<vmem>> -> memref<1x112x128xf32, #tpu.memory_space<vmem>>
      %dma_wait3A_363 = tpu.memref_squeeze %dma_wait3A_362 : memref<1x112x128xf32, #tpu.memory_space<vmem>> -> memref<112x128xf32, #tpu.memory_space<vmem>>
      %dma_wait3A_364 = arith.constant 0 : i32
      %dma_wait3A_365 = tpu.memref_slice %arg7[%rem3A_63, %dma_wait3A_357, %dma_wait3A_364] : memref<2x6x112xi32, #tpu.memory_space<vmem>> -> memref<1x1x112xi32, #tpu.memory_space<vmem>>
      %dma_wait3A_366 = tpu.memref_squeeze %dma_wait3A_365 : memref<1x1x112xi32, #tpu.memory_space<vmem>> -> memref<112xi32, #tpu.memory_space<vmem>>
      %dma_wait3A_367 = arith.constant 0 : i32
      %dma_wait3A_368 = arith.constant 0 : i32
      %dma_wait3A_369 = tpu.memref_slice %arg2[%dma_wait3A_367, %dma_wait3A_368] : memref<10240x128xf32, #tpu.memory_space<hbm>> -> memref<10240x128xf32, #tpu.memory_space<hbm>>
      %dma_wait3A_370 = tpu.memref_slice %arg12[%dma_wait3A_359] : memref<3x!tpu.dma_semaphore, #tpu.memory_space<semaphore_mem>> -> memref<1x!tpu.dma_semaphore, #tpu.memory_space<semaphore_mem>>
      %dma_wait3A_371 = tpu.memref_squeeze %dma_wait3A_370 : memref<1x!tpu.dma_semaphore, #tpu.memory_space<semaphore_mem>> -> memref<!tpu.dma_semaphore, #tpu.memory_space<semaphore_mem>>
      tpu.wait_indirect_dma semaphore(%dma_wait3A_371 : memref<!tpu.dma_semaphore, #tpu.memory_space<semaphore_mem>>) src(%dma_wait3A_369 : memref<10240x128xf32, #tpu.memory_space<hbm>>) dst(%dma_wait3A_363 : memref<112x128xf32, #tpu.memory_space<vmem>>)
      %dma_start3A_372 = arith.constant 2 : i32
      %dma_start3A_373 = arith.constant 5 : i32
      %dma_start3A_374 = arith.constant 2 : i32
      %dma_start3A_375 = arith.constant 0 : i32
      %dma_start3A_376 = arith.constant 0 : i32
      %dma_start3A_377 = tpu.memref_slice %arg9[%dma_start3A_372, %dma_start3A_375, %dma_start3A_376] : memref<3x112x128xf32, #tpu.memory_space<vmem>> -> memref<1x112x128xf32, #tpu.memory_space<vmem>>
      %dma_start3A_378 = tpu.memref_squeeze %dma_start3A_377 : memref<1x112x128xf32, #tpu.memory_space<vmem>> -> memref<112x128xf32, #tpu.memory_space<vmem>>
      %dma_start3A_379 = arith.constant 0 : i32
      %dma_start3A_380 = tpu.memref_slice %arg8[%rem3A_63, %dma_start3A_373, %dma_start3A_379] : memref<2x6x112xi32, #tpu.memory_space<vmem>> -> memref<1x1x112xi32, #tpu.memory_space<vmem>>
      %dma_start3A_381 = tpu.memref_squeeze %dma_start3A_380 : memref<1x1x112xi32, #tpu.memory_space<vmem>> -> memref<112xi32, #tpu.memory_space<vmem>>
      %dma_start3A_382 = arith.constant 0 : i32
      %dma_start3A_383 = arith.constant 0 : i32
      %dma_start3A_384 = tpu.memref_slice %arg10[%dma_start3A_382, %dma_start3A_383] : memref<10240x128xf32, #tpu.memory_space<vmem_shared>> -> memref<10240x128xf32, #tpu.memory_space<vmem_shared>>
      %dma_start3A_385 = tpu.memref_slice %arg13[%dma_start3A_374] : memref<3x!tpu.dma_semaphore, #tpu.memory_space<semaphore_mem>> -> memref<1x!tpu.dma_semaphore, #tpu.memory_space<semaphore_mem>>
      %dma_start3A_386 = tpu.memref_squeeze %dma_start3A_385 : memref<1x!tpu.dma_semaphore, #tpu.memory_space<semaphore_mem>> -> memref<!tpu.dma_semaphore, #tpu.memory_space<semaphore_mem>>
      tpu.enqueue_indirect_dma source(%dma_start3A_378 : memref<112x128xf32, #tpu.memory_space<vmem>>) target(%dma_start3A_384 : memref<10240x128xf32, #tpu.memory_space<vmem_shared>>) offsets(%dma_start3A_381 : memref<112xi32, #tpu.memory_space<vmem>>) semaphore(%dma_start3A_386 : memref<!tpu.dma_semaphore, #tpu.memory_space<semaphore_mem>>) {add = true}
      %dma_wait3A_387 = arith.constant 1 : i32
      %dma_wait3A_388 = arith.constant 5 : i32
      %dma_wait3A_389 = arith.constant 1 : i32
      %dma_wait3A_390 = arith.constant 0 : i32
      %dma_wait3A_391 = arith.constant 0 : i32
      %dma_wait3A_392 = tpu.memref_slice %arg9[%dma_wait3A_387, %dma_wait3A_390, %dma_wait3A_391] : memref<3x112x128xf32, #tpu.memory_space<vmem>> -> memref<1x112x128xf32, #tpu.memory_space<vmem>>
      %dma_wait3A_393 = tpu.memref_squeeze %dma_wait3A_392 : memref<1x112x128xf32, #tpu.memory_space<vmem>> -> memref<112x128xf32, #tpu.memory_space<vmem>>
      %dma_wait3A_394 = arith.constant 0 : i32
      %dma_wait3A_395 = tpu.memref_slice %arg8[%rem3A_63, %dma_wait3A_388, %dma_wait3A_394] : memref<2x6x112xi32, #tpu.memory_space<vmem>> -> memref<1x1x112xi32, #tpu.memory_space<vmem>>
      %dma_wait3A_396 = tpu.memref_squeeze %dma_wait3A_395 : memref<1x1x112xi32, #tpu.memory_space<vmem>> -> memref<112xi32, #tpu.memory_space<vmem>>
      %dma_wait3A_397 = arith.constant 0 : i32
      %dma_wait3A_398 = arith.constant 0 : i32
      %dma_wait3A_399 = tpu.memref_slice %arg10[%dma_wait3A_397, %dma_wait3A_398] : memref<10240x128xf32, #tpu.memory_space<vmem_shared>> -> memref<10240x128xf32, #tpu.memory_space<vmem_shared>>
      %dma_wait3A_400 = tpu.memref_slice %arg13[%dma_wait3A_389] : memref<3x!tpu.dma_semaphore, #tpu.memory_space<semaphore_mem>> -> memref<1x!tpu.dma_semaphore, #tpu.memory_space<semaphore_mem>>
      %dma_wait3A_401 = tpu.memref_squeeze %dma_wait3A_400 : memref<1x!tpu.dma_semaphore, #tpu.memory_space<semaphore_mem>> -> memref<!tpu.dma_semaphore, #tpu.memory_space<semaphore_mem>>
      tpu.wait_indirect_dma semaphore(%dma_wait3A_401 : memref<!tpu.dma_semaphore, #tpu.memory_space<semaphore_mem>>) src(%dma_wait3A_393 : memref<112x128xf32, #tpu.memory_space<vmem>>) dst(%dma_wait3A_399 : memref<10240x128xf32, #tpu.memory_space<vmem_shared>>)
      %add3A_402 = arith.constant 1 : i32
      %add3A_403 = arith.addi %scan3A_62, %add3A_402 : i32
      %lt3A_404 = arith.constant 15 : i32
      %lt3A_405 = arith.cmpi slt, %add3A_403, %lt3A_404 : i32
      %convert_element_type3A_406 = arith.extui %lt3A_405 : i1 to i32
      %cond3A_407 = arith.constant 0 : i32
      %cond3A_408 = arith.cmpi ne, %convert_element_type3A_406, %cond3A_407 : i32
      scf.if %cond3A_408 {
        %dma_start3A_409 = arith.constant 1 : i32
        %dma_start3A_410 = arith.constant 1 : i32
        %dma_start3A_411 = arith.constant 1 : i32
        %dma_start3A_412 = arith.constant 0 : i32
        %dma_start3A_413 = arith.constant 0 : i32
        %dma_start3A_414 = tpu.memref_slice %arg9[%dma_start3A_410, %dma_start3A_412, %dma_start3A_413] : memref<3x112x128xf32, #tpu.memory_space<vmem>> -> memref<1x112x128xf32, #tpu.memory_space<vmem>>
        %dma_start3A_415 = tpu.memref_squeeze %dma_start3A_414 : memref<1x112x128xf32, #tpu.memory_space<vmem>> -> memref<112x128xf32, #tpu.memory_space<vmem>>
        %dma_start3A_416 = arith.constant 0 : i32
        %dma_start3A_417 = tpu.memref_slice %arg7[%sub3A_64, %dma_start3A_409, %dma_start3A_416] : memref<2x6x112xi32, #tpu.memory_space<vmem>> -> memref<1x1x112xi32, #tpu.memory_space<vmem>>
        %dma_start3A_418 = tpu.memref_squeeze %dma_start3A_417 : memref<1x1x112xi32, #tpu.memory_space<vmem>> -> memref<112xi32, #tpu.memory_space<vmem>>
        %dma_start3A_419 = arith.constant 0 : i32
        %dma_start3A_420 = arith.constant 0 : i32
        %dma_start3A_421 = tpu.memref_slice %arg2[%dma_start3A_419, %dma_start3A_420] : memref<10240x128xf32, #tpu.memory_space<hbm>> -> memref<10240x128xf32, #tpu.memory_space<hbm>>
        %dma_start3A_422 = tpu.memref_slice %arg12[%dma_start3A_411] : memref<3x!tpu.dma_semaphore, #tpu.memory_space<semaphore_mem>> -> memref<1x!tpu.dma_semaphore, #tpu.memory_space<semaphore_mem>>
        %dma_start3A_423 = tpu.memref_squeeze %dma_start3A_422 : memref<1x!tpu.dma_semaphore, #tpu.memory_space<semaphore_mem>> -> memref<!tpu.dma_semaphore, #tpu.memory_space<semaphore_mem>>
        tpu.enqueue_indirect_dma source(%dma_start3A_421 : memref<10240x128xf32, #tpu.memory_space<hbm>>) target(%dma_start3A_415 : memref<112x128xf32, #tpu.memory_space<vmem>>) offsets(%dma_start3A_418 : memref<112xi32, #tpu.memory_space<vmem>>) semaphore(%dma_start3A_423 : memref<!tpu.dma_semaphore, #tpu.memory_space<semaphore_mem>>)
      } else {
      }
    }
    %scan3A_41 = arith.constant 15 : i32
    %dma_wait3A = arith.constant 2 : i32
    %dma_wait3A_42 = arith.constant 0 : i32
    %dma_wait3A_43 = arith.constant 5 : i32
    %dma_wait3A_44 = arith.constant 2 : i32
    %dma_wait3A_45 = arith.constant 0 : i32
    %dma_wait3A_46 = arith.constant 0 : i32
    %dma_wait3A_47 = tpu.memref_slice %arg9[%dma_wait3A, %dma_wait3A_45, %dma_wait3A_46] : memref<3x112x128xf32, #tpu.memory_space<vmem>> -> memref<1x112x128xf32, #tpu.memory_space<vmem>>
    %dma_wait3A_48 = tpu.memref_squeeze %dma_wait3A_47 : memref<1x112x128xf32, #tpu.memory_space<vmem>> -> memref<112x128xf32, #tpu.memory_space<vmem>>
    %dma_wait3A_49 = arith.constant 0 : i32
    %dma_wait3A_50 = tpu.memref_slice %arg8[%dma_wait3A_42, %dma_wait3A_43, %dma_wait3A_49] : memref<2x6x112xi32, #tpu.memory_space<vmem>> -> memref<1x1x112xi32, #tpu.memory_space<vmem>>
    %dma_wait3A_51 = tpu.memref_squeeze %dma_wait3A_50 : memref<1x1x112xi32, #tpu.memory_space<vmem>> -> memref<112xi32, #tpu.memory_space<vmem>>
    %dma_wait3A_52 = arith.constant 0 : i32
    %dma_wait3A_53 = arith.constant 0 : i32
    %dma_wait3A_54 = tpu.memref_slice %arg10[%dma_wait3A_52, %dma_wait3A_53] : memref<10240x128xf32, #tpu.memory_space<vmem_shared>> -> memref<10240x128xf32, #tpu.memory_space<vmem_shared>>
    %dma_wait3A_55 = tpu.memref_slice %arg13[%dma_wait3A_44] : memref<3x!tpu.dma_semaphore, #tpu.memory_space<semaphore_mem>> -> memref<1x!tpu.dma_semaphore, #tpu.memory_space<semaphore_mem>>
    %dma_wait3A_56 = tpu.memref_squeeze %dma_wait3A_55 : memref<1x!tpu.dma_semaphore, #tpu.memory_space<semaphore_mem>> -> memref<!tpu.dma_semaphore, #tpu.memory_space<semaphore_mem>>
    tpu.wait_indirect_dma semaphore(%dma_wait3A_56 : memref<!tpu.dma_semaphore, #tpu.memory_space<semaphore_mem>>) src(%dma_wait3A_48 : memref<112x128xf32, #tpu.memory_space<vmem>>) dst(%dma_wait3A_54 : memref<10240x128xf32, #tpu.memory_space<vmem_shared>>)
    %barrier3A_57 = arith.constant 0 : index
    tpu.barrier barrier_id(%barrier3A_57)
    %mul3A_58 = arith.constant 640 : i32
    %mul3A_59 = arith.muli %arg1, %mul3A_58 : i32
    %mul3A_60 = arith.constant 640 : i32
    %mul3A_61 = arith.muli %arg1, %mul3A_60 : i32
    "tpu.region"() ({
      %run_scoped3A_62 = tpu.sem_alloc : memref<!tpu.dma_semaphore, #tpu.memory_space<semaphore_mem>>
      %dma_start3A_63 = arith.constant 0 : i32
      %dma_start3A_64 = tpu.memref_slice %arg6[%arg0, %mul3A_61, %dma_start3A_63] : memref<2x10240x128xf32, #tpu.memory_space<hbm>> -> memref<1x640x128xf32, #tpu.memory_space<hbm>>
      %dma_start3A_65 = tpu.memref_squeeze %dma_start3A_64 : memref<1x640x128xf32, #tpu.memory_space<hbm>> -> memref<640x128xf32, #tpu.memory_space<hbm>>
      %dma_start3A_66 = arith.constant 0 : i32
      %dma_start3A_67 = tpu.memref_slice %arg10[%mul3A_59, %dma_start3A_66] : memref<10240x128xf32, #tpu.memory_space<vmem_shared>> -> memref<640x128xf32, #tpu.memory_space<vmem_shared>>
      tpu.enqueue_dma source(%dma_start3A_67 : memref<640x128xf32, #tpu.memory_space<vmem_shared>>) target(%dma_start3A_65 : memref<640x128xf32, #tpu.memory_space<hbm>>) target_semaphore(%run_scoped3A_62 : memref<!tpu.dma_semaphore, #tpu.memory_space<semaphore_mem>>)
      %dma_wait3A_68 = arith.constant 0 : i32
      %dma_wait3A_69 = tpu.memref_slice %arg6[%arg0, %mul3A_61, %dma_wait3A_68] : memref<2x10240x128xf32, #tpu.memory_space<hbm>> -> memref<1x640x128xf32, #tpu.memory_space<hbm>>
      %dma_wait3A_70 = tpu.memref_squeeze %dma_wait3A_69 : memref<1x640x128xf32, #tpu.memory_space<hbm>> -> memref<640x128xf32, #tpu.memory_space<hbm>>
      %dma_wait3A_71 = arith.constant 0 : i32
      %dma_wait3A_72 = tpu.memref_slice %arg10[%mul3A_59, %dma_wait3A_71] : memref<10240x128xf32, #tpu.memory_space<vmem_shared>> -> memref<640x128xf32, #tpu.memory_space<vmem_shared>>
      tpu.wait_dma2 semaphore(%run_scoped3A_62 : memref<!tpu.dma_semaphore, #tpu.memory_space<semaphore_mem>>) src(%dma_wait3A_72 : memref<640x128xf32, #tpu.memory_space<vmem_shared>>) dst(%dma_wait3A_70 : memref<640x128xf32, #tpu.memory_space<hbm>>)
      tpu.yield
    }) : () -> ()
    return
  }
}

#map = affine_map<(d0, d1) -> (0, 0)>
#map1 = affine_map<(d0, d1) -> (0, 0, 0, 0)>
#map2 = affine_map<(d0, d1) -> (0, 0, 0)>
module attributes {stable_mosaic.version = 14 : i64} {
  func.func @scat(%arg0: i32, %arg1: i32, %arg2: memref<10240x128xf32, #tpu.memory_space<hbm>>, %arg3: memref<32x15x6x112xi32, #tpu.memory_space<hbm>>, %arg4: memref<32x15x6x112xi32, #tpu.memory_space<hbm>>, %arg5: memref<640x128xf32, #tpu.memory_space<hbm>>, %arg6: memref<2x10240x128xf32, #tpu.memory_space<hbm>>, %arg7: memref<2x6x112xi32, #tpu.memory_space<vmem>>, %arg8: memref<2x6x112xi32, #tpu.memory_space<vmem>>, %arg9: memref<3x112x128xf32, #tpu.memory_space<vmem>>, %arg10: memref<10240x128xf32, #tpu.memory_space<vmem_shared>>, %arg11: memref<!tpu.dma_semaphore, #tpu.memory_space<semaphore_mem>>, %arg12: memref<3x!tpu.dma_semaphore, #tpu.memory_space<semaphore_mem>>, %arg13: memref<3x!tpu.dma_semaphore, #tpu.memory_space<semaphore_mem>>) attributes {dimension_semantics = [#tpu.dimension_semantics<core_parallel>, #tpu.dimension_semantics<subcore_parallel>], iteration_bounds = array<i64: 2, 16>, scalar_prefetch = 0 : i64, scratch_operands = 7 : i64, tpu.core_type = #tpu.core_type<sc_vector_subcore>, window_params = [{transform_indices = #map}, {transform_indices = #map1}, {transform_indices = #map1}, {transform_indices = #map}, {transform_indices = #map2}]} {
    %mul3A = arith.constant 16 : i32
    %mul3A_0 = arith.muli %arg0, %mul3A : i32
    %add3A = arith.addi %mul3A_0, %arg1 : i32
    %mul3A_1 = arith.constant 640 : i32
    %mul3A_2 = arith.muli %arg1, %mul3A_1 : i32
    "tpu.region"() ({
      %run_scoped3A_62 = tpu.sem_alloc : memref<!tpu.dma_semaphore, #tpu.memory_space<semaphore_mem>>
      %dma_start3A_63 = arith.constant 0 : i32
      %dma_start3A_64 = tpu.memref_slice %arg10[%mul3A_2, %dma_start3A_63] : memref<10240x128xf32, #tpu.memory_space<vmem_shared>> -> memref<640x128xf32, #tpu.memory_space<vmem_shared>>
      tpu.enqueue_dma source(%arg5 : memref<640x128xf32, #tpu.memory_space<hbm>>) target(%dma_start3A_64 : memref<640x128xf32, #tpu.memory_space<vmem_shared>>) target_semaphore(%run_scoped3A_62 : memref<!tpu.dma_semaphore, #tpu.memory_space<semaphore_mem>>)
      %dma_wait3A_65 = arith.constant 0 : i32
      %dma_wait3A_66 = tpu.memref_slice %arg10[%mul3A_2, %dma_wait3A_65] : memref<10240x128xf32, #tpu.memory_space<vmem_shared>> -> memref<640x128xf32, #tpu.memory_space<vmem_shared>>
      tpu.wait_dma2 semaphore(%run_scoped3A_62 : memref<!tpu.dma_semaphore, #tpu.memory_space<semaphore_mem>>) src(%arg5 : memref<640x128xf32, #tpu.memory_space<hbm>>) dst(%dma_wait3A_66 : memref<640x128xf32, #tpu.memory_space<vmem_shared>>)
      tpu.yield
    }) : () -> ()
    %run_scoped3A = arith.constant 0 : i32
    %run_scoped3A_3 = arith.constant 0 : i32
    "tpu.region"() ({
      %run_scoped3A_62 = tpu.sem_alloc : memref<!tpu.dma_semaphore, #tpu.memory_space<semaphore_mem>>
      %dma_start3A_63 = arith.constant 0 : i32
      %dma_start3A_64 = arith.constant 0 : i32
      %dma_start3A_65 = tpu.memref_slice %arg7[%run_scoped3A_3, %dma_start3A_63, %dma_start3A_64] : memref<2x6x112xi32, #tpu.memory_space<vmem>> -> memref<1x6x112xi32, #tpu.memory_space<vmem>>
      %dma_start3A_66 = tpu.memref_squeeze %dma_start3A_65 : memref<1x6x112xi32, #tpu.memory_space<vmem>> -> memref<6x112xi32, #tpu.memory_space<vmem>>
      %dma_start3A_67 = arith.constant 0 : i32
      %dma_start3A_68 = arith.constant 0 : i32
      %dma_start3A_69 = tpu.memref_slice %arg3[%add3A, %run_scoped3A, %dma_start3A_67, %dma_start3A_68] : memref<32x15x6x112xi32, #tpu.memory_space<hbm>> -> memref<1x1x6x112xi32, #tpu.memory_space<hbm>>
      %dma_start3A_70 = tpu.memref_squeeze %dma_start3A_69 : memref<1x1x6x112xi32, #tpu.memory_space<hbm>> -> memref<6x112xi32, #tpu.memory_space<hbm>>
      %dma_start3A_71 = arith.constant 0 : i32
      %dma_start3A_72 = arith.constant 0 : i32
      %dma_start3A_73 = tpu.memref_slice %arg7[%run_scoped3A_3, %dma_start3A_71, %dma_start3A_72] : memref<2x6x112xi32, #tpu.memory_space<vmem>> -> memref<1x6x112xi32, #tpu.memory_space<vmem>>
      %dma_start3A_74 = tpu.memref_squeeze %dma_start3A_73 : memref<1x6x112xi32, #tpu.memory_space<vmem>> -> memref<6x112xi32, #tpu.memory_space<vmem>>
      %dma_start3A_75 = arith.constant 0 : i32
      %dma_start3A_76 = arith.constant 0 : i32
      %dma_start3A_77 = tpu.memref_slice %arg3[%add3A, %run_scoped3A, %dma_start3A_75, %dma_start3A_76] : memref<32x15x6x112xi32, #tpu.memory_space<hbm>> -> memref<1x1x6x112xi32, #tpu.memory_space<hbm>>
      %dma_start3A_78 = tpu.memref_squeeze %dma_start3A_77 : memref<1x1x6x112xi32, #tpu.memory_space<hbm>> -> memref<6x112xi32, #tpu.memory_space<hbm>>
      tpu.enqueue_dma source(%dma_start3A_78 : memref<6x112xi32, #tpu.memory_space<hbm>>) target(%dma_start3A_74 : memref<6x112xi32, #tpu.memory_space<vmem>>) target_semaphore(%run_scoped3A_62 : memref<!tpu.dma_semaphore, #tpu.memory_space<semaphore_mem>>)
      %dma_wait3A_79 = arith.constant 0 : i32
      %dma_wait3A_80 = arith.constant 0 : i32
      %dma_wait3A_81 = tpu.memref_slice %arg7[%run_scoped3A_3, %dma_wait3A_79, %dma_wait3A_80] : memref<2x6x112xi32, #tpu.memory_space<vmem>> -> memref<1x6x112xi32, #tpu.memory_space<vmem>>
      %dma_wait3A_82 = tpu.memref_squeeze %dma_wait3A_81 : memref<1x6x112xi32, #tpu.memory_space<vmem>> -> memref<6x112xi32, #tpu.memory_space<vmem>>
      %dma_wait3A_83 = arith.constant 0 : i32
      %dma_wait3A_84 = arith.constant 0 : i32
      %dma_wait3A_85 = tpu.memref_slice %arg3[%add3A, %run_scoped3A, %dma_wait3A_83, %dma_wait3A_84] : memref<32x15x6x112xi32, #tpu.memory_space<hbm>> -> memref<1x1x6x112xi32, #tpu.memory_space<hbm>>
      %dma_wait3A_86 = tpu.memref_squeeze %dma_wait3A_85 : memref<1x1x6x112xi32, #tpu.memory_space<hbm>> -> memref<6x112xi32, #tpu.memory_space<hbm>>
      %dma_wait3A_87 = arith.constant 0 : i32
      %dma_wait3A_88 = arith.constant 0 : i32
      %dma_wait3A_89 = tpu.memref_slice %arg7[%run_scoped3A_3, %dma_wait3A_87, %dma_wait3A_88] : memref<2x6x112xi32, #tpu.memory_space<vmem>> -> memref<1x6x112xi32, #tpu.memory_space<vmem>>
      %dma_wait3A_90 = tpu.memref_squeeze %dma_wait3A_89 : memref<1x6x112xi32, #tpu.memory_space<vmem>> -> memref<6x112xi32, #tpu.memory_space<vmem>>
      %dma_wait3A_91 = arith.constant 0 : i32
      %dma_wait3A_92 = arith.constant 0 : i32
      %dma_wait3A_93 = tpu.memref_slice %arg3[%add3A, %run_scoped3A, %dma_wait3A_91, %dma_wait3A_92] : memref<32x15x6x112xi32, #tpu.memory_space<hbm>> -> memref<1x1x6x112xi32, #tpu.memory_space<hbm>>
      %dma_wait3A_94 = tpu.memref_squeeze %dma_wait3A_93 : memref<1x1x6x112xi32, #tpu.memory_space<hbm>> -> memref<6x112xi32, #tpu.memory_space<hbm>>
      tpu.wait_dma2 semaphore(%run_scoped3A_62 : memref<!tpu.dma_semaphore, #tpu.memory_space<semaphore_mem>>) src(%dma_wait3A_94 : memref<6x112xi32, #tpu.memory_space<hbm>>) dst(%dma_wait3A_90 : memref<6x112xi32, #tpu.memory_space<vmem>>)
      tpu.yield
    }) : () -> ()
    %run_scoped3A_4 = arith.constant 0 : i32
    %run_scoped3A_5 = arith.constant 0 : i32
    "tpu.region"() ({
      %run_scoped3A_62 = tpu.sem_alloc : memref<!tpu.dma_semaphore, #tpu.memory_space<semaphore_mem>>
      %dma_start3A_63 = arith.constant 0 : i32
      %dma_start3A_64 = arith.constant 0 : i32
      %dma_start3A_65 = tpu.memref_slice %arg8[%run_scoped3A_5, %dma_start3A_63, %dma_start3A_64] : memref<2x6x112xi32, #tpu.memory_space<vmem>> -> memref<1x6x112xi32, #tpu.memory_space<vmem>>
      %dma_start3A_66 = tpu.memref_squeeze %dma_start3A_65 : memref<1x6x112xi32, #tpu.memory_space<vmem>> -> memref<6x112xi32, #tpu.memory_space<vmem>>
      %dma_start3A_67 = arith.constant 0 : i32
      %dma_start3A_68 = arith.constant 0 : i32
      %dma_start3A_69 = tpu.memref_slice %arg4[%add3A, %run_scoped3A_4, %dma_start3A_67, %dma_start3A_68] : memref<32x15x6x112xi32, #tpu.memory_space<hbm>> -> memref<1x1x6x112xi32, #tpu.memory_space<hbm>>
      %dma_start3A_70 = tpu.memref_squeeze %dma_start3A_69 : memref<1x1x6x112xi32, #tpu.memory_space<hbm>> -> memref<6x112xi32, #tpu.memory_space<hbm>>
      %dma_start3A_71 = arith.constant 0 : i32
      %dma_start3A_72 = arith.constant 0 : i32
      %dma_start3A_73 = tpu.memref_slice %arg8[%run_scoped3A_5, %dma_start3A_71, %dma_start3A_72] : memref<2x6x112xi32, #tpu.memory_space<vmem>> -> memref<1x6x112xi32, #tpu.memory_space<vmem>>
      %dma_start3A_74 = tpu.memref_squeeze %dma_start3A_73 : memref<1x6x112xi32, #tpu.memory_space<vmem>> -> memref<6x112xi32, #tpu.memory_space<vmem>>
      %dma_start3A_75 = arith.constant 0 : i32
      %dma_start3A_76 = arith.constant 0 : i32
      %dma_start3A_77 = tpu.memref_slice %arg4[%add3A, %run_scoped3A_4, %dma_start3A_75, %dma_start3A_76] : memref<32x15x6x112xi32, #tpu.memory_space<hbm>> -> memref<1x1x6x112xi32, #tpu.memory_space<hbm>>
      %dma_start3A_78 = tpu.memref_squeeze %dma_start3A_77 : memref<1x1x6x112xi32, #tpu.memory_space<hbm>> -> memref<6x112xi32, #tpu.memory_space<hbm>>
      tpu.enqueue_dma source(%dma_start3A_78 : memref<6x112xi32, #tpu.memory_space<hbm>>) target(%dma_start3A_74 : memref<6x112xi32, #tpu.memory_space<vmem>>) target_semaphore(%run_scoped3A_62 : memref<!tpu.dma_semaphore, #tpu.memory_space<semaphore_mem>>)
      %dma_wait3A_79 = arith.constant 0 : i32
      %dma_wait3A_80 = arith.constant 0 : i32
      %dma_wait3A_81 = tpu.memref_slice %arg8[%run_scoped3A_5, %dma_wait3A_79, %dma_wait3A_80] : memref<2x6x112xi32, #tpu.memory_space<vmem>> -> memref<1x6x112xi32, #tpu.memory_space<vmem>>
      %dma_wait3A_82 = tpu.memref_squeeze %dma_wait3A_81 : memref<1x6x112xi32, #tpu.memory_space<vmem>> -> memref<6x112xi32, #tpu.memory_space<vmem>>
      %dma_wait3A_83 = arith.constant 0 : i32
      %dma_wait3A_84 = arith.constant 0 : i32
      %dma_wait3A_85 = tpu.memref_slice %arg4[%add3A, %run_scoped3A_4, %dma_wait3A_83, %dma_wait3A_84] : memref<32x15x6x112xi32, #tpu.memory_space<hbm>> -> memref<1x1x6x112xi32, #tpu.memory_space<hbm>>
      %dma_wait3A_86 = tpu.memref_squeeze %dma_wait3A_85 : memref<1x1x6x112xi32, #tpu.memory_space<hbm>> -> memref<6x112xi32, #tpu.memory_space<hbm>>
      %dma_wait3A_87 = arith.constant 0 : i32
      %dma_wait3A_88 = arith.constant 0 : i32
      %dma_wait3A_89 = tpu.memref_slice %arg8[%run_scoped3A_5, %dma_wait3A_87, %dma_wait3A_88] : memref<2x6x112xi32, #tpu.memory_space<vmem>> -> memref<1x6x112xi32, #tpu.memory_space<vmem>>
      %dma_wait3A_90 = tpu.memref_squeeze %dma_wait3A_89 : memref<1x6x112xi32, #tpu.memory_space<vmem>> -> memref<6x112xi32, #tpu.memory_space<vmem>>
      %dma_wait3A_91 = arith.constant 0 : i32
      %dma_wait3A_92 = arith.constant 0 : i32
      %dma_wait3A_93 = tpu.memref_slice %arg4[%add3A, %run_scoped3A_4, %dma_wait3A_91, %dma_wait3A_92] : memref<32x15x6x112xi32, #tpu.memory_space<hbm>> -> memref<1x1x6x112xi32, #tpu.memory_space<hbm>>
      %dma_wait3A_94 = tpu.memref_squeeze %dma_wait3A_93 : memref<1x1x6x112xi32, #tpu.memory_space<hbm>> -> memref<6x112xi32, #tpu.memory_space<hbm>>
      tpu.wait_dma2 semaphore(%run_scoped3A_62 : memref<!tpu.dma_semaphore, #tpu.memory_space<semaphore_mem>>) src(%dma_wait3A_94 : memref<6x112xi32, #tpu.memory_space<hbm>>) dst(%dma_wait3A_90 : memref<6x112xi32, #tpu.memory_space<vmem>>)
      tpu.yield
    }) : () -> ()
    %dma_start3A = arith.constant 0 : i32
    %dma_start3A_6 = arith.constant 0 : i32
    %dma_start3A_7 = arith.constant 0 : i32
    %dma_start3A_8 = arith.constant 0 : i32
    %dma_start3A_9 = arith.constant 0 : i32
    %dma_start3A_10 = arith.constant 0 : i32
    %dma_start3A_11 = tpu.memref_slice %arg9[%dma_start3A_7, %dma_start3A_9, %dma_start3A_10] : memref<3x112x128xf32, #tpu.memory_space<vmem>> -> memref<1x112x128xf32, #tpu.memory_space<vmem>>
    %dma_start3A_12 = tpu.memref_squeeze %dma_start3A_11 : memref<1x112x128xf32, #tpu.memory_space<vmem>> -> memref<112x128xf32, #tpu.memory_space<vmem>>
    %dma_start3A_13 = arith.constant 0 : i32
    %dma_start3A_14 = tpu.memref_slice %arg7[%dma_start3A, %dma_start3A_6, %dma_start3A_13] : memref<2x6x112xi32, #tpu.memory_space<vmem>> -> memref<1x1x112xi32, #tpu.memory_space<vmem>>
    %dma_start3A_15 = tpu.memref_squeeze %dma_start3A_14 : memref<1x1x112xi32, #tpu.memory_space<vmem>> -> memref<112xi32, #tpu.memory_space<vmem>>
    %dma_start3A_16 = arith.constant 0 : i32
    %dma_start3A_17 = arith.constant 0 : i32
    %dma_start3A_18 = tpu.memref_slice %arg2[%dma_start3A_16, %dma_start3A_17] : memref<10240x128xf32, #tpu.memory_space<hbm>> -> memref<10240x128xf32, #tpu.memory_space<hbm>>
    %dma_start3A_19 = tpu.memref_slice %arg12[%dma_start3A_8] : memref<3x!tpu.dma_semaphore, #tpu.memory_space<semaphore_mem>> -> memref<1x!tpu.dma_semaphore, #tpu.memory_space<semaphore_mem>>
    %dma_start3A_20 = tpu.memref_squeeze %dma_start3A_19 : memref<1x!tpu.dma_semaphore, #tpu.memory_space<semaphore_mem>> -> memref<!tpu.dma_semaphore, #tpu.memory_space<semaphore_mem>>
    tpu.enqueue_indirect_dma source(%dma_start3A_18 : memref<10240x128xf32, #tpu.memory_space<hbm>>) target(%dma_start3A_12 : memref<112x128xf32, #tpu.memory_space<vmem>>) offsets(%dma_start3A_15 : memref<112xi32, #tpu.memory_space<vmem>>) semaphore(%dma_start3A_20 : memref<!tpu.dma_semaphore, #tpu.memory_space<semaphore_mem>>)
    %dma_start3A_21 = arith.constant 0 : i32
    %dma_start3A_22 = arith.constant 1 : i32
    %dma_start3A_23 = arith.constant 1 : i32
    %dma_start3A_24 = arith.constant 1 : i32
    %dma_start3A_25 = arith.constant 0 : i32
    %dma_start3A_26 = arith.constant 0 : i32
    %dma_start3A_27 = tpu.memref_slice %arg9[%dma_start3A_23, %dma_start3A_25, %dma_start3A_26] : memref<3x112x128xf32, #tpu.memory_space<vmem>> -> memref<1x112x128xf32, #tpu.memory_space<vmem>>
    %dma_start3A_28 = tpu.memref_squeeze %dma_start3A_27 : memref<1x112x128xf32, #tpu.memory_space<vmem>> -> memref<112x128xf32, #tpu.memory_space<vmem>>
    %dma_start3A_29 = arith.constant 0 : i32
    %dma_start3A_30 = tpu.memref_slice %arg7[%dma_start3A_21, %dma_start3A_22, %dma_start3A_29] : memref<2x6x112xi32, #tpu.memory_space<vmem>> -> memref<1x1x112xi32, #tpu.memory_space<vmem>>
    %dma_start3A_31 = tpu.memref_squeeze %dma_start3A_30 : memref<1x1x112xi32, #tpu.memory_space<vmem>> -> memref<112xi32, #tpu.memory_space<vmem>>
    %dma_start3A_32 = arith.constant 0 : i32
    %dma_start3A_33 = arith.constant 0 : i32
    %dma_start3A_34 = tpu.memref_slice %arg2[%dma_start3A_32, %dma_start3A_33] : memref<10240x128xf32, #tpu.memory_space<hbm>> -> memref<10240x128xf32, #tpu.memory_space<hbm>>
    %dma_start3A_35 = tpu.memref_slice %arg12[%dma_start3A_24] : memref<3x!tpu.dma_semaphore, #tpu.memory_space<semaphore_mem>> -> memref<1x!tpu.dma_semaphore, #tpu.memory_space<semaphore_mem>>
    %dma_start3A_36 = tpu.memref_squeeze %dma_start3A_35 : memref<1x!tpu.dma_semaphore, #tpu.memory_space<semaphore_mem>> -> memref<!tpu.dma_semaphore, #tpu.memory_space<semaphore_mem>>
    tpu.enqueue_indirect_dma source(%dma_start3A_34 : memref<10240x128xf32, #tpu.memory_space<hbm>>) target(%dma_start3A_28 : memref<112x128xf32, #tpu.memory_space<vmem>>) offsets(%dma_start3A_31 : memref<112xi32, #tpu.memory_space<vmem>>) semaphore(%dma_start3A_36 : memref<!tpu.dma_semaphore, #tpu.memory_space<semaphore_mem>>)
    %barrier3A = arith.constant 0 : index
    tpu.barrier barrier_id(%barrier3A)
    %scan3A = arith.constant 0 : i32
    %scan3A_37 = arith.constant 0 : i32
    %scan3A_38 = arith.constant 15 : i32
    %scan3A_39 = arith.addi %scan3A_37, %scan3A_38 : i32
    %scan3A_40 = arith.constant 1 : i32
    scf.for %scan3A_62 = %scan3A_37 to %scan3A_39 step %scan3A_40  : i32 {
      %rem3A = arith.constant 2 : i32
      %rem3A_63 = arith.remsi %scan3A_62, %rem3A : i32
      %sub3A = arith.constant 1 : i32
      %sub3A_64 = arith.subi %sub3A, %rem3A_63 : i32
      %dma_wait3A_65 = arith.constant 0 : i32
      %dma_wait3A_66 = arith.constant 0 : i32
      %dma_wait3A_67 = arith.constant 0 : i32
      %dma_wait3A_68 = arith.constant 0 : i32
      %dma_wait3A_69 = arith.constant 0 : i32
      %dma_wait3A_70 = tpu.memref_slice %arg9[%dma_wait3A_66, %dma_wait3A_68, %dma_wait3A_69] : memref<3x112x128xf32, #tpu.memory_space<vmem>> -> memref<1x112x128xf32, #tpu.memory_space<vmem>>
      %dma_wait3A_71 = tpu.memref_squeeze %dma_wait3A_70 : memref<1x112x128xf32, #tpu.memory_space<vmem>> -> memref<112x128xf32, #tpu.memory_space<vmem>>
      %dma_wait3A_72 = arith.constant 0 : i32
      %dma_wait3A_73 = tpu.memref_slice %arg7[%rem3A_63, %dma_wait3A_65, %dma_wait3A_72] : memref<2x6x112xi32, #tpu.memory_space<vmem>> -> memref<1x1x112xi32, #tpu.memory_space<vmem>>
      %dma_wait3A_74 = tpu.memref_squeeze %dma_wait3A_73 : memref<1x1x112xi32, #tpu.memory_space<vmem>> -> memref<112xi32, #tpu.memory_space<vmem>>
      %dma_wait3A_75 = arith.constant 0 : i32
      %dma_wait3A_76 = arith.constant 0 : i32
      %dma_wait3A_77 = tpu.memref_slice %arg2[%dma_wait3A_75, %dma_wait3A_76] : memref<10240x128xf32, #tpu.memory_space<hbm>> -> memref<10240x128xf32, #tpu.memory_space<hbm>>
      %dma_wait3A_78 = tpu.memref_slice %arg12[%dma_wait3A_67] : memref<3x!tpu.dma_semaphore, #tpu.memory_space<semaphore_mem>> -> memref<1x!tpu.dma_semaphore, #tpu.memory_space<semaphore_mem>>
      %dma_wait3A_79 = tpu.memref_squeeze %dma_wait3A_78 : memref<1x!tpu.dma_semaphore, #tpu.memory_space<semaphore_mem>> -> memref<!tpu.dma_semaphore, #tpu.memory_space<semaphore_mem>>
      tpu.wait_indirect_dma semaphore(%dma_wait3A_79 : memref<!tpu.dma_semaphore, #tpu.memory_space<semaphore_mem>>) src(%dma_wait3A_77 : memref<10240x128xf32, #tpu.memory_space<hbm>>) dst(%dma_wait3A_71 : memref<112x128xf32, #tpu.memory_space<vmem>>)
      %dma_start3A_80 = arith.constant 0 : i32
      %dma_start3A_81 = arith.constant 0 : i32
      %dma_start3A_82 = arith.constant 0 : i32
      %dma_start3A_83 = arith.constant 0 : i32
      %dma_start3A_84 = arith.constant 0 : i32
      %dma_start3A_85 = tpu.memref_slice %arg9[%dma_start3A_80, %dma_start3A_83, %dma_start3A_84] : memref<3x112x128xf32, #tpu.memory_space<vmem>> -> memref<1x112x128xf32, #tpu.memory_space<vmem>>
      %dma_start3A_86 = tpu.memref_squeeze %dma_start3A_85 : memref<1x112x128xf32, #tpu.memory_space<vmem>> -> memref<112x128xf32, #tpu.memory_space<vmem>>
      %dma_start3A_87 = arith.constant 0 : i32
      %dma_start3A_88 = tpu.memref_slice %arg8[%rem3A_63, %dma_start3A_81, %dma_start3A_87] : memref<2x6x112xi32, #tpu.memory_space<vmem>> -> memref<1x1x112xi32, #tpu.memory_space<vmem>>
      %dma_start3A_89 = tpu.memref_squeeze %dma_start3A_88 : memref<1x1x112xi32, #tpu.memory_space<vmem>> -> memref<112xi32, #tpu.memory_space<vmem>>
      %dma_start3A_90 = arith.constant 0 : i32
      %dma_start3A_91 = arith.constant 0 : i32
      %dma_start3A_92 = tpu.memref_slice %arg10[%dma_start3A_90, %dma_start3A_91] : memref<10240x128xf32, #tpu.memory_space<vmem_shared>> -> memref<10240x128xf32, #tpu.memory_space<vmem_shared>>
      %dma_start3A_93 = tpu.memref_slice %arg13[%dma_start3A_82] : memref<3x!tpu.dma_semaphore, #tpu.memory_space<semaphore_mem>> -> memref<1x!tpu.dma_semaphore, #tpu.memory_space<semaphore_mem>>
      %dma_start3A_94 = tpu.memref_squeeze %dma_start3A_93 : memref<1x!tpu.dma_semaphore, #tpu.memory_space<semaphore_mem>> -> memref<!tpu.dma_semaphore, #tpu.memory_space<semaphore_mem>>
      tpu.enqueue_indirect_dma source(%dma_start3A_86 : memref<112x128xf32, #tpu.memory_space<vmem>>) target(%dma_start3A_92 : memref<10240x128xf32, #tpu.memory_space<vmem_shared>>) offsets(%dma_start3A_89 : memref<112xi32, #tpu.memory_space<vmem>>) semaphore(%dma_start3A_94 : memref<!tpu.dma_semaphore, #tpu.memory_space<semaphore_mem>>) {add = true}
      %gt3A = arith.constant 0 : i32
      %gt3A_95 = arith.cmpi sgt, %scan3A_62, %gt3A : i32
      %convert_element_type3A = arith.extui %gt3A_95 : i1 to i32
      %cond3A = arith.constant 0 : i32
      %cond3A_96 = arith.cmpi ne, %convert_element_type3A, %cond3A : i32
      scf.if %cond3A_96 {
        %dma_wait3A_409 = arith.constant 2 : i32
        %dma_wait3A_410 = arith.constant 0 : i32
        %dma_wait3A_411 = arith.constant 2 : i32
        %dma_wait3A_412 = arith.constant 0 : i32
        %dma_wait3A_413 = arith.constant 0 : i32
        %dma_wait3A_414 = tpu.memref_slice %arg9[%dma_wait3A_409, %dma_wait3A_412, %dma_wait3A_413] : memref<3x112x128xf32, #tpu.memory_space<vmem>> -> memref<1x112x128xf32, #tpu.memory_space<vmem>>
        %dma_wait3A_415 = tpu.memref_squeeze %dma_wait3A_414 : memref<1x112x128xf32, #tpu.memory_space<vmem>> -> memref<112x128xf32, #tpu.memory_space<vmem>>
        %dma_wait3A_416 = arith.constant 0 : i32
        %dma_wait3A_417 = tpu.memref_slice %arg8[%rem3A_63, %dma_wait3A_410, %dma_wait3A_416] : memref<2x6x112xi32, #tpu.memory_space<vmem>> -> memref<1x1x112xi32, #tpu.memory_space<vmem>>
        %dma_wait3A_418 = tpu.memref_squeeze %dma_wait3A_417 : memref<1x1x112xi32, #tpu.memory_space<vmem>> -> memref<112xi32, #tpu.memory_space<vmem>>
        %dma_wait3A_419 = arith.constant 0 : i32
        %dma_wait3A_420 = arith.constant 0 : i32
        %dma_wait3A_421 = tpu.memref_slice %arg10[%dma_wait3A_419, %dma_wait3A_420] : memref<10240x128xf32, #tpu.memory_space<vmem_shared>> -> memref<10240x128xf32, #tpu.memory_space<vmem_shared>>
        %dma_wait3A_422 = tpu.memref_slice %arg13[%dma_wait3A_411] : memref<3x!tpu.dma_semaphore, #tpu.memory_space<semaphore_mem>> -> memref<1x!tpu.dma_semaphore, #tpu.memory_space<semaphore_mem>>
        %dma_wait3A_423 = tpu.memref_squeeze %dma_wait3A_422 : memref<1x!tpu.dma_semaphore, #tpu.memory_space<semaphore_mem>> -> memref<!tpu.dma_semaphore, #tpu.memory_space<semaphore_mem>>
        tpu.wait_indirect_dma semaphore(%dma_wait3A_423 : memref<!tpu.dma_semaphore, #tpu.memory_space<semaphore_mem>>) src(%dma_wait3A_415 : memref<112x128xf32, #tpu.memory_space<vmem>>) dst(%dma_wait3A_421 : memref<10240x128xf32, #tpu.memory_space<vmem_shared>>)
      } else {
      }
      %add3A_97 = arith.constant 1 : i32
      %add3A_98 = arith.addi %scan3A_62, %add3A_97 : i32
      %lt3A = arith.constant 15 : i32
      %lt3A_99 = arith.cmpi slt, %add3A_98, %lt3A : i32
      %convert_element_type3A_100 = arith.extui %lt3A_99 : i1 to i32
      %cond3A_101 = arith.constant 0 : i32
      %cond3A_102 = arith.cmpi ne, %convert_element_type3A_100, %cond3A_101 : i32
      scf.if %cond3A_102 {
        %add3A_409 = arith.constant 1 : i32
        %add3A_410 = arith.addi %scan3A_62, %add3A_409 : i32
        %dma_start3A_411 = arith.constant 0 : i32
        %dma_start3A_412 = arith.constant 0 : i32
        %dma_start3A_413 = tpu.memref_slice %arg7[%sub3A_64, %dma_start3A_411, %dma_start3A_412] : memref<2x6x112xi32, #tpu.memory_space<vmem>> -> memref<1x6x112xi32, #tpu.memory_space<vmem>>
        %dma_start3A_414 = tpu.memref_squeeze %dma_start3A_413 : memref<1x6x112xi32, #tpu.memory_space<vmem>> -> memref<6x112xi32, #tpu.memory_space<vmem>>
        %dma_start3A_415 = arith.constant 0 : i32
        %dma_start3A_416 = arith.constant 0 : i32
        %dma_start3A_417 = tpu.memref_slice %arg3[%add3A, %add3A_410, %dma_start3A_415, %dma_start3A_416] : memref<32x15x6x112xi32, #tpu.memory_space<hbm>> -> memref<1x1x6x112xi32, #tpu.memory_space<hbm>>
        %dma_start3A_418 = tpu.memref_squeeze %dma_start3A_417 : memref<1x1x6x112xi32, #tpu.memory_space<hbm>> -> memref<6x112xi32, #tpu.memory_space<hbm>>
        %dma_start3A_419 = arith.constant 0 : i32
        %dma_start3A_420 = arith.constant 0 : i32
        %dma_start3A_421 = tpu.memref_slice %arg7[%sub3A_64, %dma_start3A_419, %dma_start3A_420] : memref<2x6x112xi32, #tpu.memory_space<vmem>> -> memref<1x6x112xi32, #tpu.memory_space<vmem>>
        %dma_start3A_422 = tpu.memref_squeeze %dma_start3A_421 : memref<1x6x112xi32, #tpu.memory_space<vmem>> -> memref<6x112xi32, #tpu.memory_space<vmem>>
        %dma_start3A_423 = arith.constant 0 : i32
        %dma_start3A_424 = arith.constant 0 : i32
        %dma_start3A_425 = tpu.memref_slice %arg3[%add3A, %add3A_410, %dma_start3A_423, %dma_start3A_424] : memref<32x15x6x112xi32, #tpu.memory_space<hbm>> -> memref<1x1x6x112xi32, #tpu.memory_space<hbm>>
        %dma_start3A_426 = tpu.memref_squeeze %dma_start3A_425 : memref<1x1x6x112xi32, #tpu.memory_space<hbm>> -> memref<6x112xi32, #tpu.memory_space<hbm>>
        tpu.enqueue_dma source(%dma_start3A_426 : memref<6x112xi32, #tpu.memory_space<hbm>>) target(%dma_start3A_422 : memref<6x112xi32, #tpu.memory_space<vmem>>) target_semaphore(%arg11 : memref<!tpu.dma_semaphore, #tpu.memory_space<semaphore_mem>>)
        %add3A_427 = arith.constant 1 : i32
        %add3A_428 = arith.addi %scan3A_62, %add3A_427 : i32
        %dma_start3A_429 = arith.constant 0 : i32
        %dma_start3A_430 = arith.constant 0 : i32
        %dma_start3A_431 = tpu.memref_slice %arg8[%sub3A_64, %dma_start3A_429, %dma_start3A_430] : memref<2x6x112xi32, #tpu.memory_space<vmem>> -> memref<1x6x112xi32, #tpu.memory_space<vmem>>
        %dma_start3A_432 = tpu.memref_squeeze %dma_start3A_431 : memref<1x6x112xi32, #tpu.memory_space<vmem>> -> memref<6x112xi32, #tpu.memory_space<vmem>>
        %dma_start3A_433 = arith.constant 0 : i32
        %dma_start3A_434 = arith.constant 0 : i32
        %dma_start3A_435 = tpu.memref_slice %arg4[%add3A, %add3A_428, %dma_start3A_433, %dma_start3A_434] : memref<32x15x6x112xi32, #tpu.memory_space<hbm>> -> memref<1x1x6x112xi32, #tpu.memory_space<hbm>>
        %dma_start3A_436 = tpu.memref_squeeze %dma_start3A_435 : memref<1x1x6x112xi32, #tpu.memory_space<hbm>> -> memref<6x112xi32, #tpu.memory_space<hbm>>
        %dma_start3A_437 = arith.constant 0 : i32
        %dma_start3A_438 = arith.constant 0 : i32
        %dma_start3A_439 = tpu.memref_slice %arg8[%sub3A_64, %dma_start3A_437, %dma_start3A_438] : memref<2x6x112xi32, #tpu.memory_space<vmem>> -> memref<1x6x112xi32, #tpu.memory_space<vmem>>
        %dma_start3A_440 = tpu.memref_squeeze %dma_start3A_439 : memref<1x6x112xi32, #tpu.memory_space<vmem>> -> memref<6x112xi32, #tpu.memory_space<vmem>>
        %dma_start3A_441 = arith.constant 0 : i32
        %dma_start3A_442 = arith.constant 0 : i32
        %dma_start3A_443 = tpu.memref_slice %arg4[%add3A, %add3A_428, %dma_start3A_441, %dma_start3A_442] : memref<32x15x6x112xi32, #tpu.memory_space<hbm>> -> memref<1x1x6x112xi32, #tpu.memory_space<hbm>>
        %dma_start3A_444 = tpu.memref_squeeze %dma_start3A_443 : memref<1x1x6x112xi32, #tpu.memory_space<hbm>> -> memref<6x112xi32, #tpu.memory_space<hbm>>
        tpu.enqueue_dma source(%dma_start3A_444 : memref<6x112xi32, #tpu.memory_space<hbm>>) target(%dma_start3A_440 : memref<6x112xi32, #tpu.memory_space<vmem>>) target_semaphore(%arg11 : memref<!tpu.dma_semaphore, #tpu.memory_space<semaphore_mem>>)
      } else {
      }
      %dma_start3A_103 = arith.constant 2 : i32
      %dma_start3A_104 = arith.constant 2 : i32
      %dma_start3A_105 = arith.constant 2 : i32
      %dma_start3A_106 = arith.constant 0 : i32
      %dma_start3A_107 = arith.constant 0 : i32
      %dma_start3A_108 = tpu.memref_slice %arg9[%dma_start3A_104, %dma_start3A_106, %dma_start3A_107] : memref<3x112x128xf32, #tpu.memory_space<vmem>> -> memref<1x112x128xf32, #tpu.memory_space<vmem>>
      %dma_start3A_109 = tpu.memref_squeeze %dma_start3A_108 : memref<1x112x128xf32, #tpu.memory_space<vmem>> -> memref<112x128xf32, #tpu.memory_space<vmem>>
      %dma_start3A_110 = arith.constant 0 : i32
      %dma_start3A_111 = tpu.memref_slice %arg7[%rem3A_63, %dma_start3A_103, %dma_start3A_110] : memref<2x6x112xi32, #tpu.memory_space<vmem>> -> memref<1x1x112xi32, #tpu.memory_space<vmem>>
      %dma_start3A_112 = tpu.memref_squeeze %dma_start3A_111 : memref<1x1x112xi32, #tpu.memory_space<vmem>> -> memref<112xi32, #tpu.memory_space<vmem>>
      %dma_start3A_113 = arith.constant 0 : i32
      %dma_start3A_114 = arith.constant 0 : i32
      %dma_start3A_115 = tpu.memref_slice %arg2[%dma_start3A_113, %dma_start3A_114] : memref<10240x128xf32, #tpu.memory_space<hbm>> -> memref<10240x128xf32, #tpu.memory_space<hbm>>
      %dma_start3A_116 = tpu.memref_slice %arg12[%dma_start3A_105] : memref<3x!tpu.dma_semaphore, #tpu.memory_space<semaphore_mem>> -> memref<1x!tpu.dma_semaphore, #tpu.memory_space<semaphore_mem>>
      %dma_start3A_117 = tpu.memref_squeeze %dma_start3A_116 : memref<1x!tpu.dma_semaphore, #tpu.memory_space<semaphore_mem>> -> memref<!tpu.dma_semaphore, #tpu.memory_space<semaphore_mem>>
      tpu.enqueue_indirect_dma source(%dma_start3A_115 : memref<10240x128xf32, #tpu.memory_space<hbm>>) target(%dma_start3A_109 : memref<112x128xf32, #tpu.memory_space<vmem>>) offsets(%dma_start3A_112 : memref<112xi32, #tpu.memory_space<vmem>>) semaphore(%dma_start3A_117 : memref<!tpu.dma_semaphore, #tpu.memory_space<semaphore_mem>>)
      %dma_wait3A_118 = arith.constant 1 : i32
      %dma_wait3A_119 = arith.constant 1 : i32
      %dma_wait3A_120 = arith.constant 1 : i32
      %dma_wait3A_121 = arith.constant 0 : i32
      %dma_wait3A_122 = arith.constant 0 : i32
      %dma_wait3A_123 = tpu.memref_slice %arg9[%dma_wait3A_119, %dma_wait3A_121, %dma_wait3A_122] : memref<3x112x128xf32, #tpu.memory_space<vmem>> -> memref<1x112x128xf32, #tpu.memory_space<vmem>>
      %dma_wait3A_124 = tpu.memref_squeeze %dma_wait3A_123 : memref<1x112x128xf32, #tpu.memory_space<vmem>> -> memref<112x128xf32, #tpu.memory_space<vmem>>
      %dma_wait3A_125 = arith.constant 0 : i32
      %dma_wait3A_126 = tpu.memref_slice %arg7[%rem3A_63, %dma_wait3A_118, %dma_wait3A_125] : memref<2x6x112xi32, #tpu.memory_space<vmem>> -> memref<1x1x112xi32, #tpu.memory_space<vmem>>
      %dma_wait3A_127 = tpu.memref_squeeze %dma_wait3A_126 : memref<1x1x112xi32, #tpu.memory_space<vmem>> -> memref<112xi32, #tpu.memory_space<vmem>>
      %dma_wait3A_128 = arith.constant 0 : i32
      %dma_wait3A_129 = arith.constant 0 : i32
      %dma_wait3A_130 = tpu.memref_slice %arg2[%dma_wait3A_128, %dma_wait3A_129] : memref<10240x128xf32, #tpu.memory_space<hbm>> -> memref<10240x128xf32, #tpu.memory_space<hbm>>
      %dma_wait3A_131 = tpu.memref_slice %arg12[%dma_wait3A_120] : memref<3x!tpu.dma_semaphore, #tpu.memory_space<semaphore_mem>> -> memref<1x!tpu.dma_semaphore, #tpu.memory_space<semaphore_mem>>
      %dma_wait3A_132 = tpu.memref_squeeze %dma_wait3A_131 : memref<1x!tpu.dma_semaphore, #tpu.memory_space<semaphore_mem>> -> memref<!tpu.dma_semaphore, #tpu.memory_space<semaphore_mem>>
      tpu.wait_indirect_dma semaphore(%dma_wait3A_132 : memref<!tpu.dma_semaphore, #tpu.memory_space<semaphore_mem>>) src(%dma_wait3A_130 : memref<10240x128xf32, #tpu.memory_space<hbm>>) dst(%dma_wait3A_124 : memref<112x128xf32, #tpu.memory_space<vmem>>)
      %dma_start3A_133 = arith.constant 1 : i32
      %dma_start3A_134 = arith.constant 1 : i32
      %dma_start3A_135 = arith.constant 1 : i32
      %dma_start3A_136 = arith.constant 0 : i32
      %dma_start3A_137 = arith.constant 0 : i32
      %dma_start3A_138 = tpu.memref_slice %arg9[%dma_start3A_133, %dma_start3A_136, %dma_start3A_137] : memref<3x112x128xf32, #tpu.memory_space<vmem>> -> memref<1x112x128xf32, #tpu.memory_space<vmem>>
      %dma_start3A_139 = tpu.memref_squeeze %dma_start3A_138 : memref<1x112x128xf32, #tpu.memory_space<vmem>> -> memref<112x128xf32, #tpu.memory_space<vmem>>
      %dma_start3A_140 = arith.constant 0 : i32
      %dma_start3A_141 = tpu.memref_slice %arg8[%rem3A_63, %dma_start3A_134, %dma_start3A_140] : memref<2x6x112xi32, #tpu.memory_space<vmem>> -> memref<1x1x112xi32, #tpu.memory_space<vmem>>
      %dma_start3A_142 = tpu.memref_squeeze %dma_start3A_141 : memref<1x1x112xi32, #tpu.memory_space<vmem>> -> memref<112xi32, #tpu.memory_space<vmem>>
      %dma_start3A_143 = arith.constant 0 : i32
      %dma_start3A_144 = arith.constant 0 : i32
      %dma_start3A_145 = tpu.memref_slice %arg10[%dma_start3A_143, %dma_start3A_144] : memref<10240x128xf32, #tpu.memory_space<vmem_shared>> -> memref<10240x128xf32, #tpu.memory_space<vmem_shared>>
      %dma_start3A_146 = tpu.memref_slice %arg13[%dma_start3A_135] : memref<3x!tpu.dma_semaphore, #tpu.memory_space<semaphore_mem>> -> memref<1x!tpu.dma_semaphore, #tpu.memory_space<semaphore_mem>>
      %dma_start3A_147 = tpu.memref_squeeze %dma_start3A_146 : memref<1x!tpu.dma_semaphore, #tpu.memory_space<semaphore_mem>> -> memref<!tpu.dma_semaphore, #tpu.memory_space<semaphore_mem>>
      tpu.enqueue_indirect_dma source(%dma_start3A_139 : memref<112x128xf32, #tpu.memory_space<vmem>>) target(%dma_start3A_145 : memref<10240x128xf32, #tpu.memory_space<vmem_shared>>) offsets(%dma_start3A_142 : memref<112xi32, #tpu.memory_space<vmem>>) semaphore(%dma_start3A_147 : memref<!tpu.dma_semaphore, #tpu.memory_space<semaphore_mem>>) {add = true}
      %dma_wait3A_148 = arith.constant 0 : i32
      %dma_wait3A_149 = arith.constant 1 : i32
      %dma_wait3A_150 = arith.constant 0 : i32
      %dma_wait3A_151 = arith.constant 0 : i32
      %dma_wait3A_152 = arith.constant 0 : i32
      %dma_wait3A_153 = tpu.memref_slice %arg9[%dma_wait3A_148, %dma_wait3A_151, %dma_wait3A_152] : memref<3x112x128xf32, #tpu.memory_space<vmem>> -> memref<1x112x128xf32, #tpu.memory_space<vmem>>
      %dma_wait3A_154 = tpu.memref_squeeze %dma_wait3A_153 : memref<1x112x128xf32, #tpu.memory_space<vmem>> -> memref<112x128xf32, #tpu.memory_space<vmem>>
      %dma_wait3A_155 = arith.constant 0 : i32
      %dma_wait3A_156 = tpu.memref_slice %arg8[%rem3A_63, %dma_wait3A_149, %dma_wait3A_155] : memref<2x6x112xi32, #tpu.memory_space<vmem>> -> memref<1x1x112xi32, #tpu.memory_space<vmem>>
      %dma_wait3A_157 = tpu.memref_squeeze %dma_wait3A_156 : memref<1x1x112xi32, #tpu.memory_space<vmem>> -> memref<112xi32, #tpu.memory_space<vmem>>
      %dma_wait3A_158 = arith.constant 0 : i32
      %dma_wait3A_159 = arith.constant 0 : i32
      %dma_wait3A_160 = tpu.memref_slice %arg10[%dma_wait3A_158, %dma_wait3A_159] : memref<10240x128xf32, #tpu.memory_space<vmem_shared>> -> memref<10240x128xf32, #tpu.memory_space<vmem_shared>>
      %dma_wait3A_161 = tpu.memref_slice %arg13[%dma_wait3A_150] : memref<3x!tpu.dma_semaphore, #tpu.memory_space<semaphore_mem>> -> memref<1x!tpu.dma_semaphore, #tpu.memory_space<semaphore_mem>>
      %dma_wait3A_162 = tpu.memref_squeeze %dma_wait3A_161 : memref<1x!tpu.dma_semaphore, #tpu.memory_space<semaphore_mem>> -> memref<!tpu.dma_semaphore, #tpu.memory_space<semaphore_mem>>
      tpu.wait_indirect_dma semaphore(%dma_wait3A_162 : memref<!tpu.dma_semaphore, #tpu.memory_space<semaphore_mem>>) src(%dma_wait3A_154 : memref<112x128xf32, #tpu.memory_space<vmem>>) dst(%dma_wait3A_160 : memref<10240x128xf32, #tpu.memory_space<vmem_shared>>)
      %dma_start3A_163 = arith.constant 3 : i32
      %dma_start3A_164 = arith.constant 0 : i32
      %dma_start3A_165 = arith.constant 0 : i32
      %dma_start3A_166 = arith.constant 0 : i32
      %dma_start3A_167 = arith.constant 0 : i32
      %dma_start3A_168 = tpu.memref_slice %arg9[%dma_start3A_164, %dma_start3A_166, %dma_start3A_167] : memref<3x112x128xf32, #tpu.memory_space<vmem>> -> memref<1x112x128xf32, #tpu.memory_space<vmem>>
      %dma_start3A_169 = tpu.memref_squeeze %dma_start3A_168 : memref<1x112x128xf32, #tpu.memory_space<vmem>> -> memref<112x128xf32, #tpu.memory_space<vmem>>
      %dma_start3A_170 = arith.constant 0 : i32
      %dma_start3A_171 = tpu.memref_slice %arg7[%rem3A_63, %dma_start3A_163, %dma_start3A_170] : memref<2x6x112xi32, #tpu.memory_space<vmem>> -> memref<1x1x112xi32, #tpu.memory_space<vmem>>
      %dma_start3A_172 = tpu.memref_squeeze %dma_start3A_171 : memref<1x1x112xi32, #tpu.memory_space<vmem>> -> memref<112xi32, #tpu.memory_space<vmem>>
      %dma_start3A_173 = arith.constant 0 : i32
      %dma_start3A_174 = arith.constant 0 : i32
      %dma_start3A_175 = tpu.memref_slice %arg2[%dma_start3A_173, %dma_start3A_174] : memref<10240x128xf32, #tpu.memory_space<hbm>> -> memref<10240x128xf32, #tpu.memory_space<hbm>>
      %dma_start3A_176 = tpu.memref_slice %arg12[%dma_start3A_165] : memref<3x!tpu.dma_semaphore, #tpu.memory_space<semaphore_mem>> -> memref<1x!tpu.dma_semaphore, #tpu.memory_space<semaphore_mem>>
      %dma_start3A_177 = tpu.memref_squeeze %dma_start3A_176 : memref<1x!tpu.dma_semaphore, #tpu.memory_space<semaphore_mem>> -> memref<!tpu.dma_semaphore, #tpu.memory_space<semaphore_mem>>
      tpu.enqueue_indirect_dma source(%dma_start3A_175 : memref<10240x128xf32, #tpu.memory_space<hbm>>) target(%dma_start3A_169 : memref<112x128xf32, #tpu.memory_space<vmem>>) offsets(%dma_start3A_172 : memref<112xi32, #tpu.memory_space<vmem>>) semaphore(%dma_start3A_177 : memref<!tpu.dma_semaphore, #tpu.memory_space<semaphore_mem>>)
      %dma_wait3A_178 = arith.constant 2 : i32
      %dma_wait3A_179 = arith.constant 2 : i32
      %dma_wait3A_180 = arith.constant 2 : i32
      %dma_wait3A_181 = arith.constant 0 : i32
      %dma_wait3A_182 = arith.constant 0 : i32
      %dma_wait3A_183 = tpu.memref_slice %arg9[%dma_wait3A_179, %dma_wait3A_181, %dma_wait3A_182] : memref<3x112x128xf32, #tpu.memory_space<vmem>> -> memref<1x112x128xf32, #tpu.memory_space<vmem>>
      %dma_wait3A_184 = tpu.memref_squeeze %dma_wait3A_183 : memref<1x112x128xf32, #tpu.memory_space<vmem>> -> memref<112x128xf32, #tpu.memory_space<vmem>>
      %dma_wait3A_185 = arith.constant 0 : i32
      %dma_wait3A_186 = tpu.memref_slice %arg7[%rem3A_63, %dma_wait3A_178, %dma_wait3A_185] : memref<2x6x112xi32, #tpu.memory_space<vmem>> -> memref<1x1x112xi32, #tpu.memory_space<vmem>>
      %dma_wait3A_187 = tpu.memref_squeeze %dma_wait3A_186 : memref<1x1x112xi32, #tpu.memory_space<vmem>> -> memref<112xi32, #tpu.memory_space<vmem>>
      %dma_wait3A_188 = arith.constant 0 : i32
      %dma_wait3A_189 = arith.constant 0 : i32
      %dma_wait3A_190 = tpu.memref_slice %arg2[%dma_wait3A_188, %dma_wait3A_189] : memref<10240x128xf32, #tpu.memory_space<hbm>> -> memref<10240x128xf32, #tpu.memory_space<hbm>>
      %dma_wait3A_191 = tpu.memref_slice %arg12[%dma_wait3A_180] : memref<3x!tpu.dma_semaphore, #tpu.memory_space<semaphore_mem>> -> memref<1x!tpu.dma_semaphore, #tpu.memory_space<semaphore_mem>>
      %dma_wait3A_192 = tpu.memref_squeeze %dma_wait3A_191 : memref<1x!tpu.dma_semaphore, #tpu.memory_space<semaphore_mem>> -> memref<!tpu.dma_semaphore, #tpu.memory_space<semaphore_mem>>
      tpu.wait_indirect_dma semaphore(%dma_wait3A_192 : memref<!tpu.dma_semaphore, #tpu.memory_space<semaphore_mem>>) src(%dma_wait3A_190 : memref<10240x128xf32, #tpu.memory_space<hbm>>) dst(%dma_wait3A_184 : memref<112x128xf32, #tpu.memory_space<vmem>>)
      %dma_start3A_193 = arith.constant 2 : i32
      %dma_start3A_194 = arith.constant 2 : i32
      %dma_start3A_195 = arith.constant 2 : i32
      %dma_start3A_196 = arith.constant 0 : i32
      %dma_start3A_197 = arith.constant 0 : i32
      %dma_start3A_198 = tpu.memref_slice %arg9[%dma_start3A_193, %dma_start3A_196, %dma_start3A_197] : memref<3x112x128xf32, #tpu.memory_space<vmem>> -> memref<1x112x128xf32, #tpu.memory_space<vmem>>
      %dma_start3A_199 = tpu.memref_squeeze %dma_start3A_198 : memref<1x112x128xf32, #tpu.memory_space<vmem>> -> memref<112x128xf32, #tpu.memory_space<vmem>>
      %dma_start3A_200 = arith.constant 0 : i32
      %dma_start3A_201 = tpu.memref_slice %arg8[%rem3A_63, %dma_start3A_194, %dma_start3A_200] : memref<2x6x112xi32, #tpu.memory_space<vmem>> -> memref<1x1x112xi32, #tpu.memory_space<vmem>>
      %dma_start3A_202 = tpu.memref_squeeze %dma_start3A_201 : memref<1x1x112xi32, #tpu.memory_space<vmem>> -> memref<112xi32, #tpu.memory_space<vmem>>
      %dma_start3A_203 = arith.constant 0 : i32
      %dma_start3A_204 = arith.constant 0 : i32
      %dma_start3A_205 = tpu.memref_slice %arg10[%dma_start3A_203, %dma_start3A_204] : memref<10240x128xf32, #tpu.memory_space<vmem_shared>> -> memref<10240x128xf32, #tpu.memory_space<vmem_shared>>
      %dma_start3A_206 = tpu.memref_slice %arg13[%dma_start3A_195] : memref<3x!tpu.dma_semaphore, #tpu.memory_space<semaphore_mem>> -> memref<1x!tpu.dma_semaphore, #tpu.memory_space<semaphore_mem>>
      %dma_start3A_207 = tpu.memref_squeeze %dma_start3A_206 : memref<1x!tpu.dma_semaphore, #tpu.memory_space<semaphore_mem>> -> memref<!tpu.dma_semaphore, #tpu.memory_space<semaphore_mem>>
      tpu.enqueue_indirect_dma source(%dma_start3A_199 : memref<112x128xf32, #tpu.memory_space<vmem>>) target(%dma_start3A_205 : memref<10240x128xf32, #tpu.memory_space<vmem_shared>>) offsets(%dma_start3A_202 : memref<112xi32, #tpu.memory_space<vmem>>) semaphore(%dma_start3A_207 : memref<!tpu.dma_semaphore, #tpu.memory_space<semaphore_mem>>) {add = true}
      %dma_wait3A_208 = arith.constant 1 : i32
      %dma_wait3A_209 = arith.constant 2 : i32
      %dma_wait3A_210 = arith.constant 1 : i32
      %dma_wait3A_211 = arith.constant 0 : i32
      %dma_wait3A_212 = arith.constant 0 : i32
      %dma_wait3A_213 = tpu.memref_slice %arg9[%dma_wait3A_208, %dma_wait3A_211, %dma_wait3A_212] : memref<3x112x128xf32, #tpu.memory_space<vmem>> -> memref<1x112x128xf32, #tpu.memory_space<vmem>>
      %dma_wait3A_214 = tpu.memref_squeeze %dma_wait3A_213 : memref<1x112x128xf32, #tpu.memory_space<vmem>> -> memref<112x128xf32, #tpu.memory_space<vmem>>
      %dma_wait3A_215 = arith.constant 0 : i32
      %dma_wait3A_216 = tpu.memref_slice %arg8[%rem3A_63, %dma_wait3A_209, %dma_wait3A_215] : memref<2x6x112xi32, #tpu.memory_space<vmem>> -> memref<1x1x112xi32, #tpu.memory_space<vmem>>
      %dma_wait3A_217 = tpu.memref_squeeze %dma_wait3A_216 : memref<1x1x112xi32, #tpu.memory_space<vmem>> -> memref<112xi32, #tpu.memory_space<vmem>>
      %dma_wait3A_218 = arith.constant 0 : i32
      %dma_wait3A_219 = arith.constant 0 : i32
      %dma_wait3A_220 = tpu.memref_slice %arg10[%dma_wait3A_218, %dma_wait3A_219] : memref<10240x128xf32, #tpu.memory_space<vmem_shared>> -> memref<10240x128xf32, #tpu.memory_space<vmem_shared>>
      %dma_wait3A_221 = tpu.memref_slice %arg13[%dma_wait3A_210] : memref<3x!tpu.dma_semaphore, #tpu.memory_space<semaphore_mem>> -> memref<1x!tpu.dma_semaphore, #tpu.memory_space<semaphore_mem>>
      %dma_wait3A_222 = tpu.memref_squeeze %dma_wait3A_221 : memref<1x!tpu.dma_semaphore, #tpu.memory_space<semaphore_mem>> -> memref<!tpu.dma_semaphore, #tpu.memory_space<semaphore_mem>>
      tpu.wait_indirect_dma semaphore(%dma_wait3A_222 : memref<!tpu.dma_semaphore, #tpu.memory_space<semaphore_mem>>) src(%dma_wait3A_214 : memref<112x128xf32, #tpu.memory_space<vmem>>) dst(%dma_wait3A_220 : memref<10240x128xf32, #tpu.memory_space<vmem_shared>>)
      %dma_start3A_223 = arith.constant 4 : i32
      %dma_start3A_224 = arith.constant 1 : i32
      %dma_start3A_225 = arith.constant 1 : i32
      %dma_start3A_226 = arith.constant 0 : i32
      %dma_start3A_227 = arith.constant 0 : i32
      %dma_start3A_228 = tpu.memref_slice %arg9[%dma_start3A_224, %dma_start3A_226, %dma_start3A_227] : memref<3x112x128xf32, #tpu.memory_space<vmem>> -> memref<1x112x128xf32, #tpu.memory_space<vmem>>
      %dma_start3A_229 = tpu.memref_squeeze %dma_start3A_228 : memref<1x112x128xf32, #tpu.memory_space<vmem>> -> memref<112x128xf32, #tpu.memory_space<vmem>>
      %dma_start3A_230 = arith.constant 0 : i32
      %dma_start3A_231 = tpu.memref_slice %arg7[%rem3A_63, %dma_start3A_223, %dma_start3A_230] : memref<2x6x112xi32, #tpu.memory_space<vmem>> -> memref<1x1x112xi32, #tpu.memory_space<vmem>>
      %dma_start3A_232 = tpu.memref_squeeze %dma_start3A_231 : memref<1x1x112xi32, #tpu.memory_space<vmem>> -> memref<112xi32, #tpu.memory_space<vmem>>
      %dma_start3A_233 = arith.constant 0 : i32
      %dma_start3A_234 = arith.constant 0 : i32
      %dma_start3A_235 = tpu.memref_slice %arg2[%dma_start3A_233, %dma_start3A_234] : memref<10240x128xf32, #tpu.memory_space<hbm>> -> memref<10240x128xf32, #tpu.memory_space<hbm>>
      %dma_start3A_236 = tpu.memref_slice %arg12[%dma_start3A_225] : memref<3x!tpu.dma_semaphore, #tpu.memory_space<semaphore_mem>> -> memref<1x!tpu.dma_semaphore, #tpu.memory_space<semaphore_mem>>
      %dma_start3A_237 = tpu.memref_squeeze %dma_start3A_236 : memref<1x!tpu.dma_semaphore, #tpu.memory_space<semaphore_mem>> -> memref<!tpu.dma_semaphore, #tpu.memory_space<semaphore_mem>>
      tpu.enqueue_indirect_dma source(%dma_start3A_235 : memref<10240x128xf32, #tpu.memory_space<hbm>>) target(%dma_start3A_229 : memref<112x128xf32, #tpu.memory_space<vmem>>) offsets(%dma_start3A_232 : memref<112xi32, #tpu.memory_space<vmem>>) semaphore(%dma_start3A_237 : memref<!tpu.dma_semaphore, #tpu.memory_space<semaphore_mem>>)
      %dma_wait3A_238 = arith.constant 3 : i32
      %dma_wait3A_239 = arith.constant 0 : i32
      %dma_wait3A_240 = arith.constant 0 : i32
      %dma_wait3A_241 = arith.constant 0 : i32
      %dma_wait3A_242 = arith.constant 0 : i32
      %dma_wait3A_243 = tpu.memref_slice %arg9[%dma_wait3A_239, %dma_wait3A_241, %dma_wait3A_242] : memref<3x112x128xf32, #tpu.memory_space<vmem>> -> memref<1x112x128xf32, #tpu.memory_space<vmem>>
      %dma_wait3A_244 = tpu.memref_squeeze %dma_wait3A_243 : memref<1x112x128xf32, #tpu.memory_space<vmem>> -> memref<112x128xf32, #tpu.memory_space<vmem>>
      %dma_wait3A_245 = arith.constant 0 : i32
      %dma_wait3A_246 = tpu.memref_slice %arg7[%rem3A_63, %dma_wait3A_238, %dma_wait3A_245] : memref<2x6x112xi32, #tpu.memory_space<vmem>> -> memref<1x1x112xi32, #tpu.memory_space<vmem>>
      %dma_wait3A_247 = tpu.memref_squeeze %dma_wait3A_246 : memref<1x1x112xi32, #tpu.memory_space<vmem>> -> memref<112xi32, #tpu.memory_space<vmem>>
      %dma_wait3A_248 = arith.constant 0 : i32
      %dma_wait3A_249 = arith.constant 0 : i32
      %dma_wait3A_250 = tpu.memref_slice %arg2[%dma_wait3A_248, %dma_wait3A_249] : memref<10240x128xf32, #tpu.memory_space<hbm>> -> memref<10240x128xf32, #tpu.memory_space<hbm>>
      %dma_wait3A_251 = tpu.memref_slice %arg12[%dma_wait3A_240] : memref<3x!tpu.dma_semaphore, #tpu.memory_space<semaphore_mem>> -> memref<1x!tpu.dma_semaphore, #tpu.memory_space<semaphore_mem>>
      %dma_wait3A_252 = tpu.memref_squeeze %dma_wait3A_251 : memref<1x!tpu.dma_semaphore, #tpu.memory_space<semaphore_mem>> -> memref<!tpu.dma_semaphore, #tpu.memory_space<semaphore_mem>>
      tpu.wait_indirect_dma semaphore(%dma_wait3A_252 : memref<!tpu.dma_semaphore, #tpu.memory_space<semaphore_mem>>) src(%dma_wait3A_250 : memref<10240x128xf32, #tpu.memory_space<hbm>>) dst(%dma_wait3A_244 : memref<112x128xf32, #tpu.memory_space<vmem>>)
      %dma_start3A_253 = arith.constant 0 : i32
      %dma_start3A_254 = arith.constant 3 : i32
      %dma_start3A_255 = arith.constant 0 : i32
      %dma_start3A_256 = arith.constant 0 : i32
      %dma_start3A_257 = arith.constant 0 : i32
      %dma_start3A_258 = tpu.memref_slice %arg9[%dma_start3A_253, %dma_start3A_256, %dma_start3A_257] : memref<3x112x128xf32, #tpu.memory_space<vmem>> -> memref<1x112x128xf32, #tpu.memory_space<vmem>>
      %dma_start3A_259 = tpu.memref_squeeze %dma_start3A_258 : memref<1x112x128xf32, #tpu.memory_space<vmem>> -> memref<112x128xf32, #tpu.memory_space<vmem>>
      %dma_start3A_260 = arith.constant 0 : i32
      %dma_start3A_261 = tpu.memref_slice %arg8[%rem3A_63, %dma_start3A_254, %dma_start3A_260] : memref<2x6x112xi32, #tpu.memory_space<vmem>> -> memref<1x1x112xi32, #tpu.memory_space<vmem>>
      %dma_start3A_262 = tpu.memref_squeeze %dma_start3A_261 : memref<1x1x112xi32, #tpu.memory_space<vmem>> -> memref<112xi32, #tpu.memory_space<vmem>>
      %dma_start3A_263 = arith.constant 0 : i32
      %dma_start3A_264 = arith.constant 0 : i32
      %dma_start3A_265 = tpu.memref_slice %arg10[%dma_start3A_263, %dma_start3A_264] : memref<10240x128xf32, #tpu.memory_space<vmem_shared>> -> memref<10240x128xf32, #tpu.memory_space<vmem_shared>>
      %dma_start3A_266 = tpu.memref_slice %arg13[%dma_start3A_255] : memref<3x!tpu.dma_semaphore, #tpu.memory_space<semaphore_mem>> -> memref<1x!tpu.dma_semaphore, #tpu.memory_space<semaphore_mem>>
      %dma_start3A_267 = tpu.memref_squeeze %dma_start3A_266 : memref<1x!tpu.dma_semaphore, #tpu.memory_space<semaphore_mem>> -> memref<!tpu.dma_semaphore, #tpu.memory_space<semaphore_mem>>
      tpu.enqueue_indirect_dma source(%dma_start3A_259 : memref<112x128xf32, #tpu.memory_space<vmem>>) target(%dma_start3A_265 : memref<10240x128xf32, #tpu.memory_space<vmem_shared>>) offsets(%dma_start3A_262 : memref<112xi32, #tpu.memory_space<vmem>>) semaphore(%dma_start3A_267 : memref<!tpu.dma_semaphore, #tpu.memory_space<semaphore_mem>>) {add = true}
      %dma_wait3A_268 = arith.constant 2 : i32
      %dma_wait3A_269 = arith.constant 3 : i32
      %dma_wait3A_270 = arith.constant 2 : i32
      %dma_wait3A_271 = arith.constant 0 : i32
      %dma_wait3A_272 = arith.constant 0 : i32
      %dma_wait3A_273 = tpu.memref_slice %arg9[%dma_wait3A_268, %dma_wait3A_271, %dma_wait3A_272] : memref<3x112x128xf32, #tpu.memory_space<vmem>> -> memref<1x112x128xf32, #tpu.memory_space<vmem>>
      %dma_wait3A_274 = tpu.memref_squeeze %dma_wait3A_273 : memref<1x112x128xf32, #tpu.memory_space<vmem>> -> memref<112x128xf32, #tpu.memory_space<vmem>>
      %dma_wait3A_275 = arith.constant 0 : i32
      %dma_wait3A_276 = tpu.memref_slice %arg8[%rem3A_63, %dma_wait3A_269, %dma_wait3A_275] : memref<2x6x112xi32, #tpu.memory_space<vmem>> -> memref<1x1x112xi32, #tpu.memory_space<vmem>>
      %dma_wait3A_277 = tpu.memref_squeeze %dma_wait3A_276 : memref<1x1x112xi32, #tpu.memory_space<vmem>> -> memref<112xi32, #tpu.memory_space<vmem>>
      %dma_wait3A_278 = arith.constant 0 : i32
      %dma_wait3A_279 = arith.constant 0 : i32
      %dma_wait3A_280 = tpu.memref_slice %arg10[%dma_wait3A_278, %dma_wait3A_279] : memref<10240x128xf32, #tpu.memory_space<vmem_shared>> -> memref<10240x128xf32, #tpu.memory_space<vmem_shared>>
      %dma_wait3A_281 = tpu.memref_slice %arg13[%dma_wait3A_270] : memref<3x!tpu.dma_semaphore, #tpu.memory_space<semaphore_mem>> -> memref<1x!tpu.dma_semaphore, #tpu.memory_space<semaphore_mem>>
      %dma_wait3A_282 = tpu.memref_squeeze %dma_wait3A_281 : memref<1x!tpu.dma_semaphore, #tpu.memory_space<semaphore_mem>> -> memref<!tpu.dma_semaphore, #tpu.memory_space<semaphore_mem>>
      tpu.wait_indirect_dma semaphore(%dma_wait3A_282 : memref<!tpu.dma_semaphore, #tpu.memory_space<semaphore_mem>>) src(%dma_wait3A_274 : memref<112x128xf32, #tpu.memory_space<vmem>>) dst(%dma_wait3A_280 : memref<10240x128xf32, #tpu.memory_space<vmem_shared>>)
      %dma_start3A_283 = arith.constant 5 : i32
      %dma_start3A_284 = arith.constant 2 : i32
      %dma_start3A_285 = arith.constant 2 : i32
      %dma_start3A_286 = arith.constant 0 : i32
      %dma_start3A_287 = arith.constant 0 : i32
      %dma_start3A_288 = tpu.memref_slice %arg9[%dma_start3A_284, %dma_start3A_286, %dma_start3A_287] : memref<3x112x128xf32, #tpu.memory_space<vmem>> -> memref<1x112x128xf32, #tpu.memory_space<vmem>>
      %dma_start3A_289 = tpu.memref_squeeze %dma_start3A_288 : memref<1x112x128xf32, #tpu.memory_space<vmem>> -> memref<112x128xf32, #tpu.memory_space<vmem>>
      %dma_start3A_290 = arith.constant 0 : i32
      %dma_start3A_291 = tpu.memref_slice %arg7[%rem3A_63, %dma_start3A_283, %dma_start3A_290] : memref<2x6x112xi32, #tpu.memory_space<vmem>> -> memref<1x1x112xi32, #tpu.memory_space<vmem>>
      %dma_start3A_292 = tpu.memref_squeeze %dma_start3A_291 : memref<1x1x112xi32, #tpu.memory_space<vmem>> -> memref<112xi32, #tpu.memory_space<vmem>>
      %dma_start3A_293 = arith.constant 0 : i32
      %dma_start3A_294 = arith.constant 0 : i32
      %dma_start3A_295 = tpu.memref_slice %arg2[%dma_start3A_293, %dma_start3A_294] : memref<10240x128xf32, #tpu.memory_space<hbm>> -> memref<10240x128xf32, #tpu.memory_space<hbm>>
      %dma_start3A_296 = tpu.memref_slice %arg12[%dma_start3A_285] : memref<3x!tpu.dma_semaphore, #tpu.memory_space<semaphore_mem>> -> memref<1x!tpu.dma_semaphore, #tpu.memory_space<semaphore_mem>>
      %dma_start3A_297 = tpu.memref_squeeze %dma_start3A_296 : memref<1x!tpu.dma_semaphore, #tpu.memory_space<semaphore_mem>> -> memref<!tpu.dma_semaphore, #tpu.memory_space<semaphore_mem>>
      tpu.enqueue_indirect_dma source(%dma_start3A_295 : memref<10240x128xf32, #tpu.memory_space<hbm>>) target(%dma_start3A_289 : memref<112x128xf32, #tpu.memory_space<vmem>>) offsets(%dma_start3A_292 : memref<112xi32, #tpu.memory_space<vmem>>) semaphore(%dma_start3A_297 : memref<!tpu.dma_semaphore, #tpu.memory_space<semaphore_mem>>)
      %dma_wait3A_298 = arith.constant 4 : i32
      %dma_wait3A_299 = arith.constant 1 : i32
      %dma_wait3A_300 = arith.constant 1 : i32
      %dma_wait3A_301 = arith.constant 0 : i32
      %dma_wait3A_302 = arith.constant 0 : i32
      %dma_wait3A_303 = tpu.memref_slice %arg9[%dma_wait3A_299, %dma_wait3A_301, %dma_wait3A_302] : memref<3x112x128xf32, #tpu.memory_space<vmem>> -> memref<1x112x128xf32, #tpu.memory_space<vmem>>
      %dma_wait3A_304 = tpu.memref_squeeze %dma_wait3A_303 : memref<1x112x128xf32, #tpu.memory_space<vmem>> -> memref<112x128xf32, #tpu.memory_space<vmem>>
      %dma_wait3A_305 = arith.constant 0 : i32
      %dma_wait3A_306 = tpu.memref_slice %arg7[%rem3A_63, %dma_wait3A_298, %dma_wait3A_305] : memref<2x6x112xi32, #tpu.memory_space<vmem>> -> memref<1x1x112xi32, #tpu.memory_space<vmem>>
      %dma_wait3A_307 = tpu.memref_squeeze %dma_wait3A_306 : memref<1x1x112xi32, #tpu.memory_space<vmem>> -> memref<112xi32, #tpu.memory_space<vmem>>
      %dma_wait3A_308 = arith.constant 0 : i32
      %dma_wait3A_309 = arith.constant 0 : i32
      %dma_wait3A_310 = tpu.memref_slice %arg2[%dma_wait3A_308, %dma_wait3A_309] : memref<10240x128xf32, #tpu.memory_space<hbm>> -> memref<10240x128xf32, #tpu.memory_space<hbm>>
      %dma_wait3A_311 = tpu.memref_slice %arg12[%dma_wait3A_300] : memref<3x!tpu.dma_semaphore, #tpu.memory_space<semaphore_mem>> -> memref<1x!tpu.dma_semaphore, #tpu.memory_space<semaphore_mem>>
      %dma_wait3A_312 = tpu.memref_squeeze %dma_wait3A_311 : memref<1x!tpu.dma_semaphore, #tpu.memory_space<semaphore_mem>> -> memref<!tpu.dma_semaphore, #tpu.memory_space<semaphore_mem>>
      tpu.wait_indirect_dma semaphore(%dma_wait3A_312 : memref<!tpu.dma_semaphore, #tpu.memory_space<semaphore_mem>>) src(%dma_wait3A_310 : memref<10240x128xf32, #tpu.memory_space<hbm>>) dst(%dma_wait3A_304 : memref<112x128xf32, #tpu.memory_space<vmem>>)
      %dma_start3A_313 = arith.constant 1 : i32
      %dma_start3A_314 = arith.constant 4 : i32
      %dma_start3A_315 = arith.constant 1 : i32
      %dma_start3A_316 = arith.constant 0 : i32
      %dma_start3A_317 = arith.constant 0 : i32
      %dma_start3A_318 = tpu.memref_slice %arg9[%dma_start3A_313, %dma_start3A_316, %dma_start3A_317] : memref<3x112x128xf32, #tpu.memory_space<vmem>> -> memref<1x112x128xf32, #tpu.memory_space<vmem>>
      %dma_start3A_319 = tpu.memref_squeeze %dma_start3A_318 : memref<1x112x128xf32, #tpu.memory_space<vmem>> -> memref<112x128xf32, #tpu.memory_space<vmem>>
      %dma_start3A_320 = arith.constant 0 : i32
      %dma_start3A_321 = tpu.memref_slice %arg8[%rem3A_63, %dma_start3A_314, %dma_start3A_320] : memref<2x6x112xi32, #tpu.memory_space<vmem>> -> memref<1x1x112xi32, #tpu.memory_space<vmem>>
      %dma_start3A_322 = tpu.memref_squeeze %dma_start3A_321 : memref<1x1x112xi32, #tpu.memory_space<vmem>> -> memref<112xi32, #tpu.memory_space<vmem>>
      %dma_start3A_323 = arith.constant 0 : i32
      %dma_start3A_324 = arith.constant 0 : i32
      %dma_start3A_325 = tpu.memref_slice %arg10[%dma_start3A_323, %dma_start3A_324] : memref<10240x128xf32, #tpu.memory_space<vmem_shared>> -> memref<10240x128xf32, #tpu.memory_space<vmem_shared>>
      %dma_start3A_326 = tpu.memref_slice %arg13[%dma_start3A_315] : memref<3x!tpu.dma_semaphore, #tpu.memory_space<semaphore_mem>> -> memref<1x!tpu.dma_semaphore, #tpu.memory_space<semaphore_mem>>
      %dma_start3A_327 = tpu.memref_squeeze %dma_start3A_326 : memref<1x!tpu.dma_semaphore, #tpu.memory_space<semaphore_mem>> -> memref<!tpu.dma_semaphore, #tpu.memory_space<semaphore_mem>>
      tpu.enqueue_indirect_dma source(%dma_start3A_319 : memref<112x128xf32, #tpu.memory_space<vmem>>) target(%dma_start3A_325 : memref<10240x128xf32, #tpu.memory_space<vmem_shared>>) offsets(%dma_start3A_322 : memref<112xi32, #tpu.memory_space<vmem>>) semaphore(%dma_start3A_327 : memref<!tpu.dma_semaphore, #tpu.memory_space<semaphore_mem>>) {add = true}
      %dma_wait3A_328 = arith.constant 0 : i32
      %dma_wait3A_329 = arith.constant 4 : i32
      %dma_wait3A_330 = arith.constant 0 : i32
      %dma_wait3A_331 = arith.constant 0 : i32
      %dma_wait3A_332 = arith.constant 0 : i32
      %dma_wait3A_333 = tpu.memref_slice %arg9[%dma_wait3A_328, %dma_wait3A_331, %dma_wait3A_332] : memref<3x112x128xf32, #tpu.memory_space<vmem>> -> memref<1x112x128xf32, #tpu.memory_space<vmem>>
      %dma_wait3A_334 = tpu.memref_squeeze %dma_wait3A_333 : memref<1x112x128xf32, #tpu.memory_space<vmem>> -> memref<112x128xf32, #tpu.memory_space<vmem>>
      %dma_wait3A_335 = arith.constant 0 : i32
      %dma_wait3A_336 = tpu.memref_slice %arg8[%rem3A_63, %dma_wait3A_329, %dma_wait3A_335] : memref<2x6x112xi32, #tpu.memory_space<vmem>> -> memref<1x1x112xi32, #tpu.memory_space<vmem>>
      %dma_wait3A_337 = tpu.memref_squeeze %dma_wait3A_336 : memref<1x1x112xi32, #tpu.memory_space<vmem>> -> memref<112xi32, #tpu.memory_space<vmem>>
      %dma_wait3A_338 = arith.constant 0 : i32
      %dma_wait3A_339 = arith.constant 0 : i32
      %dma_wait3A_340 = tpu.memref_slice %arg10[%dma_wait3A_338, %dma_wait3A_339] : memref<10240x128xf32, #tpu.memory_space<vmem_shared>> -> memref<10240x128xf32, #tpu.memory_space<vmem_shared>>
      %dma_wait3A_341 = tpu.memref_slice %arg13[%dma_wait3A_330] : memref<3x!tpu.dma_semaphore, #tpu.memory_space<semaphore_mem>> -> memref<1x!tpu.dma_semaphore, #tpu.memory_space<semaphore_mem>>
      %dma_wait3A_342 = tpu.memref_squeeze %dma_wait3A_341 : memref<1x!tpu.dma_semaphore, #tpu.memory_space<semaphore_mem>> -> memref<!tpu.dma_semaphore, #tpu.memory_space<semaphore_mem>>
      tpu.wait_indirect_dma semaphore(%dma_wait3A_342 : memref<!tpu.dma_semaphore, #tpu.memory_space<semaphore_mem>>) src(%dma_wait3A_334 : memref<112x128xf32, #tpu.memory_space<vmem>>) dst(%dma_wait3A_340 : memref<10240x128xf32, #tpu.memory_space<vmem_shared>>)
      %add3A_343 = arith.constant 1 : i32
      %add3A_344 = arith.addi %scan3A_62, %add3A_343 : i32
      %lt3A_345 = arith.constant 15 : i32
      %lt3A_346 = arith.cmpi slt, %add3A_344, %lt3A_345 : i32
      %convert_element_type3A_347 = arith.extui %lt3A_346 : i1 to i32
      %cond3A_348 = arith.constant 0 : i32
      %cond3A_349 = arith.cmpi ne, %convert_element_type3A_347, %cond3A_348 : i32
      scf.if %cond3A_349 {
        %add3A_409 = arith.constant 1 : i32
        %add3A_410 = arith.addi %scan3A_62, %add3A_409 : i32
        %dma_wait3A_411 = arith.constant 0 : i32
        %dma_wait3A_412 = arith.constant 0 : i32
        %dma_wait3A_413 = tpu.memref_slice %arg7[%sub3A_64, %dma_wait3A_411, %dma_wait3A_412] : memref<2x6x112xi32, #tpu.memory_space<vmem>> -> memref<1x6x112xi32, #tpu.memory_space<vmem>>
        %dma_wait3A_414 = tpu.memref_squeeze %dma_wait3A_413 : memref<1x6x112xi32, #tpu.memory_space<vmem>> -> memref<6x112xi32, #tpu.memory_space<vmem>>
        %dma_wait3A_415 = arith.constant 0 : i32
        %dma_wait3A_416 = arith.constant 0 : i32
        %dma_wait3A_417 = tpu.memref_slice %arg3[%add3A, %add3A_410, %dma_wait3A_415, %dma_wait3A_416] : memref<32x15x6x112xi32, #tpu.memory_space<hbm>> -> memref<1x1x6x112xi32, #tpu.memory_space<hbm>>
        %dma_wait3A_418 = tpu.memref_squeeze %dma_wait3A_417 : memref<1x1x6x112xi32, #tpu.memory_space<hbm>> -> memref<6x112xi32, #tpu.memory_space<hbm>>
        %dma_wait3A_419 = arith.constant 0 : i32
        %dma_wait3A_420 = arith.constant 0 : i32
        %dma_wait3A_421 = tpu.memref_slice %arg7[%sub3A_64, %dma_wait3A_419, %dma_wait3A_420] : memref<2x6x112xi32, #tpu.memory_space<vmem>> -> memref<1x6x112xi32, #tpu.memory_space<vmem>>
        %dma_wait3A_422 = tpu.memref_squeeze %dma_wait3A_421 : memref<1x6x112xi32, #tpu.memory_space<vmem>> -> memref<6x112xi32, #tpu.memory_space<vmem>>
        %dma_wait3A_423 = arith.constant 0 : i32
        %dma_wait3A_424 = arith.constant 0 : i32
        %dma_wait3A_425 = tpu.memref_slice %arg3[%add3A, %add3A_410, %dma_wait3A_423, %dma_wait3A_424] : memref<32x15x6x112xi32, #tpu.memory_space<hbm>> -> memref<1x1x6x112xi32, #tpu.memory_space<hbm>>
        %dma_wait3A_426 = tpu.memref_squeeze %dma_wait3A_425 : memref<1x1x6x112xi32, #tpu.memory_space<hbm>> -> memref<6x112xi32, #tpu.memory_space<hbm>>
        tpu.wait_dma2 semaphore(%arg11 : memref<!tpu.dma_semaphore, #tpu.memory_space<semaphore_mem>>) src(%dma_wait3A_426 : memref<6x112xi32, #tpu.memory_space<hbm>>) dst(%dma_wait3A_422 : memref<6x112xi32, #tpu.memory_space<vmem>>)
        %add3A_427 = arith.constant 1 : i32
        %add3A_428 = arith.addi %scan3A_62, %add3A_427 : i32
        %dma_wait3A_429 = arith.constant 0 : i32
        %dma_wait3A_430 = arith.constant 0 : i32
        %dma_wait3A_431 = tpu.memref_slice %arg8[%sub3A_64, %dma_wait3A_429, %dma_wait3A_430] : memref<2x6x112xi32, #tpu.memory_space<vmem>> -> memref<1x6x112xi32, #tpu.memory_space<vmem>>
        %dma_wait3A_432 = tpu.memref_squeeze %dma_wait3A_431 : memref<1x6x112xi32, #tpu.memory_space<vmem>> -> memref<6x112xi32, #tpu.memory_space<vmem>>
        %dma_wait3A_433 = arith.constant 0 : i32
        %dma_wait3A_434 = arith.constant 0 : i32
        %dma_wait3A_435 = tpu.memref_slice %arg4[%add3A, %add3A_428, %dma_wait3A_433, %dma_wait3A_434] : memref<32x15x6x112xi32, #tpu.memory_space<hbm>> -> memref<1x1x6x112xi32, #tpu.memory_space<hbm>>
        %dma_wait3A_436 = tpu.memref_squeeze %dma_wait3A_435 : memref<1x1x6x112xi32, #tpu.memory_space<hbm>> -> memref<6x112xi32, #tpu.memory_space<hbm>>
        %dma_wait3A_437 = arith.constant 0 : i32
        %dma_wait3A_438 = arith.constant 0 : i32
        %dma_wait3A_439 = tpu.memref_slice %arg8[%sub3A_64, %dma_wait3A_437, %dma_wait3A_438] : memref<2x6x112xi32, #tpu.memory_space<vmem>> -> memref<1x6x112xi32, #tpu.memory_space<vmem>>
        %dma_wait3A_440 = tpu.memref_squeeze %dma_wait3A_439 : memref<1x6x112xi32, #tpu.memory_space<vmem>> -> memref<6x112xi32, #tpu.memory_space<vmem>>
        %dma_wait3A_441 = arith.constant 0 : i32
        %dma_wait3A_442 = arith.constant 0 : i32
        %dma_wait3A_443 = tpu.memref_slice %arg4[%add3A, %add3A_428, %dma_wait3A_441, %dma_wait3A_442] : memref<32x15x6x112xi32, #tpu.memory_space<hbm>> -> memref<1x1x6x112xi32, #tpu.memory_space<hbm>>
        %dma_wait3A_444 = tpu.memref_squeeze %dma_wait3A_443 : memref<1x1x6x112xi32, #tpu.memory_space<hbm>> -> memref<6x112xi32, #tpu.memory_space<hbm>>
        tpu.wait_dma2 semaphore(%arg11 : memref<!tpu.dma_semaphore, #tpu.memory_space<semaphore_mem>>) src(%dma_wait3A_444 : memref<6x112xi32, #tpu.memory_space<hbm>>) dst(%dma_wait3A_440 : memref<6x112xi32, #tpu.memory_space<vmem>>)
      } else {
      }
      %add3A_350 = arith.constant 1 : i32
      %add3A_351 = arith.addi %scan3A_62, %add3A_350 : i32
      %lt3A_352 = arith.constant 15 : i32
      %lt3A_353 = arith.cmpi slt, %add3A_351, %lt3A_352 : i32
      %convert_element_type3A_354 = arith.extui %lt3A_353 : i1 to i32
      %cond3A_355 = arith.constant 0 : i32
      %cond3A_356 = arith.cmpi ne, %convert_element_type3A_354, %cond3A_355 : i32
      scf.if %cond3A_356 {
        %dma_start3A_409 = arith.constant 0 : i32
        %dma_start3A_410 = arith.constant 0 : i32
        %dma_start3A_411 = arith.constant 0 : i32
        %dma_start3A_412 = arith.constant 0 : i32
        %dma_start3A_413 = arith.constant 0 : i32
        %dma_start3A_414 = tpu.memref_slice %arg9[%dma_start3A_410, %dma_start3A_412, %dma_start3A_413] : memref<3x112x128xf32, #tpu.memory_space<vmem>> -> memref<1x112x128xf32, #tpu.memory_space<vmem>>
        %dma_start3A_415 = tpu.memref_squeeze %dma_start3A_414 : memref<1x112x128xf32, #tpu.memory_space<vmem>> -> memref<112x128xf32, #tpu.memory_space<vmem>>
        %dma_start3A_416 = arith.constant 0 : i32
        %dma_start3A_417 = tpu.memref_slice %arg7[%sub3A_64, %dma_start3A_409, %dma_start3A_416] : memref<2x6x112xi32, #tpu.memory_space<vmem>> -> memref<1x1x112xi32, #tpu.memory_space<vmem>>
        %dma_start3A_418 = tpu.memref_squeeze %dma_start3A_417 : memref<1x1x112xi32, #tpu.memory_space<vmem>> -> memref<112xi32, #tpu.memory_space<vmem>>
        %dma_start3A_419 = arith.constant 0 : i32
        %dma_start3A_420 = arith.constant 0 : i32
        %dma_start3A_421 = tpu.memref_slice %arg2[%dma_start3A_419, %dma_start3A_420] : memref<10240x128xf32, #tpu.memory_space<hbm>> -> memref<10240x128xf32, #tpu.memory_space<hbm>>
        %dma_start3A_422 = tpu.memref_slice %arg12[%dma_start3A_411] : memref<3x!tpu.dma_semaphore, #tpu.memory_space<semaphore_mem>> -> memref<1x!tpu.dma_semaphore, #tpu.memory_space<semaphore_mem>>
        %dma_start3A_423 = tpu.memref_squeeze %dma_start3A_422 : memref<1x!tpu.dma_semaphore, #tpu.memory_space<semaphore_mem>> -> memref<!tpu.dma_semaphore, #tpu.memory_space<semaphore_mem>>
        tpu.enqueue_indirect_dma source(%dma_start3A_421 : memref<10240x128xf32, #tpu.memory_space<hbm>>) target(%dma_start3A_415 : memref<112x128xf32, #tpu.memory_space<vmem>>) offsets(%dma_start3A_418 : memref<112xi32, #tpu.memory_space<vmem>>) semaphore(%dma_start3A_423 : memref<!tpu.dma_semaphore, #tpu.memory_space<semaphore_mem>>)
      } else {
      }
      %dma_wait3A_357 = arith.constant 5 : i32
      %dma_wait3A_358 = arith.constant 2 : i32
      %dma_wait3A_359 = arith.constant 2 : i32
      %dma_wait3A_360 = arith.constant 0 : i32
      %dma_wait3A_361 = arith.constant 0 : i32
      %dma_wait3A_362 = tpu.memref_slice %arg9[%dma_wait3A_358, %dma_wait3A_360, %dma_wait3A_361] : memref<3x112x128xf32, #tpu.memory_space<vmem>> -> memref<1x112x128xf32, #tpu.memory_space<vmem>>
      %dma_wait3A_363 = tpu.memref_squeeze %dma_wait3A_362 : memref<1x112x128xf32, #tpu.memory_space<vmem>> -> memref<112x128xf32, #tpu.memory_space<vmem>>
      %dma_wait3A_364 = arith.constant 0 : i32
      %dma_wait3A_365 = tpu.memref_slice %arg7[%rem3A_63, %dma_wait3A_357, %dma_wait3A_364] : memref<2x6x112xi32, #tpu.memory_space<vmem>> -> memref<1x1x112xi32, #tpu.memory_space<vmem>>
      %dma_wait3A_366 = tpu.memref_squeeze %dma_wait3A_365 : memref<1x1x112xi32, #tpu.memory_space<vmem>> -> memref<112xi32, #tpu.memory_space<vmem>>
      %dma_wait3A_367 = arith.constant 0 : i32
      %dma_wait3A_368 = arith.constant 0 : i32
      %dma_wait3A_369 = tpu.memref_slice %arg2[%dma_wait3A_367, %dma_wait3A_368] : memref<10240x128xf32, #tpu.memory_space<hbm>> -> memref<10240x128xf32, #tpu.memory_space<hbm>>
      %dma_wait3A_370 = tpu.memref_slice %arg12[%dma_wait3A_359] : memref<3x!tpu.dma_semaphore, #tpu.memory_space<semaphore_mem>> -> memref<1x!tpu.dma_semaphore, #tpu.memory_space<semaphore_mem>>
      %dma_wait3A_371 = tpu.memref_squeeze %dma_wait3A_370 : memref<1x!tpu.dma_semaphore, #tpu.memory_space<semaphore_mem>> -> memref<!tpu.dma_semaphore, #tpu.memory_space<semaphore_mem>>
      tpu.wait_indirect_dma semaphore(%dma_wait3A_371 : memref<!tpu.dma_semaphore, #tpu.memory_space<semaphore_mem>>) src(%dma_wait3A_369 : memref<10240x128xf32, #tpu.memory_space<hbm>>) dst(%dma_wait3A_363 : memref<112x128xf32, #tpu.memory_space<vmem>>)
      %dma_start3A_372 = arith.constant 2 : i32
      %dma_start3A_373 = arith.constant 5 : i32
      %dma_start3A_374 = arith.constant 2 : i32
      %dma_start3A_375 = arith.constant 0 : i32
      %dma_start3A_376 = arith.constant 0 : i32
      %dma_start3A_377 = tpu.memref_slice %arg9[%dma_start3A_372, %dma_start3A_375, %dma_start3A_376] : memref<3x112x128xf32, #tpu.memory_space<vmem>> -> memref<1x112x128xf32, #tpu.memory_space<vmem>>
      %dma_start3A_378 = tpu.memref_squeeze %dma_start3A_377 : memref<1x112x128xf32, #tpu.memory_space<vmem>> -> memref<112x128xf32, #tpu.memory_space<vmem>>
      %dma_start3A_379 = arith.constant 0 : i32
      %dma_start3A_380 = tpu.memref_slice %arg8[%rem3A_63, %dma_start3A_373, %dma_start3A_379] : memref<2x6x112xi32, #tpu.memory_space<vmem>> -> memref<1x1x112xi32, #tpu.memory_space<vmem>>
      %dma_start3A_381 = tpu.memref_squeeze %dma_start3A_380 : memref<1x1x112xi32, #tpu.memory_space<vmem>> -> memref<112xi32, #tpu.memory_space<vmem>>
      %dma_start3A_382 = arith.constant 0 : i32
      %dma_start3A_383 = arith.constant 0 : i32
      %dma_start3A_384 = tpu.memref_slice %arg10[%dma_start3A_382, %dma_start3A_383] : memref<10240x128xf32, #tpu.memory_space<vmem_shared>> -> memref<10240x128xf32, #tpu.memory_space<vmem_shared>>
      %dma_start3A_385 = tpu.memref_slice %arg13[%dma_start3A_374] : memref<3x!tpu.dma_semaphore, #tpu.memory_space<semaphore_mem>> -> memref<1x!tpu.dma_semaphore, #tpu.memory_space<semaphore_mem>>
      %dma_start3A_386 = tpu.memref_squeeze %dma_start3A_385 : memref<1x!tpu.dma_semaphore, #tpu.memory_space<semaphore_mem>> -> memref<!tpu.dma_semaphore, #tpu.memory_space<semaphore_mem>>
      tpu.enqueue_indirect_dma source(%dma_start3A_378 : memref<112x128xf32, #tpu.memory_space<vmem>>) target(%dma_start3A_384 : memref<10240x128xf32, #tpu.memory_space<vmem_shared>>) offsets(%dma_start3A_381 : memref<112xi32, #tpu.memory_space<vmem>>) semaphore(%dma_start3A_386 : memref<!tpu.dma_semaphore, #tpu.memory_space<semaphore_mem>>) {add = true}
      %dma_wait3A_387 = arith.constant 1 : i32
      %dma_wait3A_388 = arith.constant 5 : i32
      %dma_wait3A_389 = arith.constant 1 : i32
      %dma_wait3A_390 = arith.constant 0 : i32
      %dma_wait3A_391 = arith.constant 0 : i32
      %dma_wait3A_392 = tpu.memref_slice %arg9[%dma_wait3A_387, %dma_wait3A_390, %dma_wait3A_391] : memref<3x112x128xf32, #tpu.memory_space<vmem>> -> memref<1x112x128xf32, #tpu.memory_space<vmem>>
      %dma_wait3A_393 = tpu.memref_squeeze %dma_wait3A_392 : memref<1x112x128xf32, #tpu.memory_space<vmem>> -> memref<112x128xf32, #tpu.memory_space<vmem>>
      %dma_wait3A_394 = arith.constant 0 : i32
      %dma_wait3A_395 = tpu.memref_slice %arg8[%rem3A_63, %dma_wait3A_388, %dma_wait3A_394] : memref<2x6x112xi32, #tpu.memory_space<vmem>> -> memref<1x1x112xi32, #tpu.memory_space<vmem>>
      %dma_wait3A_396 = tpu.memref_squeeze %dma_wait3A_395 : memref<1x1x112xi32, #tpu.memory_space<vmem>> -> memref<112xi32, #tpu.memory_space<vmem>>
      %dma_wait3A_397 = arith.constant 0 : i32
      %dma_wait3A_398 = arith.constant 0 : i32
      %dma_wait3A_399 = tpu.memref_slice %arg10[%dma_wait3A_397, %dma_wait3A_398] : memref<10240x128xf32, #tpu.memory_space<vmem_shared>> -> memref<10240x128xf32, #tpu.memory_space<vmem_shared>>
      %dma_wait3A_400 = tpu.memref_slice %arg13[%dma_wait3A_389] : memref<3x!tpu.dma_semaphore, #tpu.memory_space<semaphore_mem>> -> memref<1x!tpu.dma_semaphore, #tpu.memory_space<semaphore_mem>>
      %dma_wait3A_401 = tpu.memref_squeeze %dma_wait3A_400 : memref<1x!tpu.dma_semaphore, #tpu.memory_space<semaphore_mem>> -> memref<!tpu.dma_semaphore, #tpu.memory_space<semaphore_mem>>
      tpu.wait_indirect_dma semaphore(%dma_wait3A_401 : memref<!tpu.dma_semaphore, #tpu.memory_space<semaphore_mem>>) src(%dma_wait3A_393 : memref<112x128xf32, #tpu.memory_space<vmem>>) dst(%dma_wait3A_399 : memref<10240x128xf32, #tpu.memory_space<vmem_shared>>)
      %add3A_402 = arith.constant 1 : i32
      %add3A_403 = arith.addi %scan3A_62, %add3A_402 : i32
      %lt3A_404 = arith.constant 15 : i32
      %lt3A_405 = arith.cmpi slt, %add3A_403, %lt3A_404 : i32
      %convert_element_type3A_406 = arith.extui %lt3A_405 : i1 to i32
      %cond3A_407 = arith.constant 0 : i32
      %cond3A_408 = arith.cmpi ne, %convert_element_type3A_406, %cond3A_407 : i32
      scf.if %cond3A_408 {
        %dma_start3A_409 = arith.constant 1 : i32
        %dma_start3A_410 = arith.constant 1 : i32
        %dma_start3A_411 = arith.constant 1 : i32
        %dma_start3A_412 = arith.constant 0 : i32
        %dma_start3A_413 = arith.constant 0 : i32
        %dma_start3A_414 = tpu.memref_slice %arg9[%dma_start3A_410, %dma_start3A_412, %dma_start3A_413] : memref<3x112x128xf32, #tpu.memory_space<vmem>> -> memref<1x112x128xf32, #tpu.memory_space<vmem>>
        %dma_start3A_415 = tpu.memref_squeeze %dma_start3A_414 : memref<1x112x128xf32, #tpu.memory_space<vmem>> -> memref<112x128xf32, #tpu.memory_space<vmem>>
        %dma_start3A_416 = arith.constant 0 : i32
        %dma_start3A_417 = tpu.memref_slice %arg7[%sub3A_64, %dma_start3A_409, %dma_start3A_416] : memref<2x6x112xi32, #tpu.memory_space<vmem>> -> memref<1x1x112xi32, #tpu.memory_space<vmem>>
        %dma_start3A_418 = tpu.memref_squeeze %dma_start3A_417 : memref<1x1x112xi32, #tpu.memory_space<vmem>> -> memref<112xi32, #tpu.memory_space<vmem>>
        %dma_start3A_419 = arith.constant 0 : i32
        %dma_start3A_420 = arith.constant 0 : i32
        %dma_start3A_421 = tpu.memref_slice %arg2[%dma_start3A_419, %dma_start3A_420] : memref<10240x128xf32, #tpu.memory_space<hbm>> -> memref<10240x128xf32, #tpu.memory_space<hbm>>
        %dma_start3A_422 = tpu.memref_slice %arg12[%dma_start3A_411] : memref<3x!tpu.dma_semaphore, #tpu.memory_space<semaphore_mem>> -> memref<1x!tpu.dma_semaphore, #tpu.memory_space<semaphore_mem>>
        %dma_start3A_423 = tpu.memref_squeeze %dma_start3A_422 : memref<1x!tpu.dma_semaphore, #tpu.memory_space<semaphore_mem>> -> memref<!tpu.dma_semaphore, #tpu.memory_space<semaphore_mem>>
        tpu.enqueue_indirect_dma source(%dma_start3A_421 : memref<10240x128xf32, #tpu.memory_space<hbm>>) target(%dma_start3A_415 : memref<112x128xf32, #tpu.memory_space<vmem>>) offsets(%dma_start3A_418 : memref<112xi32, #tpu.memory_space<vmem>>) semaphore(%dma_start3A_423 : memref<!tpu.dma_semaphore, #tpu.memory_space<semaphore_mem>>)
      } else {
      }
    }
    %scan3A_41 = arith.constant 15 : i32
    %dma_wait3A = arith.constant 2 : i32
    %dma_wait3A_42 = arith.constant 0 : i32
    %dma_wait3A_43 = arith.constant 5 : i32
    %dma_wait3A_44 = arith.constant 2 : i32
    %dma_wait3A_45 = arith.constant 0 : i32
    %dma_wait3A_46 = arith.constant 0 : i32
    %dma_wait3A_47 = tpu.memref_slice %arg9[%dma_wait3A, %dma_wait3A_45, %dma_wait3A_46] : memref<3x112x128xf32, #tpu.memory_space<vmem>> -> memref<1x112x128xf32, #tpu.memory_space<vmem>>
    %dma_wait3A_48 = tpu.memref_squeeze %dma_wait3A_47 : memref<1x112x128xf32, #tpu.memory_space<vmem>> -> memref<112x128xf32, #tpu.memory_space<vmem>>
    %dma_wait3A_49 = arith.constant 0 : i32
    %dma_wait3A_50 = tpu.memref_slice %arg8[%dma_wait3A_42, %dma_wait3A_43, %dma_wait3A_49] : memref<2x6x112xi32, #tpu.memory_space<vmem>> -> memref<1x1x112xi32, #tpu.memory_space<vmem>>
    %dma_wait3A_51 = tpu.memref_squeeze %dma_wait3A_50 : memref<1x1x112xi32, #tpu.memory_space<vmem>> -> memref<112xi32, #tpu.memory_space<vmem>>
    %dma_wait3A_52 = arith.constant 0 : i32
    %dma_wait3A_53 = arith.constant 0 : i32
    %dma_wait3A_54 = tpu.memref_slice %arg10[%dma_wait3A_52, %dma_wait3A_53] : memref<10240x128xf32, #tpu.memory_space<vmem_shared>> -> memref<10240x128xf32, #tpu.memory_space<vmem_shared>>
    %dma_wait3A_55 = tpu.memref_slice %arg13[%dma_wait3A_44] : memref<3x!tpu.dma_semaphore, #tpu.memory_space<semaphore_mem>> -> memref<1x!tpu.dma_semaphore, #tpu.memory_space<semaphore_mem>>
    %dma_wait3A_56 = tpu.memref_squeeze %dma_wait3A_55 : memref<1x!tpu.dma_semaphore, #tpu.memory_space<semaphore_mem>> -> memref<!tpu.dma_semaphore, #tpu.memory_space<semaphore_mem>>
    tpu.wait_indirect_dma semaphore(%dma_wait3A_56 : memref<!tpu.dma_semaphore, #tpu.memory_space<semaphore_mem>>) src(%dma_wait3A_48 : memref<112x128xf32, #tpu.memory_space<vmem>>) dst(%dma_wait3A_54 : memref<10240x128xf32, #tpu.memory_space<vmem_shared>>)
    %barrier3A_57 = arith.constant 0 : index
    tpu.barrier barrier_id(%barrier3A_57)
    %mul3A_58 = arith.constant 640 : i32
    %mul3A_59 = arith.muli %arg1, %mul3A_58 : i32
    %mul3A_60 = arith.constant 640 : i32
    %mul3A_61 = arith.muli %arg1, %mul3A_60 : i32
    "tpu.region"() ({
      %run_scoped3A_62 = tpu.sem_alloc : memref<!tpu.dma_semaphore, #tpu.memory_space<semaphore_mem>>
      %dma_start3A_63 = arith.constant 0 : i32
      %dma_start3A_64 = tpu.memref_slice %arg6[%arg0, %mul3A_61, %dma_start3A_63] : memref<2x10240x128xf32, #tpu.memory_space<hbm>> -> memref<1x640x128xf32, #tpu.memory_space<hbm>>
      %dma_start3A_65 = tpu.memref_squeeze %dma_start3A_64 : memref<1x640x128xf32, #tpu.memory_space<hbm>> -> memref<640x128xf32, #tpu.memory_space<hbm>>
      %dma_start3A_66 = arith.constant 0 : i32
      %dma_start3A_67 = tpu.memref_slice %arg10[%mul3A_59, %dma_start3A_66] : memref<10240x128xf32, #tpu.memory_space<vmem_shared>> -> memref<640x128xf32, #tpu.memory_space<vmem_shared>>
      tpu.enqueue_dma source(%dma_start3A_67 : memref<640x128xf32, #tpu.memory_space<vmem_shared>>) target(%dma_start3A_65 : memref<640x128xf32, #tpu.memory_space<hbm>>) target_semaphore(%run_scoped3A_62 : memref<!tpu.dma_semaphore, #tpu.memory_space<semaphore_mem>>)
      %dma_wait3A_68 = arith.constant 0 : i32
      %dma_wait3A_69 = tpu.memref_slice %arg6[%arg0, %mul3A_61, %dma_wait3A_68] : memref<2x10240x128xf32, #tpu.memory_space<hbm>> -> memref<1x640x128xf32, #tpu.memory_space<hbm>>
      %dma_wait3A_70 = tpu.memref_squeeze %dma_wait3A_69 : memref<1x640x128xf32, #tpu.memory_space<hbm>> -> memref<640x128xf32, #tpu.memory_space<hbm>>
      %dma_wait3A_71 = arith.constant 0 : i32
      %dma_wait3A_72 = tpu.memref_slice %arg10[%mul3A_59, %dma_wait3A_71] : memref<10240x128xf32, #tpu.memory_space<vmem_shared>> -> memref<640x128xf32, #tpu.memory_space<vmem_shared>>
      tpu.wait_dma2 semaphore(%run_scoped3A_62 : memref<!tpu.dma_semaphore, #tpu.memory_space<semaphore_mem>>) src(%dma_wait3A_72 : memref<640x128xf32, #tpu.memory_space<vmem_shared>>) dst(%dma_wait3A_70 : memref<640x128xf32, #tpu.memory_space<hbm>>)
      tpu.yield
    }) : () -> ()
    return
  }
}

module attributes {stable_mosaic.version = 14 : i64} {
  func.func @_mm_body(%arg0: i32, %arg1: memref<512x128xf32, #tpu.memory_space<vmem>>, %arg2: memref<128x128xf32, #tpu.memory_space<vmem>>, %arg3: memref<512x128xf32, #tpu.memory_space<vmem>>) attributes {dimension_semantics = [#tpu.dimension_semantics<arbitrary>], iteration_bounds = array<i64: 20>, scalar_prefetch = 0 : i64, scratch_operands = 0 : i64, tpu.core_type = #tpu.core_type<tc>, window_params = [{transform_indices = @transform_0, window_bounds = array<i64: 512, 128>}, {pipeline_mode = #tpu.pipeline_mode<synchronous>, transform_indices = @transform_1, window_bounds = array<i64: 128, 128>}, {transform_indices = @transform_2, window_bounds = array<i64: 512, 128>}]} {
    %get3A = arith.constant 0 : index
    %get3A_0 = arith.constant 0 : index
    %get3A_1 = vector.load %arg1[%get3A, %get3A_0] : memref<512x128xf32, #tpu.memory_space<vmem>>, vector<512x128xf32>
    %get3A_2 = arith.constant 0 : index
    %get3A_3 = arith.constant 0 : index
    %get3A_4 = vector.load %arg2[%get3A_2, %get3A_3] : memref<128x128xf32, #tpu.memory_space<vmem>>, vector<128x128xf32>
    %dot_general3A = arith.constant dense<0.000000e+00> : vector<512x128xf32>
    %dot_general3A_5 = tpu.matmul %get3A_1, %get3A_4, %dot_general3A {dimension_numbers = #tpu.dot_dimension_numbers<[1], [0], [0], [1], [0, 0, 1, 1], [], []>, transpose_lhs_hint = false} : vector<512x128xf32>, vector<128x128xf32>, vector<512x128xf32> -> vector<512x128xf32>
    %swap3A = arith.constant 0 : index
    %swap3A_6 = arith.constant 0 : index
    %swap3A_7 = vector.load %arg3[%swap3A, %swap3A_6] : memref<512x128xf32, #tpu.memory_space<vmem>>, vector<512x128xf32>
    tpu.vector_store %arg3[%swap3A, %swap3A_6], %dot_general3A_5 {strides = array<i32>} : memref<512x128xf32, #tpu.memory_space<vmem>>, vector<512x128xf32>,
    return
  }
  func.func @transform_0(%arg0: i32) -> (i32, i32) {
    %c0_i32 = arith.constant 0 : i32
    %c0_i32_0 = arith.constant 0 : i32
    return %arg0, %c0_i32 : i32, i32
  }
  func.func @transform_1(%arg0: i32) -> (i32, i32) {
    %c0_i32 = arith.constant 0 : i32
    %c0_i32_0 = arith.constant 0 : i32
    %c0_i32_1 = arith.constant 0 : i32
    return %c0_i32, %c0_i32_0 : i32, i32
  }
  func.func @transform_2(%arg0: i32) -> (i32, i32) {
    %c0_i32 = arith.constant 0 : i32
    %c0_i32_0 = arith.constant 0 : i32
    return %arg0, %c0_i32 : i32, i32
  }
}

module attributes {stable_mosaic.version = 14 : i64} {
  func.func @_b1_body(%arg0: i32, %arg1: memref<512x128xf32, #tpu.memory_space<vmem>>, %arg2: memref<1x512x128xf32, #tpu.memory_space<vmem>>, %arg3: memref<1x512x128xf32, #tpu.memory_space<vmem>>, %arg4: memref<512x128xf32, #tpu.memory_space<vmem>>, %arg5: memref<512x8xf32, #tpu.memory_space<vmem>>) attributes {dimension_semantics = [#tpu.dimension_semantics<arbitrary>], iteration_bounds = array<i64: 20>, scalar_prefetch = 0 : i64, scratch_operands = 0 : i64, tpu.core_type = #tpu.core_type<tc>, window_params = [{transform_indices = @transform_0, window_bounds = array<i64: 512, 128>}, {transform_indices = @transform_1, window_bounds = array<i64: 1, 512, 128>}, {transform_indices = @transform_2, window_bounds = array<i64: 1, 512, 128>}, {transform_indices = @transform_3, window_bounds = array<i64: 512, 128>}, {transform_indices = @transform_4, window_bounds = array<i64: 512, 8>}]} {
    %get3A = arith.constant 0 : index
    %get3A_0 = arith.constant 0 : index
    %get3A_1 = arith.constant 0 : index
    %get3A_2 = vector.load %arg2[%get3A, %get3A_0, %get3A_1] : memref<1x512x128xf32, #tpu.memory_space<vmem>>, vector<1x512x128xf32>
    %get3A_3 = vector.shape_cast %get3A_2 : vector<1x512x128xf32> to vector<512x128xf32>
    %slice3A = vector.extract_strided_slice %get3A_3 {offsets = [0, 0], sizes = [512, 1], strides = [1, 1]} : vector<512x128xf32> to vector<512x1xf32>
    %get3A_4 = arith.constant 0 : index
    %get3A_5 = arith.constant 0 : index
    %get3A_6 = arith.constant 0 : index
    %get3A_7 = vector.load %arg3[%get3A_4, %get3A_5, %get3A_6] : memref<1x512x128xf32, #tpu.memory_space<vmem>>, vector<1x512x128xf32>
    %get3A_8 = vector.shape_cast %get3A_7 : vector<1x512x128xf32> to vector<512x128xf32>
    %slice3A_9 = vector.extract_strided_slice %get3A_8 {offsets = [0, 0], sizes = [512, 1], strides = [1, 1]} : vector<512x128xf32> to vector<512x1xf32>
    %add3A = arith.addf %slice3A, %slice3A_9 : vector<512x1xf32>
    %add3A_10 = arith.constant 1.000000e+00 : f32
    %add3A_11 = vector.broadcast %add3A_10 : f32 to vector<512x1xf32>
    %add3A_12 = arith.addf %add3A, %add3A_11 : vector<512x1xf32>
    %rsqrt3A = math.rsqrt %add3A_12 : vector<512x1xf32>
    %get3A_13 = arith.constant 0 : index
    %get3A_14 = arith.constant 0 : index
    %get3A_15 = vector.load %arg1[%get3A_13, %get3A_14] : memref<512x128xf32, #tpu.memory_space<vmem>>, vector<512x128xf32>
    %mul3A = vector.broadcast %rsqrt3A : vector<512x1xf32> to vector<512x128xf32>
    %mul3A_16 = arith.mulf %get3A_15, %mul3A : vector<512x128xf32>
    %swap3A = arith.constant 0 : index
    %swap3A_17 = arith.constant 0 : index
    %swap3A_18 = vector.load %arg4[%swap3A, %swap3A_17] : memref<512x128xf32, #tpu.memory_space<vmem>>, vector<512x128xf32>
    tpu.vector_store %arg4[%swap3A, %swap3A_17], %mul3A_16 {strides = array<i32>} : memref<512x128xf32, #tpu.memory_space<vmem>>, vector<512x128xf32>,
    %broadcast_in_dim3A = vector.shape_cast %rsqrt3A : vector<512x1xf32> to vector<512x1xf32>
    %broadcast_in_dim3A_19 = vector.broadcast %broadcast_in_dim3A : vector<512x1xf32> to vector<512x8xf32>
    %swap3A_20 = arith.constant 0 : index
    %swap3A_21 = arith.constant 0 : index
    %swap3A_22 = vector.load %arg5[%swap3A_20, %swap3A_21] : memref<512x8xf32, #tpu.memory_space<vmem>>, vector<512x8xf32>
    tpu.vector_store %arg5[%swap3A_20, %swap3A_21], %broadcast_in_dim3A_19 {strides = array<i32>} : memref<512x8xf32, #tpu.memory_space<vmem>>, vector<512x8xf32>,
    return
  }
  func.func @transform_0(%arg0: i32) -> (i32, i32) {
    %c0_i32 = arith.constant 0 : i32
    %c0_i32_0 = arith.constant 0 : i32
    return %arg0, %c0_i32 : i32, i32
  }
  func.func @transform_1(%arg0: i32) -> (i32, i32, i32) {
    %c0_i32 = arith.constant 0 : i32
    %c0_i32_0 = arith.constant 0 : i32
    %c0_i32_1 = arith.constant 0 : i32
    return %c0_i32, %arg0, %c0_i32_0 : i32, i32, i32
  }
  func.func @transform_2(%arg0: i32) -> (i32, i32, i32) {
    %c1_i32 = arith.constant 1 : i32
    %c0_i32 = arith.constant 0 : i32
    %c0_i32_0 = arith.constant 0 : i32
    return %c1_i32, %arg0, %c0_i32 : i32, i32, i32
  }
  func.func @transform_3(%arg0: i32) -> (i32, i32) {
    %c0_i32 = arith.constant 0 : i32
    %c0_i32_0 = arith.constant 0 : i32
    return %arg0, %c0_i32 : i32, i32
  }
  func.func @transform_4(%arg0: i32) -> (i32, i32) {
    %c0_i32 = arith.constant 0 : i32
    %c0_i32_0 = arith.constant 0 : i32
    return %arg0, %c0_i32 : i32, i32
  }
}

module attributes {stable_mosaic.version = 14 : i64} {
  func.func @_b2_body(%arg0: i32, %arg1: memref<1x512x128xf32, #tpu.memory_space<vmem>>, %arg2: memref<1x512x128xf32, #tpu.memory_space<vmem>>, %arg3: memref<512x128xf32, #tpu.memory_space<vmem>>, %arg4: memref<512x8xf32, #tpu.memory_space<vmem>>, %arg5: memref<1x128xf32, #tpu.memory_space<vmem>>, %arg6: memref<1x128xf32, #tpu.memory_space<vmem>>, %arg7: memref<1x128xf32, #tpu.memory_space<vmem>>, %arg8: memref<1x128xf32, #tpu.memory_space<vmem>>, %arg9: memref<128x128xf32, #tpu.memory_space<vmem>>, %arg10: memref<512x128xf32, #tpu.memory_space<vmem>>) attributes {dimension_semantics = [#tpu.dimension_semantics<arbitrary>], iteration_bounds = array<i64: 20>, scalar_prefetch = 0 : i64, scratch_operands = 0 : i64, tpu.core_type = #tpu.core_type<tc>, window_params = [{transform_indices = @transform_0, window_bounds = array<i64: 1, 512, 128>}, {transform_indices = @transform_1, window_bounds = array<i64: 1, 512, 128>}, {transform_indices = @transform_2, window_bounds = array<i64: 512, 128>}, {transform_indices = @transform_3, window_bounds = array<i64: 512, 8>}, {pipeline_mode = #tpu.pipeline_mode<synchronous>, transform_indices = @transform_4, window_bounds = array<i64: 1, 128>}, {pipeline_mode = #tpu.pipeline_mode<synchronous>, transform_indices = @transform_5, window_bounds = array<i64: 1, 128>}, {pipeline_mode = #tpu.pipeline_mode<synchronous>, transform_indices = @transform_6, window_bounds = array<i64: 1, 128>}, {pipeline_mode = #tpu.pipeline_mode<synchronous>, transform_indices = @transform_7, window_bounds = array<i64: 1, 128>}, {pipeline_mode = #tpu.pipeline_mode<synchronous>, transform_indices = @transform_8, window_bounds = array<i64: 128, 128>}, {transform_indices = @transform_9, window_bounds = array<i64: 512, 128>}]} {
    %get3A = arith.constant 0 : index
    %get3A_0 = arith.constant 0 : index
    %get3A_1 = vector.load %arg4[%get3A, %get3A_0] : memref<512x8xf32, #tpu.memory_space<vmem>>, vector<512x8xf32>
    %slice3A = vector.extract_strided_slice %get3A_1 {offsets = [0, 0], sizes = [512, 1], strides = [1, 1]} : vector<512x8xf32> to vector<512x1xf32>
    %get3A_2 = arith.constant 0 : index
    %get3A_3 = arith.constant 0 : index
    %get3A_4 = arith.constant 0 : index
    %get3A_5 = vector.load %arg1[%get3A_2, %get3A_3, %get3A_4] : memref<1x512x128xf32, #tpu.memory_space<vmem>>, vector<1x512x128xf32>
    %get3A_6 = vector.shape_cast %get3A_5 : vector<1x512x128xf32> to vector<512x128xf32>
    %get3A_7 = arith.constant 0 : index
    %get3A_8 = arith.constant 0 : index
    %get3A_9 = arith.constant 0 : index
    %get3A_10 = vector.load %arg2[%get3A_7, %get3A_8, %get3A_9] : memref<1x512x128xf32, #tpu.memory_space<vmem>>, vector<1x512x128xf32>
    %get3A_11 = vector.shape_cast %get3A_10 : vector<1x512x128xf32> to vector<512x128xf32>
    %add3A = arith.addf %get3A_6, %get3A_11 : vector<512x128xf32>
    %get3A_12 = arith.constant 0 : index
    %get3A_13 = arith.constant 0 : index
    %get3A_14 = vector.load %arg3[%get3A_12, %get3A_13] : memref<512x128xf32, #tpu.memory_space<vmem>>, vector<512x128xf32>
    %add3A_15 = arith.addf %add3A, %get3A_14 : vector<512x128xf32>
    %mul3A = vector.broadcast %slice3A : vector<512x1xf32> to vector<512x128xf32>
    %mul3A_16 = arith.mulf %add3A_15, %mul3A : vector<512x128xf32>
    %get3A_17 = arith.constant 0 : index
    %get3A_18 = arith.constant 0 : index
    %get3A_19 = vector.load %arg5[%get3A_17, %get3A_18] : memref<1x128xf32, #tpu.memory_space<vmem>>, vector<1x128xf32>
    %add3A_20 = vector.broadcast %get3A_19 : vector<1x128xf32> to vector<512x128xf32>
    %add3A_21 = arith.addf %mul3A_16, %add3A_20 : vector<512x128xf32>
    %ge3A = arith.constant 0.000000e+00 : f32
    %ge3A_22 = vector.broadcast %ge3A : f32 to vector<512x128xf32>
    %ge3A_23 = arith.cmpf oge, %add3A_21, %ge3A_22 : vector<512x128xf32>
    %get3A_24 = arith.constant 0 : index
    %get3A_25 = arith.constant 0 : index
    %get3A_26 = vector.load %arg8[%get3A_24, %get3A_25] : memref<1x128xf32, #tpu.memory_space<vmem>>, vector<1x128xf32>
    %mul3A_27 = vector.broadcast %get3A_26 : vector<1x128xf32> to vector<512x128xf32>
    %mul3A_28 = arith.mulf %mul3A_27, %add3A_21 : vector<512x128xf32>
    %select_n3A = arith.select %ge3A_23, %add3A_21, %mul3A_28 : vector<512x128xi1>, vector<512x128xf32>
    %reduce_sum3A = arith.constant dense<0.000000e+00> : vector<512xf32>
    %reduce_sum3A_29 = vector.multi_reduction <add>, %select_n3A, %reduce_sum3A [1] : vector<512x128xf32> to vector<512xf32>
    %broadcast_in_dim3A = vector.shape_cast %reduce_sum3A_29 : vector<512xf32> to vector<512x1xf32>
    %div3A = arith.constant 1.280000e+02 : f32
    %div3A_30 = vector.broadcast %div3A : f32 to vector<512x1xf32>
    %div3A_31 = arith.divf %broadcast_in_dim3A, %div3A_30 : vector<512x1xf32>
    %sub3A = vector.broadcast %div3A_31 : vector<512x1xf32> to vector<512x128xf32>
    %sub3A_32 = arith.subf %select_n3A, %sub3A : vector<512x128xf32>
    %integer_pow3A = arith.mulf %sub3A_32, %sub3A_32 : vector<512x128xf32>
    %reduce_sum3A_33 = arith.constant dense<0.000000e+00> : vector<512xf32>
    %reduce_sum3A_34 = vector.multi_reduction <add>, %integer_pow3A, %reduce_sum3A_33 [1] : vector<512x128xf32> to vector<512xf32>
    %broadcast_in_dim3A_35 = vector.shape_cast %reduce_sum3A_34 : vector<512xf32> to vector<512x1xf32>
    %div3A_36 = arith.constant 1.280000e+02 : f32
    %div3A_37 = vector.broadcast %div3A_36 : f32 to vector<512x1xf32>
    %div3A_38 = arith.divf %broadcast_in_dim3A_35, %div3A_37 : vector<512x1xf32>
    %sub3A_39 = vector.broadcast %div3A_31 : vector<512x1xf32> to vector<512x128xf32>
    %sub3A_40 = arith.subf %select_n3A, %sub3A_39 : vector<512x128xf32>
    %add3A_41 = arith.constant 9.99999974E-6 : f32
    %add3A_42 = vector.broadcast %add3A_41 : f32 to vector<512x1xf32>
    %add3A_43 = arith.addf %div3A_38, %add3A_42 : vector<512x1xf32>
    %rsqrt3A = math.rsqrt %add3A_43 : vector<512x1xf32>
    %mul3A_44 = vector.broadcast %rsqrt3A : vector<512x1xf32> to vector<512x128xf32>
    %mul3A_45 = arith.mulf %sub3A_40, %mul3A_44 : vector<512x128xf32>
    %get3A_46 = arith.constant 0 : index
    %get3A_47 = arith.constant 0 : index
    %get3A_48 = vector.load %arg6[%get3A_46, %get3A_47] : memref<1x128xf32, #tpu.memory_space<vmem>>, vector<1x128xf32>
    %mul3A_49 = vector.broadcast %get3A_48 : vector<1x128xf32> to vector<512x128xf32>
    %mul3A_50 = arith.mulf %mul3A_45, %mul3A_49 : vector<512x128xf32>
    %get3A_51 = arith.constant 0 : index
    %get3A_52 = arith.constant 0 : index
    %get3A_53 = vector.load %arg7[%get3A_51, %get3A_52] : memref<1x128xf32, #tpu.memory_space<vmem>>, vector<1x128xf32>
    %add3A_54 = vector.broadcast %get3A_53 : vector<1x128xf32> to vector<512x128xf32>
    %add3A_55 = arith.addf %mul3A_50, %add3A_54 : vector<512x128xf32>
    %get3A_56 = arith.constant 0 : index
    %get3A_57 = arith.constant 0 : index
    %get3A_58 = vector.load %arg9[%get3A_56, %get3A_57] : memref<128x128xf32, #tpu.memory_space<vmem>>, vector<128x128xf32>
    %dot_general3A = arith.constant dense<0.000000e+00> : vector<512x128xf32>
    %dot_general3A_59 = tpu.matmul %add3A_55, %get3A_58, %dot_general3A {dimension_numbers = #tpu.dot_dimension_numbers<[1], [0], [0], [1], [0, 0, 1, 1], [], []>, transpose_lhs_hint = false} : vector<512x128xf32>, vector<128x128xf32>, vector<512x128xf32> -> vector<512x128xf32>
    %mul3A_60 = vector.broadcast %slice3A : vector<512x1xf32> to vector<512x128xf32>
    %mul3A_61 = arith.mulf %dot_general3A_59, %mul3A_60 : vector<512x128xf32>
    %swap3A = arith.constant 0 : index
    %swap3A_62 = arith.constant 0 : index
    %swap3A_63 = vector.load %arg10[%swap3A, %swap3A_62] : memref<512x128xf32, #tpu.memory_space<vmem>>, vector<512x128xf32>
    tpu.vector_store %arg10[%swap3A, %swap3A_62], %mul3A_61 {strides = array<i32>} : memref<512x128xf32, #tpu.memory_space<vmem>>, vector<512x128xf32>,
    return
  }
  func.func @transform_0(%arg0: i32) -> (i32, i32, i32) {
    %c0_i32 = arith.constant 0 : i32
    %c0_i32_0 = arith.constant 0 : i32
    %c0_i32_1 = arith.constant 0 : i32
    return %c0_i32, %arg0, %c0_i32_0 : i32, i32, i32
  }
  func.func @transform_1(%arg0: i32) -> (i32, i32, i32) {
    %c1_i32 = arith.constant 1 : i32
    %c0_i32 = arith.constant 0 : i32
    %c0_i32_0 = arith.constant 0 : i32
    return %c1_i32, %arg0, %c0_i32 : i32, i32, i32
  }
  func.func @transform_2(%arg0: i32) -> (i32, i32) {
    %c0_i32 = arith.constant 0 : i32
    %c0_i32_0 = arith.constant 0 : i32
    return %arg0, %c0_i32 : i32, i32
  }
  func.func @transform_3(%arg0: i32) -> (i32, i32) {
    %c0_i32 = arith.constant 0 : i32
    %c0_i32_0 = arith.constant 0 : i32
    return %arg0, %c0_i32 : i32, i32
  }
  func.func @transform_4(%arg0: i32) -> (i32, i32) {
    %c0_i32 = arith.constant 0 : i32
    %c0_i32_0 = arith.constant 0 : i32
    %c0_i32_1 = arith.constant 0 : i32
    return %c0_i32, %c0_i32_0 : i32, i32
  }
  func.func @transform_5(%arg0: i32) -> (i32, i32) {
    %c0_i32 = arith.constant 0 : i32
    %c0_i32_0 = arith.constant 0 : i32
    %c0_i32_1 = arith.constant 0 : i32
    return %c0_i32, %c0_i32_0 : i32, i32
  }
  func.func @transform_6(%arg0: i32) -> (i32, i32) {
    %c0_i32 = arith.constant 0 : i32
    %c0_i32_0 = arith.constant 0 : i32
    %c0_i32_1 = arith.constant 0 : i32
    return %c0_i32, %c0_i32_0 : i32, i32
  }
  func.func @transform_7(%arg0: i32) -> (i32, i32) {
    %c0_i32 = arith.constant 0 : i32
    %c0_i32_0 = arith.constant 0 : i32
    %c0_i32_1 = arith.constant 0 : i32
    return %c0_i32, %c0_i32_0 : i32, i32
  }
  func.func @transform_8(%arg0: i32) -> (i32, i32) {
    %c0_i32 = arith.constant 0 : i32
    %c0_i32_0 = arith.constant 0 : i32
    %c0_i32_1 = arith.constant 0 : i32
    return %c0_i32, %c0_i32_0 : i32, i32
  }
  func.func @transform_9(%arg0: i32) -> (i32, i32) {
    %c0_i32 = arith.constant 0 : i32
    %c0_i32_0 = arith.constant 0 : i32
    return %arg0, %c0_i32 : i32, i32
  }
}

module attributes {stable_mosaic.version = 14 : i64} {
  func.func @_b3_body(%arg0: i32, %arg1: memref<1x400x128xf32, #tpu.memory_space<vmem>>, %arg2: memref<1x400x128xf32, #tpu.memory_space<vmem>>, %arg3: memref<400x128xf32, #tpu.memory_space<vmem>>, %arg4: memref<400x8xf32, #tpu.memory_space<vmem>>, %arg5: memref<1x128xf32, #tpu.memory_space<vmem>>, %arg6: memref<1x128xf32, #tpu.memory_space<vmem>>, %arg7: memref<1x128xf32, #tpu.memory_space<vmem>>, %arg8: memref<1x128xf32, #tpu.memory_space<vmem>>, %arg9: memref<400x128xf32, #tpu.memory_space<vmem>>) attributes {dimension_semantics = [#tpu.dimension_semantics<arbitrary>], iteration_bounds = array<i64: 25>, scalar_prefetch = 0 : i64, scratch_operands = 0 : i64, tpu.core_type = #tpu.core_type<tc>, window_params = [{transform_indices = @transform_0, window_bounds = array<i64: 1, 400, 128>}, {transform_indices = @transform_1, window_bounds = array<i64: 1, 400, 128>}, {transform_indices = @transform_2, window_bounds = array<i64: 400, 128>}, {transform_indices = @transform_3, window_bounds = array<i64: 400, 8>}, {pipeline_mode = #tpu.pipeline_mode<synchronous>, transform_indices = @transform_4, window_bounds = array<i64: 1, 128>}, {pipeline_mode = #tpu.pipeline_mode<synchronous>, transform_indices = @transform_5, window_bounds = array<i64: 1, 128>}, {pipeline_mode = #tpu.pipeline_mode<synchronous>, transform_indices = @transform_6, window_bounds = array<i64: 1, 128>}, {pipeline_mode = #tpu.pipeline_mode<synchronous>, transform_indices = @transform_7, window_bounds = array<i64: 1, 128>}, {transform_indices = @transform_8, window_bounds = array<i64: 400, 128>}]} {
    %get3A = arith.constant 0 : index
    %get3A_0 = arith.constant 0 : index
    %get3A_1 = vector.load %arg4[%get3A, %get3A_0] : memref<400x8xf32, #tpu.memory_space<vmem>>, vector<400x8xf32>
    %slice3A = vector.extract_strided_slice %get3A_1 {offsets = [0, 0], sizes = [400, 1], strides = [1, 1]} : vector<400x8xf32> to vector<400x1xf32>
    %get3A_2 = arith.constant 0 : index
    %get3A_3 = arith.constant 0 : index
    %get3A_4 = arith.constant 0 : index
    %get3A_5 = vector.load %arg1[%get3A_2, %get3A_3, %get3A_4] : memref<1x400x128xf32, #tpu.memory_space<vmem>>, vector<1x400x128xf32>
    %get3A_6 = vector.shape_cast %get3A_5 : vector<1x400x128xf32> to vector<400x128xf32>
    %get3A_7 = arith.constant 0 : index
    %get3A_8 = arith.constant 0 : index
    %get3A_9 = arith.constant 0 : index
    %get3A_10 = vector.load %arg2[%get3A_7, %get3A_8, %get3A_9] : memref<1x400x128xf32, #tpu.memory_space<vmem>>, vector<1x400x128xf32>
    %get3A_11 = vector.shape_cast %get3A_10 : vector<1x400x128xf32> to vector<400x128xf32>
    %add3A = arith.addf %get3A_6, %get3A_11 : vector<400x128xf32>
    %get3A_12 = arith.constant 0 : index
    %get3A_13 = arith.constant 0 : index
    %get3A_14 = vector.load %arg3[%get3A_12, %get3A_13] : memref<400x128xf32, #tpu.memory_space<vmem>>, vector<400x128xf32>
    %add3A_15 = arith.addf %add3A, %get3A_14 : vector<400x128xf32>
    %mul3A = vector.broadcast %slice3A : vector<400x1xf32> to vector<400x128xf32>
    %mul3A_16 = arith.mulf %add3A_15, %mul3A : vector<400x128xf32>
    %get3A_17 = arith.constant 0 : index
    %get3A_18 = arith.constant 0 : index
    %get3A_19 = vector.load %arg5[%get3A_17, %get3A_18] : memref<1x128xf32, #tpu.memory_space<vmem>>, vector<1x128xf32>
    %add3A_20 = vector.broadcast %get3A_19 : vector<1x128xf32> to vector<400x128xf32>
    %add3A_21 = arith.addf %mul3A_16, %add3A_20 : vector<400x128xf32>
    %ge3A = arith.constant 0.000000e+00 : f32
    %ge3A_22 = vector.broadcast %ge3A : f32 to vector<400x128xf32>
    %ge3A_23 = arith.cmpf oge, %add3A_21, %ge3A_22 : vector<400x128xf32>
    %get3A_24 = arith.constant 0 : index
    %get3A_25 = arith.constant 0 : index
    %get3A_26 = vector.load %arg8[%get3A_24, %get3A_25] : memref<1x128xf32, #tpu.memory_space<vmem>>, vector<1x128xf32>
    %mul3A_27 = vector.broadcast %get3A_26 : vector<1x128xf32> to vector<400x128xf32>
    %mul3A_28 = arith.mulf %mul3A_27, %add3A_21 : vector<400x128xf32>
    %select_n3A = arith.select %ge3A_23, %add3A_21, %mul3A_28 : vector<400x128xi1>, vector<400x128xf32>
    %reduce_sum3A = arith.constant dense<0.000000e+00> : vector<400xf32>
    %reduce_sum3A_29 = vector.multi_reduction <add>, %select_n3A, %reduce_sum3A [1] : vector<400x128xf32> to vector<400xf32>
    %broadcast_in_dim3A = vector.shape_cast %reduce_sum3A_29 : vector<400xf32> to vector<400x1xf32>
    %div3A = arith.constant 1.280000e+02 : f32
    %div3A_30 = vector.broadcast %div3A : f32 to vector<400x1xf32>
    %div3A_31 = arith.divf %broadcast_in_dim3A, %div3A_30 : vector<400x1xf32>
    %sub3A = vector.broadcast %div3A_31 : vector<400x1xf32> to vector<400x128xf32>
    %sub3A_32 = arith.subf %select_n3A, %sub3A : vector<400x128xf32>
    %integer_pow3A = arith.mulf %sub3A_32, %sub3A_32 : vector<400x128xf32>
    %reduce_sum3A_33 = arith.constant dense<0.000000e+00> : vector<400xf32>
    %reduce_sum3A_34 = vector.multi_reduction <add>, %integer_pow3A, %reduce_sum3A_33 [1] : vector<400x128xf32> to vector<400xf32>
    %broadcast_in_dim3A_35 = vector.shape_cast %reduce_sum3A_34 : vector<400xf32> to vector<400x1xf32>
    %div3A_36 = arith.constant 1.280000e+02 : f32
    %div3A_37 = vector.broadcast %div3A_36 : f32 to vector<400x1xf32>
    %div3A_38 = arith.divf %broadcast_in_dim3A_35, %div3A_37 : vector<400x1xf32>
    %sub3A_39 = vector.broadcast %div3A_31 : vector<400x1xf32> to vector<400x128xf32>
    %sub3A_40 = arith.subf %select_n3A, %sub3A_39 : vector<400x128xf32>
    %add3A_41 = arith.constant 9.99999974E-6 : f32
    %add3A_42 = vector.broadcast %add3A_41 : f32 to vector<400x1xf32>
    %add3A_43 = arith.addf %div3A_38, %add3A_42 : vector<400x1xf32>
    %rsqrt3A = math.rsqrt %add3A_43 : vector<400x1xf32>
    %mul3A_44 = vector.broadcast %rsqrt3A : vector<400x1xf32> to vector<400x128xf32>
    %mul3A_45 = arith.mulf %sub3A_40, %mul3A_44 : vector<400x128xf32>
    %get3A_46 = arith.constant 0 : index
    %get3A_47 = arith.constant 0 : index
    %get3A_48 = vector.load %arg6[%get3A_46, %get3A_47] : memref<1x128xf32, #tpu.memory_space<vmem>>, vector<1x128xf32>
    %mul3A_49 = vector.broadcast %get3A_48 : vector<1x128xf32> to vector<400x128xf32>
    %mul3A_50 = arith.mulf %mul3A_45, %mul3A_49 : vector<400x128xf32>
    %get3A_51 = arith.constant 0 : index
    %get3A_52 = arith.constant 0 : index
    %get3A_53 = vector.load %arg7[%get3A_51, %get3A_52] : memref<1x128xf32, #tpu.memory_space<vmem>>, vector<1x128xf32>
    %add3A_54 = vector.broadcast %get3A_53 : vector<1x128xf32> to vector<400x128xf32>
    %add3A_55 = arith.addf %mul3A_50, %add3A_54 : vector<400x128xf32>
    %swap3A = arith.constant 0 : index
    %swap3A_56 = arith.constant 0 : index
    %swap3A_57 = vector.load %arg9[%swap3A, %swap3A_56] : memref<400x128xf32, #tpu.memory_space<vmem>>, vector<400x128xf32>
    tpu.vector_store %arg9[%swap3A, %swap3A_56], %add3A_55 {strides = array<i32>} : memref<400x128xf32, #tpu.memory_space<vmem>>, vector<400x128xf32>,
    return
  }
  func.func @transform_0(%arg0: i32) -> (i32, i32, i32) {
    %c0_i32 = arith.constant 0 : i32
    %c0_i32_0 = arith.constant 0 : i32
    %c0_i32_1 = arith.constant 0 : i32
    return %c0_i32, %arg0, %c0_i32_0 : i32, i32, i32
  }
  func.func @transform_1(%arg0: i32) -> (i32, i32, i32) {
    %c1_i32 = arith.constant 1 : i32
    %c0_i32 = arith.constant 0 : i32
    %c0_i32_0 = arith.constant 0 : i32
    return %c1_i32, %arg0, %c0_i32 : i32, i32, i32
  }
  func.func @transform_2(%arg0: i32) -> (i32, i32) {
    %c0_i32 = arith.constant 0 : i32
    %c0_i32_0 = arith.constant 0 : i32
    return %arg0, %c0_i32 : i32, i32
  }
  func.func @transform_3(%arg0: i32) -> (i32, i32) {
    %c0_i32 = arith.constant 0 : i32
    %c0_i32_0 = arith.constant 0 : i32
    return %arg0, %c0_i32 : i32, i32
  }
  func.func @transform_4(%arg0: i32) -> (i32, i32) {
    %c0_i32 = arith.constant 0 : i32
    %c0_i32_0 = arith.constant 0 : i32
    %c0_i32_1 = arith.constant 0 : i32
    return %c0_i32, %c0_i32_0 : i32, i32
  }
  func.func @transform_5(%arg0: i32) -> (i32, i32) {
    %c0_i32 = arith.constant 0 : i32
    %c0_i32_0 = arith.constant 0 : i32
    %c0_i32_1 = arith.constant 0 : i32
    return %c0_i32, %c0_i32_0 : i32, i32
  }
  func.func @transform_6(%arg0: i32) -> (i32, i32) {
    %c0_i32 = arith.constant 0 : i32
    %c0_i32_0 = arith.constant 0 : i32
    %c0_i32_1 = arith.constant 0 : i32
    return %c0_i32, %c0_i32_0 : i32, i32
  }
  func.func @transform_7(%arg0: i32) -> (i32, i32) {
    %c0_i32 = arith.constant 0 : i32
    %c0_i32_0 = arith.constant 0 : i32
    %c0_i32_1 = arith.constant 0 : i32
    return %c0_i32, %c0_i32_0 : i32, i32
  }
  func.func @transform_8(%arg0: i32) -> (i32, i32) {
    %c0_i32 = arith.constant 0 : i32
    %c0_i32_0 = arith.constant 0 : i32
    return %arg0, %c0_i32 : i32, i32
  }
}

</mosaic_0001>

<sc_bundles>
// kernel: kernel.12.cloned.1.call-start
scs
__scs_entry_jumppad:
0x0: {  	(pc) =	sbr.rel $0x88, $3  }
0x1: {  	(tag) =	ssettag $0x0;
	lr =	simm.s32 $0x1  }
0x2: {  	[smem:$0x3F98] =	sst lr;
	_ =	strace $0xD0000000  }
0x3: {  	_ = 	snop  }
0x4: {  	_ = 	snop  }
0x5: {  	_ = 	snop  }
0x6: {  	_ = 	snop  }
0x7: {  	_ = 	snop  }
__scs_overlays_trampoline_lowered:
0x8: {  	[smem:$0x3FA7] =	sst s0  }
0x9: {  	[smem:$0x3FA8] =	sst s1  }
0xa: {  	[smem:$0x3FA9] =	sst s2  }
0xb: {  	[smem:$0x3FAA] =	sst s3  }
0xc: {  	[smem:$0x3FAB] =	sst s4  }
0xd: {  	[smem:$0x3FAC] =	sst s5  }
0xe: {  	[smem:$0x3FAD] =	sst s6  }
0xf: {  	[smem:$0x3FAE] =	sst s7  }
0x10: {  	[smem:$0x3FAF] =	sst s8  }
0x11: {  	[smem:$0x3FB0] =	sst s9;
	s0 =	simm.s32 @!p0 $0x0  }
0x12: {  	s1 =	sld [smem:$0x3F96];
	s0 =	simm.s32 @p0 $0x1  }
0x13: {  	[smem:$0x3FB1] =	sst s0;
	s0 =	simm.s32 @!p1 $0x0  }
0x14: {  	s2 =	sld [smem:$0x3F95];
	s0 =	simm.s32 @p1 $0x1  }
0x15: {  	[smem:$0x3FB2] =	sst s0;
	s0 =	simm.s32 @!p2 $0x0  }
0x16: {  	s3 =	sld [smem:$0x3FDB];
	s0 =	simm.s32 @p2 $0x1  }
0x17: {  	s4 =	simm.s32 $0x1BF5;
	[smem:$0x3FB4] =	sst s0  }
0x18: {  	s0 =	sld [smem:$0x3F97];
	_ =	swait.ge [sflag:s4], $0x0  }
0x19: {  	s7 =	sld [smem:$0x3F98]  }
0x1a: {  	s8 =	sadd.s32 $0xFFFFE003, lr  }
0x1b: {  	s9 =	sadd.s32 $0xFFFFFEF7, lr;
	s5 =	simm.s32 $0xFFFFFFFF;
	p2 =	slt.u32 s8, $0xFFFFF086  }
0x1c: {  	p1 =	slt.u32 s9, $0xF7A;
	s5 =	simm.s32 @!p2 $0x0  }
0x1d: {  	s5 =	simm.s32 @p1 $0x1;
	p0 =	seq.s32 s7, s2  }
0x1e: {  	s7 =	smul.u32 @!p0 $0xF7A, s2;
	p2 =	seq.s32 @!p0 s5, $0x0  }
0x1f: {  	s9 =	smul.u32 $0xF7A, s1;
	s8 =	simm.s32 @!p0 $0x1BF5;
	p2 =	por !p2, p0  }
0x20: {  	[sflag:s8] =	ssyncset.s32 @!p0 $0xFFFFF086;
	s6 =	sadd.s32 @!p0 s3, s7;
	s7 =	simm.s32 @!p0 $0x108  }
0x21: {  	s3 =	sadd.s32 s3, s9;
	s6 =	sadd.s32 @!p0 $0x88, s6;
	s7 =	simm.s32 @p2 $0x1082  }
0x22: {  	[simem:s7], [sflag:s8] =	dma.local @!p0 [hbm:s6], $0xF7A  }
0x23: {  	s9 =	sor.u32 $0xD0000000, s2;
	s6 =	simm.s32 $0x108;
	_ =	swait.ge @!p0 [sflag:s8], $0x0  }
0x24: {  	s3 =	sadd.s32 $0x88, s3;
	s6 =	simm.s32 @!p1 $0x1082;
	[sflag:s4] =	ssyncset.s32 $0xFFFFF086  }
0x25: {  	[simem:s6], [sflag:s4] =	dma.local [hbm:s3], $0xF7A  }
0x26: {  	[smem:$0x3F98] =	sst s1;
	(tag) =	ssettag s2;
	_ =	strace s9  }
0x27: {  	s1 =	sld [smem:$0x3FA8]  }
0x28: {  	s2 =	sld [smem:$0x3FA9]  }
0x29: {  	s4 =	sld [smem:$0x3FAB]  }
0x2a: {  	p0 =	seq.s32 s5, $0x0;
	s5 =	sld [smem:$0x3FAC]  }
0x2b: {  	s6 =	sld [smem:$0x3FAD]  }
0x2c: {  	s7 =	sld [smem:$0x3FAE]  }
0x2d: {  	s3 =	simm.s32 $0x108;
	s8 =	sld [smem:$0x3FAF]  }
0x2e: {  	s3 =	simm.s32 @!p0 $0x1082;
	s9 =	sld [smem:$0x3FB0]  }
0x2f: {  	lr =	sadd.s32 s0, s3;
	s0 =	sld [smem:$0x3FA7]  }
0x30: {  	s3 =	sld [smem:$0x3FAA]  }
0x31: {  	[smem:$0x3FB3] =	sst s10  }
0x32: {  	s10 =	sld [smem:$0x3FB1];
	_ =	sdelay $0x3  }
0x33: {  	p0 =	seq.s32 s10, $0x1;
	s10 =	sld [smem:$0x3FB3];
	_ =	sdelay $0x3  }
0x34: {  	[smem:$0x3FB3] =	sst s10  }
0x35: {  	s10 =	sld [smem:$0x3FB2];
	_ =	sdelay $0x3  }
0x36: {  	p1 =	seq.s32 s10, $0x1;
	s10 =	sld [smem:$0x3FB3];
	_ =	sdelay $0x3  }
0x37: {  	[smem:$0x3FB3] =	sst s10  }
0x38: {  	s10 =	sld [smem:$0x3FB4]  }
0x39: {  	_ = 	snop;
	(pc) =	sbr.ind lr, $3  }
0x3a: {  	_ = 	snop  }
0x3b: {  	_ = 	snop  }
0x3c: {  	p2 =	seq.s32 s10, $0x1;
	s10 =	sld [smem:$0x3FB3]  }
0x3d: {  	_ =	shalt  }
0x3e: {  	_ =	shalt  }
0x3f: {  	_ =	shalt  }
0x40: {  	_ =	shalt  }
0x41: {  	_ =	shalt  }
0x42: {  	_ =	shalt  }
0x43: {  	_ =	shalt  }
0x44: {  	_ =	shalt  }
0x45: {  	_ =	shalt  }
0x46: {  	_ =	shalt  }
0x47: {  	_ =	shalt  }
0x48: {  	_ =	shalt  }
0x49: {  	_ =	shalt  }
0x4a: {  	_ =	shalt  }
0x4b: {  	_ =	shalt  }
0x4c: {  	_ =	shalt  }
0x4d: {  	_ =	shalt  }
0x4e: {  	_ =	shalt  }
0x4f: {  	_ =	shalt  }
0x50: {  	_ =	shalt  }
0x51: {  	_ =	shalt  }
0x52: {  	_ =	shalt  }
0x53: {  	_ =	shalt  }
0x54: {  	_ =	shalt  }
0x55: {  	_ =	shalt  }
0x56: {  	_ =	shalt  }
0x57: {  	_ =	shalt  }
0x58: {  	_ =	shalt  }
0x59: {  	_ =	shalt  }
0x5a: {  	_ =	shalt  }
0x5b: {  	_ =	shalt  }
0x5c: {  	_ =	shalt  }
0x5d: {  	_ =	shalt  }
0x5e: {  	_ =	shalt  }
0x5f: {  	_ =	shalt  }
0x60: {  	_ =	shalt  }
0x61: {  	_ =	shalt  }
0x62: {  	_ =	shalt  }
0x63: {  	_ =	shalt  }
0x64: {  	_ =	shalt  }
0x65: {  	_ =	shalt  }
0x66: {  	_ =	shalt  }
0x67: {  	_ =	shalt  }
0x68: {  	_ =	shalt  }
0x69: {  	_ =	shalt  }
0x6a: {  	_ =	shalt  }
0x6b: {  	_ =	shalt  }
0x6c: {  	_ =	shalt  }
0x6d: {  	_ =	shalt  }
0x6e: {  	_ =	shalt  }
0x6f: {  	_ =	shalt  }
0x70: {  	_ =	shalt  }
0x71: {  	_ =	shalt  }
0x72: {  	_ =	shalt  }
0x73: {  	_ =	shalt  }
0x74: {  	_ =	shalt  }
0x75: {  	_ =	shalt  }
0x76: {  	_ =	shalt  }
0x77: {  	_ =	shalt  }
0x78: {  	_ =	shalt  }
0x79: {  	_ =	shalt  }
0x7a: {  	_ =	shalt  }
0x7b: {  	_ =	shalt  }
0x7c: {  	_ =	shalt  }
0x7d: {  	_ =	shalt  }
0x7e: {  	_ =	shalt  }
0x7f: {  	_ =	shalt  }
0x80: {  	_ =	shalt  }
0x81: {  	_ =	shalt  }
0x82: {  	_ =	shalt  }
0x83: {  	_ =	shalt  }
0x84: {  	_ =	shalt  }
0x85: {  	_ =	shalt  }
0x86: {  	_ =	shalt  }
0x87: {  	_ =	shalt  }
.Lfunc_end0:
.L_simem_size_0:
called_computation.1_lowered:
.L_overlay_start_0:
0x88: {  	s2 =	sld [smem:$0x3FD9]  }
0x89: {  	s3 =	sld [smem:$0x3FFE];
	_ =	sdelay $0x1  }
0x8a: {  	s1 =	srdreg.scid  }
0x8b: {  	s0 =	sand.u32 $0x1, s1  }
0x8c: {  	s17 =	sshll.u32 s0, $0xA;
	s2 =	sadd.s32 s3, s2  }
0x8d: {  	s2 =	sadd.s32 s2, s17  }
0x8e: {  	[smem:$0x3FBF] =	sst s2  }
0x8f: {  	_ = 	snop  }
0x90: {  	s2 =	sld [smem:$0x3FD0];
	(tm) =	ssettm $0x1  }
0x91: {  	s18 =	sld [smem:$0x3FFB];
	_ =	sdelay $0x3  }
0x92: {  	_ =	strace s18  }
0x93: {  	s3 =	sld [smem:$0x3FFC];
	_ =	sdelay $0x3  }
0x94: {  	_ =	strace s3  }
0x95: {  	s3 =	sld [smem:$0x3FFD];
	_ =	sdelay $0x3  }
0x96: {  	_ =	strace s3  }
0x97: {  	_ =	strace $0x8FFFFFFF  }
0x98: {  	s19 =	sld [smem:$0x3FDB];
	_ =	sdelay $0x1  }
0x99: {  	s4 =	simm.s32 $_scs_section_size  }
0x9a: {  	s5 =	simm.s32 $_size__tile_overlayer_lowered;
	s6 =	simm.s32 $_tile_overlayer_lowered  }
0x9b: {  	s22 =	simm.s32 $0x1BFF;
	s21 =	sshll.u32 s6, $0x1;
	s3 =	sadd.s32 s4, s19  }
0x9c: {  	s7 =	simm.s32 $0x0;
	s20 =	sshll.u32 s5, $0x1;
	s5 =	sadd.s32 s21, s3  }
0x9d: {  	[timem:s7], [sflag:s22] =	dma.local [hbm:s5], s20  }
0x9e: {  	_ =	swait.ge [sflag:s22], s20  }
0x9f: {  	s4 =	ssub.s32 $0x0, s20;
	[sflag:s22] =	ssyncset.done $0x0  }
0xa0: {  	[sflag:s22] =	ssyncadd.s32 s4;
	_ =	sdelay $0x1  }
0xa1: {  	s23 =	simm.s32 $0x1B8B  }
0xa2: {  	_ =	swait.ge [sflag:s23], $0x1  }
0xa3: {  	[sflag:s23] =	ssyncset.done $0x0  }
0xa4: {  	s25 =	simm.s32 $0x1B8E;
	s24 =	sld [smem:$0x3FFE];
	[sflag:s23] =	ssyncadd.s32 $0xFFFFFFFF  }
0xa5: {  	s26 =	simm.s32 $execute0_lowered;
	[smem:$0x3FD2] =	sst s25  }
0xa6: {  	s5 =	sshll.u32 s26, $0x1;
	_ =	strace $0x80000049;
	[dreg:$0x1] =	wrdreg $0xFFFFFFFF  }
0xa7: {  	s28 =	simm.s32 $_size_execute0_lowered;
	s3 =	sadd.s32 s3, s5;
	[dreg:$0x0] =	wrdreg $0x0  }
0xa8: {  	s5 =	sshll.u32 s28, $0x1;
	[dreg:$0x2] =	wrdreg s3  }
0xa9: {  	[dreg:$0x3] =	wrdreg s5  }
0xaa: {  	[dreg:$0x4] =	wrdreg $0xC0  }
0xab: {  	_ =	task [dreg:s7], $0x5FFFF  }
0xac: {  	[dreg:$0x1] =	wrdreg $0xFFFFFFFF  }
0xad: {  	[dreg:$0x0] =	wrdreg $0x60  }
0xae: {  	[dreg:$0x2] =	wrdreg s24  }
0xaf: {  	[dreg:$0x3] =	wrdreg s2  }
0xb0: {  	[dreg:$0x4] =	wrdreg $0xB8000  }
0xb1: {  	[dreg:$0x5] =	wrdreg $0x9  }
0xb2: {  	_ =	task.clear_ibuf [dreg:s7], $0x6FFFF;
	_ =	strace $0x90000049  }
0xb3: {  	s29 =	simm.s32 $0x9;
	_ =	strace $0x8000004B  }
0xb4: {  	_ =	swait.ge [sflag:s29], $0x1  }
0xb5: {  	[sflag:s29] =	ssyncadd.s32 $0xFFFFFFFF  }
0xb6: {  	_ =	strace $0x9000004B  }
0xb7: {  	_ =	sfence  }
0xb8: {  	s30 =	sld [smem:$0x0];
	_ =	sdelay $0x2  }
0xb9: {  	s31 =	sshll.u32 s1, $0xD;
	s1 =	sshrl.u32 s1, $0x2  }
0xba: {  	s3 =	sand.u32 $0x4000, s31;
	s1 =	sadd.s32 s1, s30  }
0xbb: {  	s0 =	sor.u32 s3, s0;
	s1 =	sshll.u32 s1, $0x11  }
0xbc: {  	s0 =	sor.u32 s1, s0  }
0xbd: {  	s0 =	sadd.s32 $0x8F2B, s0  }
0xbe: {  	[sflag:s0] =	ssyncadd.remote.s32 $0x1  }
0xbf: {  	_ =	sfence.sel $0xFFFF  }
0xc0: {  	[dreg:$0x0] =	wrdreg $0xFFFFFFFF;
	(pc) =	sbr.abs _section_cstart, $3  }
0xc1: {  	[dreg:$0x1] =	wrdreg $0xFFFFFFFF  }
0xc2: {  	_ =	task.clear_ibuf [dreg:s7], $0x2FFFF;
	_ =	strace $0x9FFFFFFF  }
0xc3: {  	(tm) =	ssettm $0x7FFFFFFF  }
tec
execute0_lowered:
.L_overlay_start_1:
0x0: {  	(tag) =	ssettag $0x1  }
0x1: {  	s0 =	rddreg [dreg:$0x0]  }
0x2: {  	s1 =	rddreg [dreg:$0x1]  }
0x3: {  	s2 =	rddreg [dreg:$0x2];
	s3 =	srdreg.scid;
	s4 =	simm.s32 $0x0  }
0x4: {  	s23 =	stileid.u32;
	s15 =	simm.s32 $0x8;
	s17 =	simm.s32 $0x70  }
0x5: {  	s18 =	simm.s32 $0x1000;
	s20 =	simm.s32 $0x4800;
	s21 =	simm.s32 $0x2  }
0x6: {  	s22 =	simm.s32 $0x8000;
	s28 =	simm.s32 $0x7;
	s29 =	simm.s32 $0x0  }
0x7: {  	s7 =	sand.u32 $0x1, s3;
	[smem:$0x7FF] =	sst s4;
	s9 =	smul.u32 $0x14000, s23  }
0x8: {  	s5 =	sadd.s32 $0x11400, s0;
	s6 =	sadd.s32 $0x61C00, s0;
	s26 =	smul.u32 $0x50000, s23  }
0x9: {  	s30 =	sshll.u32 s23, $0x6;
	s8 =	smul.u32 $0x140000, s7;
	s24 =	sshll.u32 s7, $0x4  }
0xa: {  	_ =	strace $0x8000004A;
	s10 =	ssub.s32 $0x2, s7;
	s25 =	sor.u32 s23, s24  }
0xb: {  	s12 =	sshrl.u32 s10, $0x1;
	s23 =	simm.s32 $0x3;
	s24 =	simm.s32 $0x5  }
0xc: {  	s8 =	sadd.s32 s9, s8;
	s7 =	smul.u32 $0x3C00, s25;
	s13 =	ssub.s32 s10, s12  }
.Ltmp0:
0xd: {  	s9 =	sshrl.u32 s26, $0x2;
	s25 =	simm.s32 $0x4;
	(pc) =	sbr.rel .LBB2_1-.Ltmp0, $4  }
0xe: {  	s26 =	simm.s32 $0x6;
	s11 =	sshrl.u32 s8, $0x3;
	s8 =	sadd.s32 $0xEC00, s0  }
0xf: {  	s14 =	sadd.s32 s9, s2;
	s9 =	sor.u32 $0x1C08, s30;
	s13 =	smax.u32 s13, $0x1  }
0x10: {  	s0 =	sadd.s32 s11, s0;
	s31 =	sshrl.u32 s7, $0x3;
	s14 =	sshrl.u32 s14, $0x3  }
0x11: {  	s10 =	sadd.s32 s1, s31;
	s11 =	sadd.s32 s6, s31;
	s12 =	sadd.s32 $0x70C00, s0  }
.LBB2_6:
0x12: {  	_ =	swait.ge [sflag:s28], $0x3800  }
0x13: {  	s29 =	sadd.s32 $0x1, s29;
	[sflag:s28] =	ssyncset.done $0x0  }
0x14: {  	p0 =	sne.s32 s29, s13;
	[sflag:s28] =	ssyncadd.s32 $0xFFFFC800  }
.Ltmp1:
0x15: {  	[bflag:$0x0] =	sbarrier.arrive $0xFFFF;
	(pc) =	sbr.rel @!p0 .LBB2_7-.Ltmp1, $4  }
0x16: {  	[hbm:s12], [sflag:s9] =	dma.local [spmem:s14], $0x2800  }
0x17: {  	_ =	swait.ge [sflag:s15], $0x2800  }
0x18: {  	[sflag:s15] =	ssyncset.done $0x0  }
0x19: {  	[sflag:s15] =	ssyncadd.s32 $0xFFFFD800  }
.LBB2_1:
0x1a: {  	[spmem:s14], [sflag:s9] =	dma.local [hbm:s8], $0x2800  }
0x1b: {  	_ =	swait.ge [sflag:s15], $0x2800  }
0x1c: {  	[sflag:s15] =	ssyncset.done $0x0  }
0x1d: {  	[sflag:s15] =	ssyncadd.s32 $0xFFFFD800  }
0x1e: {  	[tilespmem:s4], [sflag:$0x8] =	stream.linear.gather [hbm4b:s10+s4], $0x300, $0x38;
	[tilespmem:$0x1F800] =	vst v63  }
0x1f: {  	_ =	swait.ge [sflag:s15], $0x300  }
0x20: {  	[sflag:s15] =	ssyncset.done $0x0  }
0x21: {  	s0 =	simm.s32 $0x800;
	[sflag:s15] =	ssyncadd.s32 $0xFFFFFD00  }
0x22: {  	[tilespmem:s0], [sflag:$0x8] =	stream.linear.gather [hbm4b:s11+s4], $0x300, $0x38;
	[tilespmem:$0x1F800] =	vst v63  }
0x23: {  	_ =	swait.ge [sflag:s15], $0x300  }
0x24: {  	[sflag:s15] =	ssyncset.done $0x0  }
0x25: {  	[sflag:s15] =	ssyncadd.s32 $0xFFFFFD00  }
0x26: {  	[tilespmem:s18], [sflag:$0x2] =	stream.indirect.gather [hbm4b:s5+s17], $0x80, s4, s17, $0xb8;
	[tilespmem:$0x1F800] =	vst v63  }
.Ltmp2:
0x27: {  	_ = 	snop;
	(pc) =	sbr.rel .LBB2_2-.Ltmp2, $4  }
0x28: {  	s31 =	simm.s32 $0x80  }
0x29: {  	[tilespmem:s20], [sflag:$0x3] =	stream.indirect.gather [hbm4b:s5+s17], $0x80, s31, s17, $0xb8;
	[tilespmem:$0x1F800] =	vst v63  }
0x2a: {  	[bflag:$0x0] =	sbarrier.arrive $0xFFFF  }
0x2b: {  	s30 =	simm.s32 $0x0  }
.LBB2_4:
0x2c: {  	s30 =	sadd.s32 @!p0 $0x1, s30  }
0x2d: {  	s30 =	simm.s32 @p0 $0x1  }
0x2e: {  	s3 =	sshll.u32 s30, $0xA  }
0x2f: {  	s3 =	sadd.s32 s7, s3  }
0x30: {  	s3 =	sshrl.u32 s3, $0x3  }
0x31: {  	s16 =	sshll.u32 s31, $0xA;
	s19 =	sadd.s32 s1, s3  }
0x32: {  	[tilespmem:s16], [sflag:$0x1] =	stream.linear.gather [hbm4b:s19+s4], $0x300, $0x38;
	[tilespmem:$0x1F800] =	vst v63  }
0x33: {  	p0 =	por $0x0, $0x0;
	s3 =	sadd.s32 s6, s3;
	s16 =	sor.u32 $0x800, s16  }
0x34: {  	[tilespmem:s16], [sflag:$0x1] =	stream.linear.gather [hbm4b:s3+s4], $0x300, $0x38;
	[tilespmem:$0x1F800] =	vst v63  }
.LBB2_5:
0x35: {  	s3 =	sor.u32 $0x100, s0  }
0x36: {  	[tilespmem:s22], [sflag:$0x4] =	stream.indirect.gather [hbm4b:s5+s17], $0x80, s3, s17, $0xb8;
	[tilespmem:$0x1F800] =	vst v63  }
0x37: {  	_ =	swait.ge [sflag:s23], $0x3800  }
0x38: {  	[sflag:s23] =	ssyncset.done $0x0  }
0x39: {  	s16 =	sadd.s32 $0x880, s0;
	[sflag:s23] =	ssyncadd.s32 $0xFFFFC800  }
0x3a: {  	[spmem:s2] =	stream.indirect.scatter.add.f32 [tilespmem:s20], [sflag:$0x6], $0x80, s16, s17, $0xb8;
	[tilespmem:$0x1F800] =	vst v63  }
0x3b: {  	_ =	swait.ge [sflag:s24], $0x3800  }
0x3c: {  	[sflag:s24] =	ssyncset.done $0x0  }
0x3d: {  	s19 =	sor.u32 $0x180, s0;
	[sflag:s24] =	ssyncadd.s32 $0xFFFFC800  }
0x3e: {  	[tilespmem:s18], [sflag:$0x2] =	stream.indirect.gather [hbm4b:s5+s17], $0x80, s19, s17, $0xb8;
	[tilespmem:$0x1F800] =	vst v63  }
0x3f: {  	_ =	swait.ge [sflag:s25], $0x3800  }
0x40: {  	[sflag:s25] =	ssyncset.done $0x0  }
0x41: {  	s16 =	sor.u32 $0x900, s0;
	[sflag:s25] =	ssyncadd.s32 $0xFFFFC800  }
0x42: {  	[spmem:s2] =	stream.indirect.scatter.add.f32 [tilespmem:s22], [sflag:$0x7], $0x80, s16, s17, $0xb8;
	[tilespmem:$0x1F800] =	vst v63  }
0x43: {  	_ =	swait.ge [sflag:s26], $0x3800  }
0x44: {  	[sflag:s26] =	ssyncset.done $0x0  }
0x45: {  	s19 =	sor.u32 $0x200, s0;
	[sflag:s26] =	ssyncadd.s32 $0xFFFFC800  }
0x46: {  	[tilespmem:s20], [sflag:$0x3] =	stream.indirect.gather [hbm4b:s5+s17], $0x80, s19, s17, $0xb8;
	[tilespmem:$0x1F800] =	vst v63  }
0x47: {  	_ =	swait.ge [sflag:s21], $0x3800  }
0x48: {  	[sflag:s21] =	ssyncset.done $0x0  }
0x49: {  	s16 =	sor.u32 $0x980, s0;
	[sflag:s21] =	ssyncadd.s32 $0xFFFFC800  }
0x4a: {  	[spmem:s2] =	stream.indirect.scatter.add.f32 [tilespmem:s18], [sflag:$0x5], $0x80, s16, s17, $0xb8;
	[tilespmem:$0x1F800] =	vst v63  }
0x4b: {  	_ =	swait.ge [sflag:s28], $0x3800  }
0x4c: {  	[sflag:s28] =	ssyncset.done $0x0  }
0x4d: {  	s3 =	sor.u32 $0x280, s0;
	[sflag:s28] =	ssyncadd.s32 $0xFFFFC800  }
0x4e: {  	[tilespmem:s22], [sflag:$0x4] =	stream.indirect.gather [hbm4b:s5+s17], $0x80, s3, s17, $0xb8;
	[tilespmem:$0x1F800] =	vst v63  }
0x4f: {  	_ =	swait.ge [sflag:s23], $0x3800  }
0x50: {  	[sflag:s23] =	ssyncset.done $0x0  }
0x51: {  	s19 =	sor.u32 $0xA00, s0;
	[sflag:s23] =	ssyncadd.s32 $0xFFFFC800  }
0x52: {  	[spmem:s2] =	stream.indirect.scatter.add.f32 [tilespmem:s20], [sflag:$0x6], $0x80, s19, s17, $0xb8;
	[tilespmem:$0x1F800] =	vst v63  }
0x53: {  	_ =	swait.ge [sflag:s24], $0x3800  }
0x54: {  	[sflag:s24] =	ssyncset.done $0x0  }
0x55: {  	s0 =	simm.s32 @p0 $0x4;
	[sflag:s24] =	ssyncadd.s32 $0xFFFFC800  }
0x56: {  	_ =	swait.ge @p0 [sflag:s0], $0x3800  }
0x57: {  	s16 =	simm.s32 @p0 $0x70;
	[sflag:s0] =	ssyncset.done @p0 $0x0  }
0x58: {  	s19 =	simm.s32 @p0 $0x8000;
	[sflag:s0] =	ssyncadd.s32 @p0 $0xFFFFC800;
	s0 =	sor.u32 @p0 $0x800, s3  }
0x59: {  	[spmem:s2] =	stream.indirect.scatter.add.f32 @p0 [tilespmem:s19], [sflag:$0x7], $0x80, s0, s16, $0xb8;
	[tilespmem:$0x1F800] =	vst v63  }
0x5a: {  	s0 =	simm.s32 @p0 $0x6  }
0x5b: {  	_ =	swait.ge @p0 [sflag:s0], $0x3800  }
0x5c: {  	[sflag:s0] =	ssyncset.done @p0 $0x0  }
0x5d: {  	[sflag:s0] =	ssyncadd.s32 @p0 $0xFFFFC800;
	s0 =	simm.s32 @!p0 $0x1  }
0x5e: {  	_ =	swait.ge @!p0 [sflag:s0], $0x300  }
0x5f: {  	[sflag:s0] =	ssyncset.done @!p0 $0x0  }
0x60: {  	[sflag:s0] =	ssyncadd.s32 @!p0 $0xFFFFFD00  }
0x61: {  	_ =	swait.ge @!p0 [sflag:s0], $0x300  }
0x62: {  	s16 =	simm.s32 @!p0 $0x70;
	[sflag:s0] =	ssyncset.done @!p0 $0x0  }
0x63: {  	s19 =	simm.s32 @!p0 $0x1000;
	[sflag:s0] =	ssyncadd.s32 @!p0 $0xFFFFFD00;
	s0 =	sshll.u32 @!p0 s31, $0xA  }
0x64: {  	[tilespmem:s19], [sflag:$0x2] =	stream.indirect.gather @!p0 [hbm4b:s5+s16], $0x80, s0, s16, $0xb8;
	[tilespmem:$0x1F800] =	vst v63  }
0x65: {  	s19 =	simm.s32 @!p0 $0x4  }
0x66: {  	_ =	swait.ge @!p0 [sflag:s19], $0x3800  }
0x67: {  	[sflag:s19] =	ssyncset.done @!p0 $0x0  }
0x68: {  	s3 =	sor.u32 @!p0 $0x800, s3;
	[sflag:s19] =	ssyncadd.s32 @!p0 $0xFFFFC800;
	s19 =	simm.s32 @!p0 $0x8000  }
0x69: {  	[spmem:s2] =	stream.indirect.scatter.add.f32 @!p0 [tilespmem:s19], [sflag:$0x7], $0x80, s3, s16, $0xb8;
	[tilespmem:$0x1F800] =	vst v63  }
0x6a: {  	s3 =	simm.s32 @!p0 $0x6  }
0x6b: {  	_ =	swait.ge @!p0 [sflag:s3], $0x3800  }
0x6c: {  	[sflag:s3] =	ssyncset.done @!p0 $0x0  }
0x6d: {  	s0 =	sor.u32 @!p0 $0x80, s0;
	[sflag:s3] =	ssyncadd.s32 @!p0 $0xFFFFC800;
	s3 =	simm.s32 @!p0 $0x4800  }
0x6e: {  	[tilespmem:s3], [sflag:$0x3] =	stream.indirect.gather @!p0 [hbm4b:s5+s16], $0x80, s0, s16, $0xb8;
	[tilespmem:$0x1F800] =	vst v63  }
0x6f: {  	p0 =	slt.u32 s30, $0xF  }
.Ltmp3:
0x70: {  	_ = 	snop;
	(pc) =	sbr.rel @!p0 .LBB2_6-.Ltmp3, $1  }
0x71: {  	_ =	sdelay $0x3  }
.LBB2_2:
0x72: {  	s31 =	sand.u32 $0x1, s30;
	_ =	swait.ge [sflag:s21], $0x3800;
	p0 =	seq.s32 s30, $0x0  }
0x73: {  	[sflag:s21] =	ssyncset.done $0x0;
	s0 =	sshll.u32 s31, $0xA;
	p1 =	seq.s32 @!p0 s30, $0xE  }
0x74: {  	[sflag:s21] =	ssyncadd.s32 $0xFFFFC800;
	s3 =	sor.u32 $0x800, s0;
	p1 =	por p0, !p1  }
0x75: {  	[spmem:s2] =	stream.indirect.scatter.add.f32 [tilespmem:s18], [sflag:$0x5], $0x80, s3, s17, $0xb8;
	[tilespmem:$0x1F800] =	vst v63  }
.Ltmp4:
0x76: {  	_ = 	snop;
	(pc) =	sbr.rel @p1 .LBB2_4-.Ltmp4, $4  }
0x77: {  	s3 =	simm.s32 @!p0 $0x7  }
0x78: {  	_ =	swait.ge @!p0 [sflag:s3], $0x3800  }
0x79: {  	[sflag:s3] =	ssyncset.done @!p0 $0x0  }
0x7a: {  	s31 =	sxor.u32 $0x1, s31;
	[sflag:s3] =	ssyncadd.s32 @!p0 $0xFFFFC800  }
.Ltmp5:
0x7b: {  	(pc) =	sbr.rel .LBB2_5-.Ltmp5, $2  }
0x7c: {  	_ =	sdelay $0x2  }
0x7d: {  	s30 =	simm.s32 @!p0 $0xF;
	p0 =	por @!p0 $0x1, $0x1  }
.LBB2_7:
0x7e: {  	_ =	sfence.sel $0x180000  }
0x7f: {  	[bflag:$0x0] =	sbarrier.arrive $0xFFFF  }
0x80: {  	_ =	strace $0x9000004A  }
0x81: {  	s0 =	stileid.u32;
	[bflag:$0x2] =	sbarrier.arrive $0xFFFF  }
0x82: {  	p0 =	sne.s32 s0, $0x0;
	s0 =	rddreg [dreg:$0x3]  }
0x83: {  	s0 =	sadd.s32 @!p0 $0x100000, s0  }
0x84: {  	[sflag:s0] =	ssyncadd.tile.s32 @!p0 $0x1;
	_ =	shalt  }
.Lfunc_end2:
_tile_overlayer_lowered:
.L_overlay_start_2:
0x85: {  	(tag) =	ssettag $0x2  }
0x86: {  	s0 =	rddreg [dreg:$0x0];
	s2 =	stileid.u32  }
0x87: {  	s1 =	rddreg [dreg:$0x1];
	p0 =	sne.s32 s2, $0x0  }
0x88: {  	s3 =	rddreg [dreg:$0x2];
	[bflag:$0x3] =	sbarrier.arrive $0xFFFF;
	s2 =	simm.s32 @!p0 $0x1C08  }
0x89: {  	[timem:s3], [sflag:s2] =	dma.local @!p0 [hbm:s0], s1  }
0x8a: {  	s0 =	simm.s32 @!p0 $0x8  }
0x8b: {  	_ =	swait.ge @!p0 [sflag:s0], s1  }
0x8c: {  	s1 =	ssub.s32 @!p0 $0x0, s1;
	[sflag:s0] =	ssyncset.done @!p0 $0x0  }
0x8d: {  	[sflag:s0] =	ssyncadd.s32 @!p0 s1  }
0x8e: {  	[bflag:$0x3] =	sbarrier.arrive $0xFFFF  }
0x8f: {  	_ =	shalt  }

// kernel: kernel.15.cloned.1.call-start
scs
__scs_entry_jumppad:
0x0: {  	(pc) =	sbr.rel $0x88, $3  }
0x1: {  	(tag) =	ssettag $0x0;
	lr =	simm.s32 $0x1  }
0x2: {  	[smem:$0x3F98] =	sst lr;
	_ =	strace $0xD0000000  }
0x3: {  	_ = 	snop  }
0x4: {  	_ = 	snop  }
0x5: {  	_ = 	snop  }
0x6: {  	_ = 	snop  }
0x7: {  	_ = 	snop  }
__scs_overlays_trampoline_lowered:
0x8: {  	[smem:$0x3FA7] =	sst s0  }
0x9: {  	[smem:$0x3FA8] =	sst s1  }
0xa: {  	[smem:$0x3FA9] =	sst s2  }
0xb: {  	[smem:$0x3FAA] =	sst s3  }
0xc: {  	[smem:$0x3FAB] =	sst s4  }
0xd: {  	[smem:$0x3FAC] =	sst s5  }
0xe: {  	[smem:$0x3FAD] =	sst s6  }
0xf: {  	[smem:$0x3FAE] =	sst s7  }
0x10: {  	[smem:$0x3FAF] =	sst s8  }
0x11: {  	[smem:$0x3FB0] =	sst s9;
	s0 =	simm.s32 @!p0 $0x0  }
0x12: {  	s1 =	sld [smem:$0x3F96];
	s0 =	simm.s32 @p0 $0x1  }
0x13: {  	[smem:$0x3FB1] =	sst s0;
	s0 =	simm.s32 @!p1 $0x0  }
0x14: {  	s2 =	sld [smem:$0x3F95];
	s0 =	simm.s32 @p1 $0x1  }
0x15: {  	[smem:$0x3FB2] =	sst s0;
	s0 =	simm.s32 @!p2 $0x0  }
0x16: {  	s3 =	sld [smem:$0x3FDB];
	s0 =	simm.s32 @p2 $0x1  }
0x17: {  	s4 =	simm.s32 $0x1BF5;
	[smem:$0x3FB4] =	sst s0  }
0x18: {  	s0 =	sld [smem:$0x3F97];
	_ =	swait.ge [sflag:s4], $0x0  }
0x19: {  	s7 =	sld [smem:$0x3F98]  }
0x1a: {  	s8 =	sadd.s32 $0xFFFFE003, lr  }
0x1b: {  	s9 =	sadd.s32 $0xFFFFFEF7, lr;
	s5 =	simm.s32 $0xFFFFFFFF;
	p2 =	slt.u32 s8, $0xFFFFF086  }
0x1c: {  	p1 =	slt.u32 s9, $0xF7A;
	s5 =	simm.s32 @!p2 $0x0  }
0x1d: {  	s5 =	simm.s32 @p1 $0x1;
	p0 =	seq.s32 s7, s2  }
0x1e: {  	s7 =	smul.u32 @!p0 $0xF7A, s2;
	p2 =	seq.s32 @!p0 s5, $0x0  }
0x1f: {  	s9 =	smul.u32 $0xF7A, s1;
	s8 =	simm.s32 @!p0 $0x1BF5;
	p2 =	por !p2, p0  }
0x20: {  	[sflag:s8] =	ssyncset.s32 @!p0 $0xFFFFF086;
	s6 =	sadd.s32 @!p0 s3, s7;
	s7 =	simm.s32 @!p0 $0x108  }
0x21: {  	s3 =	sadd.s32 s3, s9;
	s6 =	sadd.s32 @!p0 $0x88, s6;
	s7 =	simm.s32 @p2 $0x1082  }
0x22: {  	[simem:s7], [sflag:s8] =	dma.local @!p0 [hbm:s6], $0xF7A  }
0x23: {  	s9 =	sor.u32 $0xD0000000, s2;
	s6 =	simm.s32 $0x108;
	_ =	swait.ge @!p0 [sflag:s8], $0x0  }
0x24: {  	s3 =	sadd.s32 $0x88, s3;
	s6 =	simm.s32 @!p1 $0x1082;
	[sflag:s4] =	ssyncset.s32 $0xFFFFF086  }
0x25: {  	[simem:s6], [sflag:s4] =	dma.local [hbm:s3], $0xF7A  }
0x26: {  	[smem:$0x3F98] =	sst s1;
	(tag) =	ssettag s2;
	_ =	strace s9  }
0x27: {  	s1 =	sld [smem:$0x3FA8]  }
0x28: {  	s2 =	sld [smem:$0x3FA9]  }
0x29: {  	s4 =	sld [smem:$0x3FAB]  }
0x2a: {  	p0 =	seq.s32 s5, $0x0;
	s5 =	sld [smem:$0x3FAC]  }
0x2b: {  	s6 =	sld [smem:$0x3FAD]  }
0x2c: {  	s7 =	sld [smem:$0x3FAE]  }
0x2d: {  	s3 =	simm.s32 $0x108;
	s8 =	sld [smem:$0x3FAF]  }
0x2e: {  	s3 =	simm.s32 @!p0 $0x1082;
	s9 =	sld [smem:$0x3FB0]  }
0x2f: {  	lr =	sadd.s32 s0, s3;
	s0 =	sld [smem:$0x3FA7]  }
0x30: {  	s3 =	sld [smem:$0x3FAA]  }
0x31: {  	[smem:$0x3FB3] =	sst s10  }
0x32: {  	s10 =	sld [smem:$0x3FB1];
	_ =	sdelay $0x3  }
0x33: {  	p0 =	seq.s32 s10, $0x1;
	s10 =	sld [smem:$0x3FB3];
	_ =	sdelay $0x3  }
0x34: {  	[smem:$0x3FB3] =	sst s10  }
0x35: {  	s10 =	sld [smem:$0x3FB2];
	_ =	sdelay $0x3  }
0x36: {  	p1 =	seq.s32 s10, $0x1;
	s10 =	sld [smem:$0x3FB3];
	_ =	sdelay $0x3  }
0x37: {  	[smem:$0x3FB3] =	sst s10  }
0x38: {  	s10 =	sld [smem:$0x3FB4]  }
0x39: {  	_ = 	snop;
	(pc) =	sbr.ind lr, $3  }
0x3a: {  	_ = 	snop  }
0x3b: {  	_ = 	snop  }
0x3c: {  	p2 =	seq.s32 s10, $0x1;
	s10 =	sld [smem:$0x3FB3]  }
0x3d: {  	_ =	shalt  }
0x3e: {  	_ =	shalt  }
0x3f: {  	_ =	shalt  }
0x40: {  	_ =	shalt  }
0x41: {  	_ =	shalt  }
0x42: {  	_ =	shalt  }
0x43: {  	_ =	shalt  }
0x44: {  	_ =	shalt  }
0x45: {  	_ =	shalt  }
0x46: {  	_ =	shalt  }
0x47: {  	_ =	shalt  }
0x48: {  	_ =	shalt  }
0x49: {  	_ =	shalt  }
0x4a: {  	_ =	shalt  }
0x4b: {  	_ =	shalt  }
0x4c: {  	_ =	shalt  }
0x4d: {  	_ =	shalt  }
0x4e: {  	_ =	shalt  }
0x4f: {  	_ =	shalt  }
0x50: {  	_ =	shalt  }
0x51: {  	_ =	shalt  }
0x52: {  	_ =	shalt  }
0x53: {  	_ =	shalt  }
0x54: {  	_ =	shalt  }
0x55: {  	_ =	shalt  }
0x56: {  	_ =	shalt  }
0x57: {  	_ =	shalt  }
0x58: {  	_ =	shalt  }
0x59: {  	_ =	shalt  }
0x5a: {  	_ =	shalt  }
0x5b: {  	_ =	shalt  }
0x5c: {  	_ =	shalt  }
0x5d: {  	_ =	shalt  }
0x5e: {  	_ =	shalt  }
0x5f: {  	_ =	shalt  }
0x60: {  	_ =	shalt  }
0x61: {  	_ =	shalt  }
0x62: {  	_ =	shalt  }
0x63: {  	_ =	shalt  }
0x64: {  	_ =	shalt  }
0x65: {  	_ =	shalt  }
0x66: {  	_ =	shalt  }
0x67: {  	_ =	shalt  }
0x68: {  	_ =	shalt  }
0x69: {  	_ =	shalt  }
0x6a: {  	_ =	shalt  }
0x6b: {  	_ =	shalt  }
0x6c: {  	_ =	shalt  }
0x6d: {  	_ =	shalt  }
0x6e: {  	_ =	shalt  }
0x6f: {  	_ =	shalt  }
0x70: {  	_ =	shalt  }
0x71: {  	_ =	shalt  }
0x72: {  	_ =	shalt  }
0x73: {  	_ =	shalt  }
0x74: {  	_ =	shalt  }
0x75: {  	_ =	shalt  }
0x76: {  	_ =	shalt  }
0x77: {  	_ =	shalt  }
0x78: {  	_ =	shalt  }
0x79: {  	_ =	shalt  }
0x7a: {  	_ =	shalt  }
0x7b: {  	_ =	shalt  }
0x7c: {  	_ =	shalt  }
0x7d: {  	_ =	shalt  }
0x7e: {  	_ =	shalt  }
0x7f: {  	_ =	shalt  }
0x80: {  	_ =	shalt  }
0x81: {  	_ =	shalt  }
0x82: {  	_ =	shalt  }
0x83: {  	_ =	shalt  }
0x84: {  	_ =	shalt  }
0x85: {  	_ =	shalt  }
0x86: {  	_ =	shalt  }
0x87: {  	_ =	shalt  }
.Lfunc_end0:
.L_simem_size_0:
called_computation.2_lowered:
.L_overlay_start_0:
0x88: {  	s2 =	sld [smem:$0x3FD9]  }
0x89: {  	s3 =	sld [smem:$0x3FFE];
	_ =	sdelay $0x1  }
0x8a: {  	s1 =	srdreg.scid  }
0x8b: {  	s0 =	sand.u32 $0x1, s1  }
0x8c: {  	s17 =	sshll.u32 s0, $0xA;
	s2 =	sadd.s32 s3, s2  }
0x8d: {  	s2 =	sadd.s32 s2, s17  }
0x8e: {  	[smem:$0x3FBF] =	sst s2  }
0x8f: {  	_ = 	snop  }
0x90: {  	s2 =	sld [smem:$0x3FD0];
	(tm) =	ssettm $0x1  }
0x91: {  	s18 =	sld [smem:$0x3FFB];
	_ =	sdelay $0x3  }
0x92: {  	_ =	strace s18  }
0x93: {  	s3 =	sld [smem:$0x3FFC];
	_ =	sdelay $0x3  }
0x94: {  	_ =	strace s3  }
0x95: {  	s3 =	sld [smem:$0x3FFD];
	_ =	sdelay $0x3  }
0x96: {  	_ =	strace s3  }
0x97: {  	_ =	strace $0x8FFFFFFF  }
0x98: {  	s19 =	sld [smem:$0x3FDB];
	_ =	sdelay $0x1  }
0x99: {  	s4 =	simm.s32 $_scs_section_size  }
0x9a: {  	s5 =	simm.s32 $_size__tile_overlayer_lowered;
	s6 =	simm.s32 $_tile_overlayer_lowered  }
0x9b: {  	s22 =	simm.s32 $0x1BFF;
	s21 =	sshll.u32 s6, $0x1;
	s3 =	sadd.s32 s4, s19  }
0x9c: {  	s7 =	simm.s32 $0x0;
	s20 =	sshll.u32 s5, $0x1;
	s5 =	sadd.s32 s21, s3  }
0x9d: {  	[timem:s7], [sflag:s22] =	dma.local [hbm:s5], s20  }
0x9e: {  	_ =	swait.ge [sflag:s22], s20  }
0x9f: {  	s4 =	ssub.s32 $0x0, s20;
	[sflag:s22] =	ssyncset.done $0x0  }
0xa0: {  	[sflag:s22] =	ssyncadd.s32 s4;
	_ =	sdelay $0x1  }
0xa1: {  	s23 =	simm.s32 $0x1B8B  }
0xa2: {  	_ =	swait.ge [sflag:s23], $0x1  }
0xa3: {  	[sflag:s23] =	ssyncset.done $0x0  }
0xa4: {  	s25 =	simm.s32 $0x1B8E;
	s24 =	sld [smem:$0x3FFE];
	[sflag:s23] =	ssyncadd.s32 $0xFFFFFFFF  }
0xa5: {  	s26 =	simm.s32 $execute0_lowered;
	[smem:$0x3FD2] =	sst s25  }
0xa6: {  	s5 =	sshll.u32 s26, $0x1;
	_ =	strace $0x8000004C;
	[dreg:$0x1] =	wrdreg $0xFFFFFFFF  }
0xa7: {  	s28 =	simm.s32 $_size_execute0_lowered;
	s3 =	sadd.s32 s3, s5;
	[dreg:$0x0] =	wrdreg $0x0  }
0xa8: {  	s5 =	sshll.u32 s28, $0x1;
	[dreg:$0x2] =	wrdreg s3  }
0xa9: {  	[dreg:$0x3] =	wrdreg s5  }
0xaa: {  	[dreg:$0x4] =	wrdreg $0xC0  }
0xab: {  	_ =	task [dreg:s7], $0x5FFFF  }
0xac: {  	[dreg:$0x1] =	wrdreg $0xFFFFFFFF  }
0xad: {  	[dreg:$0x0] =	wrdreg $0x60  }
0xae: {  	[dreg:$0x2] =	wrdreg s24  }
0xaf: {  	[dreg:$0x3] =	wrdreg s2  }
0xb0: {  	[dreg:$0x4] =	wrdreg $0xB8000  }
0xb1: {  	[dreg:$0x5] =	wrdreg $0x9  }
0xb2: {  	_ =	task.clear_ibuf [dreg:s7], $0x6FFFF;
	_ =	strace $0x9000004C  }
0xb3: {  	s29 =	simm.s32 $0x9;
	_ =	strace $0x8000004E  }
0xb4: {  	_ =	swait.ge [sflag:s29], $0x1  }
0xb5: {  	[sflag:s29] =	ssyncadd.s32 $0xFFFFFFFF  }
0xb6: {  	_ =	strace $0x9000004E  }
0xb7: {  	_ =	sfence  }
0xb8: {  	s30 =	sld [smem:$0x0];
	_ =	sdelay $0x2  }
0xb9: {  	s31 =	sshll.u32 s1, $0xD;
	s1 =	sshrl.u32 s1, $0x2  }
0xba: {  	s3 =	sand.u32 $0x4000, s31;
	s1 =	sadd.s32 s1, s30  }
0xbb: {  	s0 =	sor.u32 s3, s0;
	s1 =	sshll.u32 s1, $0x11  }
0xbc: {  	s0 =	sor.u32 s1, s0  }
0xbd: {  	s0 =	sadd.s32 $0x8F2B, s0  }
0xbe: {  	[sflag:s0] =	ssyncadd.remote.s32 $0x1  }
0xbf: {  	_ =	sfence.sel $0xFFFF  }
0xc0: {  	[dreg:$0x0] =	wrdreg $0xFFFFFFFF;
	(pc) =	sbr.abs _section_cstart, $3  }
0xc1: {  	[dreg:$0x1] =	wrdreg $0xFFFFFFFF  }
0xc2: {  	_ =	task.clear_ibuf [dreg:s7], $0x2FFFF;
	_ =	strace $0x9FFFFFFF  }
0xc3: {  	(tm) =	ssettm $0x7FFFFFFF  }
tec
execute0_lowered:
.L_overlay_start_1:
0x0: {  	(tag) =	ssettag $0x1  }
0x1: {  	s0 =	rddreg [dreg:$0x0]  }
0x2: {  	s1 =	rddreg [dreg:$0x1]  }
0x3: {  	s2 =	rddreg [dreg:$0x2];
	s3 =	srdreg.scid;
	s4 =	simm.s32 $0x0  }
0x4: {  	s23 =	stileid.u32;
	s15 =	simm.s32 $0x8;
	s17 =	simm.s32 $0x70  }
0x5: {  	s18 =	simm.s32 $0x1000;
	s20 =	simm.s32 $0x4800;
	s21 =	simm.s32 $0x2  }
0x6: {  	s22 =	simm.s32 $0x8000;
	s28 =	simm.s32 $0x7;
	s29 =	simm.s32 $0x0  }
0x7: {  	s7 =	sand.u32 $0x1, s3;
	[smem:$0x7FF] =	sst s4;
	s9 =	smul.u32 $0x14000, s23  }
0x8: {  	s5 =	sadd.s32 $0x11400, s0;
	s6 =	sadd.s32 $0x61C00, s0;
	s26 =	smul.u32 $0x50000, s23  }
0x9: {  	s30 =	sshll.u32 s23, $0x6;
	s8 =	smul.u32 $0x140000, s7;
	s24 =	sshll.u32 s7, $0x4  }
0xa: {  	_ =	strace $0x8000004D;
	s10 =	ssub.s32 $0x2, s7;
	s25 =	sor.u32 s23, s24  }
0xb: {  	s12 =	sshrl.u32 s10, $0x1;
	s23 =	simm.s32 $0x3;
	s24 =	simm.s32 $0x5  }
0xc: {  	s8 =	sadd.s32 s9, s8;
	s7 =	smul.u32 $0x3C00, s25;
	s13 =	ssub.s32 s10, s12  }
.Ltmp0:
0xd: {  	s9 =	sshrl.u32 s26, $0x2;
	s25 =	simm.s32 $0x4;
	(pc) =	sbr.rel .LBB2_1-.Ltmp0, $4  }
0xe: {  	s26 =	simm.s32 $0x6;
	s11 =	sshrl.u32 s8, $0x3;
	s8 =	sadd.s32 $0xEC00, s0  }
0xf: {  	s14 =	sadd.s32 s9, s2;
	s9 =	sor.u32 $0x1C08, s30;
	s13 =	smax.u32 s13, $0x1  }
0x10: {  	s0 =	sadd.s32 s11, s0;
	s31 =	sshrl.u32 s7, $0x3;
	s14 =	sshrl.u32 s14, $0x3  }
0x11: {  	s10 =	sadd.s32 s1, s31;
	s11 =	sadd.s32 s6, s31;
	s12 =	sadd.s32 $0x70C00, s0  }
.LBB2_6:
0x12: {  	_ =	swait.ge [sflag:s28], $0x3800  }
0x13: {  	s29 =	sadd.s32 $0x1, s29;
	[sflag:s28] =	ssyncset.done $0x0  }
0x14: {  	p0 =	sne.s32 s29, s13;
	[sflag:s28] =	ssyncadd.s32 $0xFFFFC800  }
.Ltmp1:
0x15: {  	[bflag:$0x0] =	sbarrier.arrive $0xFFFF;
	(pc) =	sbr.rel @!p0 .LBB2_7-.Ltmp1, $4  }
0x16: {  	[hbm:s12], [sflag:s9] =	dma.local [spmem:s14], $0x2800  }
0x17: {  	_ =	swait.ge [sflag:s15], $0x2800  }
0x18: {  	[sflag:s15] =	ssyncset.done $0x0  }
0x19: {  	[sflag:s15] =	ssyncadd.s32 $0xFFFFD800  }
.LBB2_1:
0x1a: {  	[spmem:s14], [sflag:s9] =	dma.local [hbm:s8], $0x2800  }
0x1b: {  	_ =	swait.ge [sflag:s15], $0x2800  }
0x1c: {  	[sflag:s15] =	ssyncset.done $0x0  }
0x1d: {  	[sflag:s15] =	ssyncadd.s32 $0xFFFFD800  }
0x1e: {  	[tilespmem:s4], [sflag:$0x8] =	stream.linear.gather [hbm4b:s10+s4], $0x300, $0x38;
	[tilespmem:$0x1F800] =	vst v63  }
0x1f: {  	_ =	swait.ge [sflag:s15], $0x300  }
0x20: {  	[sflag:s15] =	ssyncset.done $0x0  }
0x21: {  	s0 =	simm.s32 $0x800;
	[sflag:s15] =	ssyncadd.s32 $0xFFFFFD00  }
0x22: {  	[tilespmem:s0], [sflag:$0x8] =	stream.linear.gather [hbm4b:s11+s4], $0x300, $0x38;
	[tilespmem:$0x1F800] =	vst v63  }
0x23: {  	_ =	swait.ge [sflag:s15], $0x300  }
0x24: {  	[sflag:s15] =	ssyncset.done $0x0  }
0x25: {  	[sflag:s15] =	ssyncadd.s32 $0xFFFFFD00  }
0x26: {  	[tilespmem:s18], [sflag:$0x2] =	stream.indirect.gather [hbm4b:s5+s17], $0x80, s4, s17, $0xb8;
	[tilespmem:$0x1F800] =	vst v63  }
.Ltmp2:
0x27: {  	_ = 	snop;
	(pc) =	sbr.rel .LBB2_2-.Ltmp2, $4  }
0x28: {  	s31 =	simm.s32 $0x80  }
0x29: {  	[tilespmem:s20], [sflag:$0x3] =	stream.indirect.gather [hbm4b:s5+s17], $0x80, s31, s17, $0xb8;
	[tilespmem:$0x1F800] =	vst v63  }
0x2a: {  	[bflag:$0x0] =	sbarrier.arrive $0xFFFF  }
0x2b: {  	s30 =	simm.s32 $0x0  }
.LBB2_4:
0x2c: {  	s30 =	sadd.s32 @!p0 $0x1, s30  }
0x2d: {  	s30 =	simm.s32 @p0 $0x1  }
0x2e: {  	s3 =	sshll.u32 s30, $0xA  }
0x2f: {  	s3 =	sadd.s32 s7, s3  }
0x30: {  	s3 =	sshrl.u32 s3, $0x3  }
0x31: {  	s16 =	sshll.u32 s31, $0xA;
	s19 =	sadd.s32 s1, s3  }
0x32: {  	[tilespmem:s16], [sflag:$0x1] =	stream.linear.gather [hbm4b:s19+s4], $0x300, $0x38;
	[tilespmem:$0x1F800] =	vst v63  }
0x33: {  	p0 =	por $0x0, $0x0;
	s3 =	sadd.s32 s6, s3;
	s16 =	sor.u32 $0x800, s16  }
0x34: {  	[tilespmem:s16], [sflag:$0x1] =	stream.linear.gather [hbm4b:s3+s4], $0x300, $0x38;
	[tilespmem:$0x1F800] =	vst v63  }
.LBB2_5:
0x35: {  	s3 =	sor.u32 $0x100, s0  }
0x36: {  	[tilespmem:s22], [sflag:$0x4] =	stream.indirect.gather [hbm4b:s5+s17], $0x80, s3, s17, $0xb8;
	[tilespmem:$0x1F800] =	vst v63  }
0x37: {  	_ =	swait.ge [sflag:s23], $0x3800  }
0x38: {  	[sflag:s23] =	ssyncset.done $0x0  }
0x39: {  	s16 =	sadd.s32 $0x880, s0;
	[sflag:s23] =	ssyncadd.s32 $0xFFFFC800  }
0x3a: {  	[spmem:s2] =	stream.indirect.scatter.add.f32 [tilespmem:s20], [sflag:$0x6], $0x80, s16, s17, $0xb8;
	[tilespmem:$0x1F800] =	vst v63  }
0x3b: {  	_ =	swait.ge [sflag:s24], $0x3800  }
0x3c: {  	[sflag:s24] =	ssyncset.done $0x0  }
0x3d: {  	s19 =	sor.u32 $0x180, s0;
	[sflag:s24] =	ssyncadd.s32 $0xFFFFC800  }
0x3e: {  	[tilespmem:s18], [sflag:$0x2] =	stream.indirect.gather [hbm4b:s5+s17], $0x80, s19, s17, $0xb8;
	[tilespmem:$0x1F800] =	vst v63  }
0x3f: {  	_ =	swait.ge [sflag:s25], $0x3800  }
0x40: {  	[sflag:s25] =	ssyncset.done $0x0  }
0x41: {  	s16 =	sor.u32 $0x900, s0;
	[sflag:s25] =	ssyncadd.s32 $0xFFFFC800  }
0x42: {  	[spmem:s2] =	stream.indirect.scatter.add.f32 [tilespmem:s22], [sflag:$0x7], $0x80, s16, s17, $0xb8;
	[tilespmem:$0x1F800] =	vst v63  }
0x43: {  	_ =	swait.ge [sflag:s26], $0x3800  }
0x44: {  	[sflag:s26] =	ssyncset.done $0x0  }
0x45: {  	s19 =	sor.u32 $0x200, s0;
	[sflag:s26] =	ssyncadd.s32 $0xFFFFC800  }
0x46: {  	[tilespmem:s20], [sflag:$0x3] =	stream.indirect.gather [hbm4b:s5+s17], $0x80, s19, s17, $0xb8;
	[tilespmem:$0x1F800] =	vst v63  }
0x47: {  	_ =	swait.ge [sflag:s21], $0x3800  }
0x48: {  	[sflag:s21] =	ssyncset.done $0x0  }
0x49: {  	s16 =	sor.u32 $0x980, s0;
	[sflag:s21] =	ssyncadd.s32 $0xFFFFC800  }
0x4a: {  	[spmem:s2] =	stream.indirect.scatter.add.f32 [tilespmem:s18], [sflag:$0x5], $0x80, s16, s17, $0xb8;
	[tilespmem:$0x1F800] =	vst v63  }
0x4b: {  	_ =	swait.ge [sflag:s28], $0x3800  }
0x4c: {  	[sflag:s28] =	ssyncset.done $0x0  }
0x4d: {  	s3 =	sor.u32 $0x280, s0;
	[sflag:s28] =	ssyncadd.s32 $0xFFFFC800  }
0x4e: {  	[tilespmem:s22], [sflag:$0x4] =	stream.indirect.gather [hbm4b:s5+s17], $0x80, s3, s17, $0xb8;
	[tilespmem:$0x1F800] =	vst v63  }
0x4f: {  	_ =	swait.ge [sflag:s23], $0x3800  }
0x50: {  	[sflag:s23] =	ssyncset.done $0x0  }
0x51: {  	s19 =	sor.u32 $0xA00, s0;
	[sflag:s23] =	ssyncadd.s32 $0xFFFFC800  }
0x52: {  	[spmem:s2] =	stream.indirect.scatter.add.f32 [tilespmem:s20], [sflag:$0x6], $0x80, s19, s17, $0xb8;
	[tilespmem:$0x1F800] =	vst v63  }
0x53: {  	_ =	swait.ge [sflag:s24], $0x3800  }
0x54: {  	[sflag:s24] =	ssyncset.done $0x0  }
0x55: {  	s0 =	simm.s32 @p0 $0x4;
	[sflag:s24] =	ssyncadd.s32 $0xFFFFC800  }
0x56: {  	_ =	swait.ge @p0 [sflag:s0], $0x3800  }
0x57: {  	s16 =	simm.s32 @p0 $0x70;
	[sflag:s0] =	ssyncset.done @p0 $0x0  }
0x58: {  	s19 =	simm.s32 @p0 $0x8000;
	[sflag:s0] =	ssyncadd.s32 @p0 $0xFFFFC800;
	s0 =	sor.u32 @p0 $0x800, s3  }
0x59: {  	[spmem:s2] =	stream.indirect.scatter.add.f32 @p0 [tilespmem:s19], [sflag:$0x7], $0x80, s0, s16, $0xb8;
	[tilespmem:$0x1F800] =	vst v63  }
0x5a: {  	s0 =	simm.s32 @p0 $0x6  }
0x5b: {  	_ =	swait.ge @p0 [sflag:s0], $0x3800  }
0x5c: {  	[sflag:s0] =	ssyncset.done @p0 $0x0  }
0x5d: {  	[sflag:s0] =	ssyncadd.s32 @p0 $0xFFFFC800;
	s0 =	simm.s32 @!p0 $0x1  }
0x5e: {  	_ =	swait.ge @!p0 [sflag:s0], $0x300  }
0x5f: {  	[sflag:s0] =	ssyncset.done @!p0 $0x0  }
0x60: {  	[sflag:s0] =	ssyncadd.s32 @!p0 $0xFFFFFD00  }
0x61: {  	_ =	swait.ge @!p0 [sflag:s0], $0x300  }
0x62: {  	s16 =	simm.s32 @!p0 $0x70;
	[sflag:s0] =	ssyncset.done @!p0 $0x0  }
0x63: {  	s19 =	simm.s32 @!p0 $0x1000;
	[sflag:s0] =	ssyncadd.s32 @!p0 $0xFFFFFD00;
	s0 =	sshll.u32 @!p0 s31, $0xA  }
0x64: {  	[tilespmem:s19], [sflag:$0x2] =	stream.indirect.gather @!p0 [hbm4b:s5+s16], $0x80, s0, s16, $0xb8;
	[tilespmem:$0x1F800] =	vst v63  }
0x65: {  	s19 =	simm.s32 @!p0 $0x4  }
0x66: {  	_ =	swait.ge @!p0 [sflag:s19], $0x3800  }
0x67: {  	[sflag:s19] =	ssyncset.done @!p0 $0x0  }
0x68: {  	s3 =	sor.u32 @!p0 $0x800, s3;
	[sflag:s19] =	ssyncadd.s32 @!p0 $0xFFFFC800;
	s19 =	simm.s32 @!p0 $0x8000  }
0x69: {  	[spmem:s2] =	stream.indirect.scatter.add.f32 @!p0 [tilespmem:s19], [sflag:$0x7], $0x80, s3, s16, $0xb8;
	[tilespmem:$0x1F800] =	vst v63  }
0x6a: {  	s3 =	simm.s32 @!p0 $0x6  }
0x6b: {  	_ =	swait.ge @!p0 [sflag:s3], $0x3800  }
0x6c: {  	[sflag:s3] =	ssyncset.done @!p0 $0x0  }
0x6d: {  	s0 =	sor.u32 @!p0 $0x80, s0;
	[sflag:s3] =	ssyncadd.s32 @!p0 $0xFFFFC800;
	s3 =	simm.s32 @!p0 $0x4800  }
0x6e: {  	[tilespmem:s3], [sflag:$0x3] =	stream.indirect.gather @!p0 [hbm4b:s5+s16], $0x80, s0, s16, $0xb8;
	[tilespmem:$0x1F800] =	vst v63  }
0x6f: {  	p0 =	slt.u32 s30, $0xF  }
.Ltmp3:
0x70: {  	_ = 	snop;
	(pc) =	sbr.rel @!p0 .LBB2_6-.Ltmp3, $1  }
0x71: {  	_ =	sdelay $0x3  }
.LBB2_2:
0x72: {  	s31 =	sand.u32 $0x1, s30;
	_ =	swait.ge [sflag:s21], $0x3800;
	p0 =	seq.s32 s30, $0x0  }
0x73: {  	[sflag:s21] =	ssyncset.done $0x0;
	s0 =	sshll.u32 s31, $0xA;
	p1 =	seq.s32 @!p0 s30, $0xE  }
0x74: {  	[sflag:s21] =	ssyncadd.s32 $0xFFFFC800;
	s3 =	sor.u32 $0x800, s0;
	p1 =	por p0, !p1  }
0x75: {  	[spmem:s2] =	stream.indirect.scatter.add.f32 [tilespmem:s18], [sflag:$0x5], $0x80, s3, s17, $0xb8;
	[tilespmem:$0x1F800] =	vst v63  }
.Ltmp4:
0x76: {  	_ = 	snop;
	(pc) =	sbr.rel @p1 .LBB2_4-.Ltmp4, $4  }
0x77: {  	s3 =	simm.s32 @!p0 $0x7  }
0x78: {  	_ =	swait.ge @!p0 [sflag:s3], $0x3800  }
0x79: {  	[sflag:s3] =	ssyncset.done @!p0 $0x0  }
0x7a: {  	s31 =	sxor.u32 $0x1, s31;
	[sflag:s3] =	ssyncadd.s32 @!p0 $0xFFFFC800  }
.Ltmp5:
0x7b: {  	(pc) =	sbr.rel .LBB2_5-.Ltmp5, $2  }
0x7c: {  	_ =	sdelay $0x2  }
0x7d: {  	s30 =	simm.s32 @!p0 $0xF;
	p0 =	por @!p0 $0x1, $0x1  }
.LBB2_7:
0x7e: {  	_ =	sfence.sel $0x180000  }
0x7f: {  	[bflag:$0x0] =	sbarrier.arrive $0xFFFF  }
0x80: {  	_ =	strace $0x9000004D  }
0x81: {  	s0 =	stileid.u32;
	[bflag:$0x2] =	sbarrier.arrive $0xFFFF  }
0x82: {  	p0 =	sne.s32 s0, $0x0;
	s0 =	rddreg [dreg:$0x3]  }
0x83: {  	s0 =	sadd.s32 @!p0 $0x100000, s0  }
0x84: {  	[sflag:s0] =	ssyncadd.tile.s32 @!p0 $0x1;
	_ =	shalt  }
.Lfunc_end2:
_tile_overlayer_lowered:
.L_overlay_start_2:
0x85: {  	(tag) =	ssettag $0x2  }
0x86: {  	s0 =	rddreg [dreg:$0x0];
	s2 =	stileid.u32  }
0x87: {  	s1 =	rddreg [dreg:$0x1];
	p0 =	sne.s32 s2, $0x0  }
0x88: {  	s3 =	rddreg [dreg:$0x2];
	[bflag:$0x3] =	sbarrier.arrive $0xFFFF;
	s2 =	simm.s32 @!p0 $0x1C08  }
0x89: {  	[timem:s3], [sflag:s2] =	dma.local @!p0 [hbm:s0], s1  }
0x8a: {  	s0 =	simm.s32 @!p0 $0x8  }
0x8b: {  	_ =	swait.ge @!p0 [sflag:s0], s1  }
0x8c: {  	s1 =	ssub.s32 @!p0 $0x0, s1;
	[sflag:s0] =	ssyncset.done @!p0 $0x0  }
0x8d: {  	[sflag:s0] =	ssyncadd.s32 @!p0 s1  }
0x8e: {  	[bflag:$0x3] =	sbarrier.arrive $0xFFFF  }
0x8f: {  	_ =	shalt  }

// kernel: kernel.9.cloned.1.call-start
scs
__scs_entry_jumppad:
0x0: {  	(pc) =	sbr.rel $0x88, $3  }
0x1: {  	(tag) =	ssettag $0x0;
	lr =	simm.s32 $0x1  }
0x2: {  	[smem:$0x3F98] =	sst lr;
	_ =	strace $0xD0000000  }
0x3: {  	_ = 	snop  }
0x4: {  	_ = 	snop  }
0x5: {  	_ = 	snop  }
0x6: {  	_ = 	snop  }
0x7: {  	_ = 	snop  }
__scs_overlays_trampoline_lowered:
0x8: {  	[smem:$0x3FA7] =	sst s0  }
0x9: {  	[smem:$0x3FA8] =	sst s1  }
0xa: {  	[smem:$0x3FA9] =	sst s2  }
0xb: {  	[smem:$0x3FAA] =	sst s3  }
0xc: {  	[smem:$0x3FAB] =	sst s4  }
0xd: {  	[smem:$0x3FAC] =	sst s5  }
0xe: {  	[smem:$0x3FAD] =	sst s6  }
0xf: {  	[smem:$0x3FAE] =	sst s7  }
0x10: {  	[smem:$0x3FAF] =	sst s8  }
0x11: {  	[smem:$0x3FB0] =	sst s9;
	s0 =	simm.s32 @!p0 $0x0  }
0x12: {  	s1 =	sld [smem:$0x3F96];
	s0 =	simm.s32 @p0 $0x1  }
0x13: {  	[smem:$0x3FB1] =	sst s0;
	s0 =	simm.s32 @!p1 $0x0  }
0x14: {  	s2 =	sld [smem:$0x3F95];
	s0 =	simm.s32 @p1 $0x1  }
0x15: {  	[smem:$0x3FB2] =	sst s0;
	s0 =	simm.s32 @!p2 $0x0  }
0x16: {  	s3 =	sld [smem:$0x3FDB];
	s0 =	simm.s32 @p2 $0x1  }
0x17: {  	s4 =	simm.s32 $0x1BF5;
	[smem:$0x3FB4] =	sst s0  }
0x18: {  	s0 =	sld [smem:$0x3F97];
	_ =	swait.ge [sflag:s4], $0x0  }
0x19: {  	s7 =	sld [smem:$0x3F98]  }
0x1a: {  	s8 =	sadd.s32 $0xFFFFE003, lr  }
0x1b: {  	s9 =	sadd.s32 $0xFFFFFEF7, lr;
	s5 =	simm.s32 $0xFFFFFFFF;
	p2 =	slt.u32 s8, $0xFFFFF086  }
0x1c: {  	p1 =	slt.u32 s9, $0xF7A;
	s5 =	simm.s32 @!p2 $0x0  }
0x1d: {  	s5 =	simm.s32 @p1 $0x1;
	p0 =	seq.s32 s7, s2  }
0x1e: {  	s7 =	smul.u32 @!p0 $0xF7A, s2;
	p2 =	seq.s32 @!p0 s5, $0x0  }
0x1f: {  	s9 =	smul.u32 $0xF7A, s1;
	s8 =	simm.s32 @!p0 $0x1BF5;
	p2 =	por !p2, p0  }
0x20: {  	[sflag:s8] =	ssyncset.s32 @!p0 $0xFFFFF086;
	s6 =	sadd.s32 @!p0 s3, s7;
	s7 =	simm.s32 @!p0 $0x108  }
0x21: {  	s3 =	sadd.s32 s3, s9;
	s6 =	sadd.s32 @!p0 $0x88, s6;
	s7 =	simm.s32 @p2 $0x1082  }
0x22: {  	[simem:s7], [sflag:s8] =	dma.local @!p0 [hbm:s6], $0xF7A  }
0x23: {  	s9 =	sor.u32 $0xD0000000, s2;
	s6 =	simm.s32 $0x108;
	_ =	swait.ge @!p0 [sflag:s8], $0x0  }
0x24: {  	s3 =	sadd.s32 $0x88, s3;
	s6 =	simm.s32 @!p1 $0x1082;
	[sflag:s4] =	ssyncset.s32 $0xFFFFF086  }
0x25: {  	[simem:s6], [sflag:s4] =	dma.local [hbm:s3], $0xF7A  }
0x26: {  	[smem:$0x3F98] =	sst s1;
	(tag) =	ssettag s2;
	_ =	strace s9  }
0x27: {  	s1 =	sld [smem:$0x3FA8]  }
0x28: {  	s2 =	sld [smem:$0x3FA9]  }
0x29: {  	s4 =	sld [smem:$0x3FAB]  }
0x2a: {  	p0 =	seq.s32 s5, $0x0;
	s5 =	sld [smem:$0x3FAC]  }
0x2b: {  	s6 =	sld [smem:$0x3FAD]  }
0x2c: {  	s7 =	sld [smem:$0x3FAE]  }
0x2d: {  	s3 =	simm.s32 $0x108;
	s8 =	sld [smem:$0x3FAF]  }
0x2e: {  	s3 =	simm.s32 @!p0 $0x1082;
	s9 =	sld [smem:$0x3FB0]  }
0x2f: {  	lr =	sadd.s32 s0, s3;
	s0 =	sld [smem:$0x3FA7]  }
0x30: {  	s3 =	sld [smem:$0x3FAA]  }
0x31: {  	[smem:$0x3FB3] =	sst s10  }
0x32: {  	s10 =	sld [smem:$0x3FB1];
	_ =	sdelay $0x3  }
0x33: {  	p0 =	seq.s32 s10, $0x1;
	s10 =	sld [smem:$0x3FB3];
	_ =	sdelay $0x3  }
0x34: {  	[smem:$0x3FB3] =	sst s10  }
0x35: {  	s10 =	sld [smem:$0x3FB2];
	_ =	sdelay $0x3  }
0x36: {  	p1 =	seq.s32 s10, $0x1;
	s10 =	sld [smem:$0x3FB3];
	_ =	sdelay $0x3  }
0x37: {  	[smem:$0x3FB3] =	sst s10  }
0x38: {  	s10 =	sld [smem:$0x3FB4]  }
0x39: {  	_ = 	snop;
	(pc) =	sbr.ind lr, $3  }
0x3a: {  	_ = 	snop  }
0x3b: {  	_ = 	snop  }
0x3c: {  	p2 =	seq.s32 s10, $0x1;
	s10 =	sld [smem:$0x3FB3]  }
0x3d: {  	_ =	shalt  }
0x3e: {  	_ =	shalt  }
0x3f: {  	_ =	shalt  }
0x40: {  	_ =	shalt  }
0x41: {  	_ =	shalt  }
0x42: {  	_ =	shalt  }
0x43: {  	_ =	shalt  }
0x44: {  	_ =	shalt  }
0x45: {  	_ =	shalt  }
0x46: {  	_ =	shalt  }
0x47: {  	_ =	shalt  }
0x48: {  	_ =	shalt  }
0x49: {  	_ =	shalt  }
0x4a: {  	_ =	shalt  }
0x4b: {  	_ =	shalt  }
0x4c: {  	_ =	shalt  }
0x4d: {  	_ =	shalt  }
0x4e: {  	_ =	shalt  }
0x4f: {  	_ =	shalt  }
0x50: {  	_ =	shalt  }
0x51: {  	_ =	shalt  }
0x52: {  	_ =	shalt  }
0x53: {  	_ =	shalt  }
0x54: {  	_ =	shalt  }
0x55: {  	_ =	shalt  }
0x56: {  	_ =	shalt  }
0x57: {  	_ =	shalt  }
0x58: {  	_ =	shalt  }
0x59: {  	_ =	shalt  }
0x5a: {  	_ =	shalt  }
0x5b: {  	_ =	shalt  }
0x5c: {  	_ =	shalt  }
0x5d: {  	_ =	shalt  }
0x5e: {  	_ =	shalt  }
0x5f: {  	_ =	shalt  }
0x60: {  	_ =	shalt  }
0x61: {  	_ =	shalt  }
0x62: {  	_ =	shalt  }
0x63: {  	_ =	shalt  }
0x64: {  	_ =	shalt  }
0x65: {  	_ =	shalt  }
0x66: {  	_ =	shalt  }
0x67: {  	_ =	shalt  }
0x68: {  	_ =	shalt  }
0x69: {  	_ =	shalt  }
0x6a: {  	_ =	shalt  }
0x6b: {  	_ =	shalt  }
0x6c: {  	_ =	shalt  }
0x6d: {  	_ =	shalt  }
0x6e: {  	_ =	shalt  }
0x6f: {  	_ =	shalt  }
0x70: {  	_ =	shalt  }
0x71: {  	_ =	shalt  }
0x72: {  	_ =	shalt  }
0x73: {  	_ =	shalt  }
0x74: {  	_ =	shalt  }
0x75: {  	_ =	shalt  }
0x76: {  	_ =	shalt  }
0x77: {  	_ =	shalt  }
0x78: {  	_ =	shalt  }
0x79: {  	_ =	shalt  }
0x7a: {  	_ =	shalt  }
0x7b: {  	_ =	shalt  }
0x7c: {  	_ =	shalt  }
0x7d: {  	_ =	shalt  }
0x7e: {  	_ =	shalt  }
0x7f: {  	_ =	shalt  }
0x80: {  	_ =	shalt  }
0x81: {  	_ =	shalt  }
0x82: {  	_ =	shalt  }
0x83: {  	_ =	shalt  }
0x84: {  	_ =	shalt  }
0x85: {  	_ =	shalt  }
0x86: {  	_ =	shalt  }
0x87: {  	_ =	shalt  }
.Lfunc_end0:
.L_simem_size_0:
called_computation_lowered:
.L_overlay_start_0:
0x88: {  	s2 =	sld [smem:$0x3FD9]  }
0x89: {  	s3 =	sld [smem:$0x3FFE];
	_ =	sdelay $0x1  }
0x8a: {  	s1 =	srdreg.scid  }
0x8b: {  	s0 =	sand.u32 $0x1, s1  }
0x8c: {  	s16 =	sshll.u32 s0, $0xA;
	s2 =	sadd.s32 s3, s2  }
0x8d: {  	s2 =	sadd.s32 s2, s16  }
0x8e: {  	[smem:$0x3FBF] =	sst s2  }
0x8f: {  	_ = 	snop  }
0x90: {  	(tm) =	ssettm $0x1  }
0x91: {  	s17 =	sld [smem:$0x3FFB];
	_ =	sdelay $0x3  }
0x92: {  	_ =	strace s17  }
0x93: {  	s2 =	sld [smem:$0x3FFC];
	_ =	sdelay $0x3  }
0x94: {  	_ =	strace s2  }
0x95: {  	s2 =	sld [smem:$0x3FFD];
	_ =	sdelay $0x3  }
0x96: {  	_ =	strace s2  }
0x97: {  	_ =	strace $0x8FFFFFFF  }
0x98: {  	s18 =	sld [smem:$0x3FDB];
	_ =	sdelay $0x1  }
0x99: {  	s19 =	simm.s32 $_scs_section_size  }
0x9a: {  	s4 =	simm.s32 $_size__tile_overlayer_lowered;
	s5 =	simm.s32 $_tile_overlayer_lowered  }
0x9b: {  	s22 =	simm.s32 $0x1BFF;
	s21 =	sshll.u32 s5, $0x1;
	s2 =	sadd.s32 s19, s18  }
0x9c: {  	s6 =	simm.s32 $0x0;
	s20 =	sshll.u32 s4, $0x1;
	s4 =	sadd.s32 s21, s2  }
0x9d: {  	[timem:s6], [sflag:s22] =	dma.local [hbm:s4], s20  }
0x9e: {  	_ =	swait.ge [sflag:s22], s20  }
0x9f: {  	s3 =	ssub.s32 $0x0, s20;
	[sflag:s22] =	ssyncset.done $0x0  }
0xa0: {  	[sflag:s22] =	ssyncadd.s32 s3;
	_ =	sdelay $0x1  }
0xa1: {  	s23 =	simm.s32 $0x1B8B  }
0xa2: {  	_ =	swait.ge [sflag:s23], $0x1  }
0xa3: {  	[sflag:s23] =	ssyncset.done $0x0  }
0xa4: {  	s25 =	simm.s32 $0x1B8E;
	s24 =	sld [smem:$0x3FFE];
	[sflag:s23] =	ssyncadd.s32 $0xFFFFFFFF  }
0xa5: {  	s26 =	simm.s32 $execute0_lowered;
	[smem:$0x3FD2] =	sst s25  }
0xa6: {  	s4 =	sshll.u32 s26, $0x1;
	_ =	strace $0x80000046;
	[dreg:$0x1] =	wrdreg $0xFFFFFFFF  }
0xa7: {  	s28 =	simm.s32 $_size_execute0_lowered;
	s2 =	sadd.s32 s2, s4;
	[dreg:$0x0] =	wrdreg $0x0  }
0xa8: {  	s4 =	sshll.u32 s28, $0x1;
	[dreg:$0x2] =	wrdreg s2  }
0xa9: {  	[dreg:$0x3] =	wrdreg s4  }
0xaa: {  	[dreg:$0x4] =	wrdreg $0xC0  }
0xab: {  	_ =	task [dreg:s6], $0x5FFFF  }
0xac: {  	[dreg:$0x1] =	wrdreg $0xFFFFFFFF  }
0xad: {  	[dreg:$0x0] =	wrdreg $0x60  }
0xae: {  	[dreg:$0x2] =	wrdreg s24  }
0xaf: {  	[dreg:$0x3] =	wrdreg $0x68000  }
0xb0: {  	[dreg:$0x4] =	wrdreg $0x9  }
0xb1: {  	_ =	task.clear_ibuf [dreg:s6], $0x5FFFF;
	_ =	strace $0x90000046  }
0xb2: {  	s29 =	simm.s32 $0x9;
	_ =	strace $0x80000048  }
0xb3: {  	_ =	swait.ge [sflag:s29], $0x1  }
0xb4: {  	[sflag:s29] =	ssyncadd.s32 $0xFFFFFFFF  }
0xb5: {  	_ =	strace $0x90000048  }
0xb6: {  	_ =	sfence  }
0xb7: {  	s30 =	sld [smem:$0x0];
	_ =	sdelay $0x2  }
0xb8: {  	s31 =	sshll.u32 s1, $0xD;
	s1 =	sshrl.u32 s1, $0x2  }
0xb9: {  	s3 =	sand.u32 $0x4000, s31;
	s1 =	sadd.s32 s1, s30  }
0xba: {  	s0 =	sor.u32 s3, s0;
	s1 =	sshll.u32 s1, $0x11  }
0xbb: {  	s0 =	sor.u32 s1, s0  }
0xbc: {  	s0 =	sadd.s32 $0x8F2B, s0  }
0xbd: {  	[sflag:s0] =	ssyncadd.remote.s32 $0x1  }
0xbe: {  	_ =	sfence.sel $0xFFFF  }
0xbf: {  	[dreg:$0x0] =	wrdreg $0xFFFFFFFF;
	(pc) =	sbr.abs _section_cstart, $3  }
0xc0: {  	[dreg:$0x1] =	wrdreg $0xFFFFFFFF  }
0xc1: {  	_ =	task.clear_ibuf [dreg:s6], $0x2FFFF;
	_ =	strace $0x9FFFFFFF  }
0xc2: {  	(tm) =	ssettm $0x7FFFFFFF  }
0xc3: {  	_ =	shalt  }
tec
execute0_lowered:
.L_overlay_start_1:
0x0: {  	(tag) =	ssettag $0x1  }
0x1: {  	s7 =	rddreg [dreg:$0x0]  }
0x2: {  	s0 =	srdreg.scid;
	s2 =	rddreg [dreg:$0x1];
	s3 =	simm.s32 $0x0  }
0x3: {  	s13 =	simm.s32 $0x70;
	s14 =	simm.s32 $0x1;
	s6 =	sand.u32 $0x1, s0  }
0x4: {  	s15 =	simm.s32 $0x0;
	s0 =	stileid.u32;
	s5 =	smul.u32 $0x140000, s6  }
0x5: {  	[smem:$0x7FF] =	sst s3;
	s1 =	sshll.u32 s6, $0x4;
	s8 =	smul.u32 $0x14000, s0  }
0x6: {  	s10 =	smul.u32 $0x50000, s0;
	s6 =	ssub.s32 $0x2, s6;
	s1 =	sor.u32 s0, s1  }
0x7: {  	s11 =	sshll.u32 s0, $0x6;
	s31 =	sshrl.u32 s6, $0x1;
	s4 =	smul.u32 $0x600, s1  }
0x8: {  	s1 =	rddreg [dreg:$0x2];
	_ =	strace $0x80000047;
	s5 =	sadd.s32 s8, s5  }
0x9: {  	s10 =	sshrl.u32 s10, $0x2;
	s12 =	ssub.s32 s6, s31;
	s6 =	sor.u32 $0x1C02, s11  }
0xa: {  	s11 =	simm.s32 $0x2;
	s8 =	sshrl.u32 s5, $0x3;
	s5 =	sadd.s32 $0xEC00, s7  }
0xb: {  	s10 =	sadd.s32 s10, s2;
	s9 =	sadd.s32 s4, s7;
	s4 =	sadd.s32 $0x11400, s7  }
0xc: {  	s8 =	sadd.s32 s8, s7;
	s10 =	sshrl.u32 s10, $0x3;
	s7 =	sadd.s32 $0x2C00, s9  }
0xd: {  	s8 =	sadd.s32 $0x11C00, s8;
	s9 =	smax.u32 s12, $0x1;
	s12 =	simm.s32 $0x3000  }
.LBB2_1:
0xe: {  	[spmem:s10], [sflag:s6] =	dma.local [hbm:s5], $0x2800  }
0xf: {  	_ =	swait.ge [sflag:s11], $0x2800  }
0x10: {  	[sflag:s11] =	ssyncset.done $0x0  }
0x11: {  	[sflag:s11] =	ssyncadd.s32 $0xFFFFD800  }
0x12: {  	[tilespmem:s12], [sflag:$0x2] =	stream.linear.gather [hbm4b:s4+s3], $0x3800, $0x38;
	[tilespmem:$0x1A800] =	vst v63  }
0x13: {  	_ =	swait.ge [sflag:s11], $0x3800  }
0x14: {  	[sflag:s11] =	ssyncset.done $0x0  }
0x15: {  	[sflag:s11] =	ssyncadd.s32 $0xFFFFC800  }
0x16: {  	[tilespmem:s3], [sflag:$0x2] =	stream.linear.gather [hbm4b:s7+s3], $0x2D00, $0x38;
	[tilespmem:$0x1A800] =	vst v63  }
0x17: {  	_ =	swait.ge [sflag:s11], $0x2D00  }
0x18: {  	[sflag:s11] =	ssyncset.done $0x0  }
0x19: {  	[sflag:s11] =	ssyncadd.s32 $0xFFFFD300  }
0x1a: {  	s16 =	simm.s32 $0x0;
	[bflag:$0x0] =	sbarrier.arrive $0xFFFF  }
.LBB2_2:
0x1b: {  	p0 =	sne.s32 s16, $0xB200  }
.Ltmp0:
0x1c: {  	_ = 	snop;
	(pc) =	sbr.rel @p0 .LBB2_2-.Ltmp0, $3  }
0x1d: {  	_ =	sdelay $0x1  }
0x1e: {  	s17 =	sshra.s32 s16, $0x2;
	s16 =	sadd.s32 $0x200, s16  }
0x1f: {  	[spmem:s2] =	stream.indirect.scatter.add.f32 [tilespmem:s12], [sflag:$0x1], $0x80, s17, s13, $0xb8;
	[tilespmem:$0x1A800] =	vst v63  }
0x20: {  	_ =	swait.ge [sflag:s14], $0x3800  }
0x21: {  	s16 =	simm.s32 $0x59;
	[sflag:s14] =	ssyncset.done $0x0  }
.LBB2_4:
0x22: {  	p0 =	sne.s32 s16, $0x1;
	s16 =	sadd.s32 $0xFFFFFFFF, s16;
	[sflag:s14] =	ssyncadd.s32 $0xFFFFC800  }
.Ltmp1:
0x23: {  	(pc) =	sbr.rel @p0 .LBB2_4-.Ltmp1, $3  }
0x24: {  	_ =	sdelay $0x1  }
0x25: {  	_ =	swait.ge [sflag:s14], $0x3800  }
0x26: {  	[sflag:s14] =	ssyncset.done $0x0  }
0x27: {  	s15 =	sadd.s32 $0x1, s15  }
0x28: {  	[sflag:s14] =	ssyncadd.s32 $0xFFFFC800;
	p0 =	sne.s32 s15, s9  }
.Ltmp2:
0x29: {  	[bflag:$0x0] =	sbarrier.arrive $0xFFFF;
	(pc) =	sbr.rel @p0 .LBB2_1-.Ltmp2, $4  }
0x2a: {  	[hbm:s8], [sflag:s6] =	dma.local [spmem:s10], $0x2800  }
0x2b: {  	_ =	swait.ge [sflag:s11], $0x2800  }
0x2c: {  	[sflag:s11] =	ssyncset.done $0x0  }
0x2d: {  	[sflag:s11] =	ssyncadd.s32 $0xFFFFD800  }
0x2e: {  	_ =	sfence.sel $0x180000  }
0x2f: {  	[bflag:$0x0] =	sbarrier.arrive $0xFFFF  }
0x30: {  	p0 =	sne.s32 s0, $0x0;
	_ =	strace $0x90000047  }
0x31: {  	s0 =	sadd.s32 @!p0 $0x100000, s1;
	[bflag:$0x2] =	sbarrier.arrive $0xFFFF  }
0x32: {  	[sflag:s0] =	ssyncadd.tile.s32 @!p0 $0x1;
	_ =	shalt  }
.Lfunc_end2:
_tile_overlayer_lowered:
.L_overlay_start_2:
0x33: {  	(tag) =	ssettag $0x2  }
0x34: {  	s0 =	rddreg [dreg:$0x0];
	s2 =	stileid.u32  }
0x35: {  	s1 =	rddreg [dreg:$0x1];
	p0 =	sne.s32 s2, $0x0  }
0x36: {  	s3 =	rddreg [dreg:$0x2];
	[bflag:$0x3] =	sbarrier.arrive $0xFFFF;
	s2 =	simm.s32 @!p0 $0x1C02  }
0x37: {  	[timem:s3], [sflag:s2] =	dma.local @!p0 [hbm:s0], s1  }
0x38: {  	s0 =	simm.s32 @!p0 $0x2  }
0x39: {  	_ =	swait.ge @!p0 [sflag:s0], s1  }
0x3a: {  	s1 =	ssub.s32 @!p0 $0x0, s1;
	[sflag:s0] =	ssyncset.done @!p0 $0x0  }
0x3b: {  	[sflag:s0] =	ssyncadd.s32 @!p0 s1  }
0x3c: {  	[bflag:$0x3] =	sbarrier.arrive $0xFFFF  }
0x3d: {  	_ =	shalt  }

</sc_bundles>
